<compile_context>
chip_gen: v7x
topology: tpu7x:2x2x1
jax: 0.10.2.dev20260603
libtpu: 0.0.44.dev20260713+nightly
codegen_flags: <defaults>
</compile_context>

<pallas_src>
import functools

import jax
import jax.numpy as jnp
from jax import lax
from jax.experimental import pallas as pl
from jax.experimental.pallas import tpu as pltpu
from jax.experimental.pallas import tpu_sc as plsc

H = 32
NE1 = 1537
DSTRIDE = 1544
SSTRIDE = 5 * DSTRIDE
NSPATIAL = 512
SP_BASE = 5 * SSTRIDE
TBL = SP_BASE + NSPATIAL
B, N = 32, 64
M = B * N * N

NC, NS = 2, 16
NW = NC * NS
M_PER_W = M // NW
CHUNK = 128
NCHUNK = M_PER_W // CHUNK
LOOKUPS = CHUNK * 16
NSTREAM = 16
IDX_ROWS = M * 16 // 128


def _table_body(e_ref, wm_ref, spw_ref, tbl_ref):
    for d in range(5):
        ft = jnp.dot(e_ref[...], wm_ref[d], preferred_element_type=jnp.float32)
        for s in range(5):
            tbl_ref[pl.ds(s * SSTRIDE + d * DSTRIDE, DSTRIDE), :] = (
                ft * (1.0 / (3.0 * (s + 1)))).astype(jnp.bfloat16)
    tbl_ref[pl.ds(SP_BASE, NSPATIAL), :] = spw_ref[...].astype(jnp.bfloat16)


def _build_table(e_pad, wm, spw):
    return pl.pallas_call(
        _table_body,
        out_shape=jax.ShapeDtypeStruct((TBL, H), jnp.bfloat16),
    )(e_pad, wm, spw)


def _idx_body(cat_ref, spx_ref, idx_ref):
    p = lax.broadcasted_iota(jnp.int32, (1, 128), 1) % 16
    sp = spx_ref[...]
    sp_ = jnp.where(sp == 0, 1, sp)
    sp_ = jnp.where(sp_ > 1, sp_ - 1, sp_)
    sp_ = jnp.clip(sp_, 0, 5)
    offs = jnp.where(p == 15, SP_BASE,
                     (p // 3) * DSTRIDE + (sp_ - 1) * SSTRIDE)
    idx_ref[...] = cat_ref[...] + offs


def _build_idx(cat2, spx2):
    n_chunks = 16
    rows = cat2.shape[0] // n_chunks
    return pl.pallas_call(
        _idx_body,
        grid=(n_chunks,),
        in_specs=[
            pl.BlockSpec((rows, 128), lambda c: (c, 0)),
            pl.BlockSpec((rows, 128), lambda c: (c, 0)),
        ],
        out_specs=pl.BlockSpec((rows, 128), lambda c: (c, 0)),
        out_shape=jax.ShapeDtypeStruct(cat2.shape, jnp.int32),
    )(cat2, spx2)


def _sc_body(tbl_hbm, idx_hbm, out_hbm, idx_v, rows_v, out_v,
             semA, semB, semI0, semI1, semO0, semO1):
    wid = lax.axis_index("s") * NC + lax.axis_index("c")
    semG = (semA, semB)
    semI = (semI0, semI1)
    semO = (semO0, semO1)

    def idx_src(g):
        r0 = wid * (NCHUNK * NSTREAM) + g * NSTREAM
        return idx_hbm.at[pl.ds(r0, NSTREAM), :]

    def fire(buf):
        for r in range(NSTREAM):
            pltpu.async_copy(
                tbl_hbm.at[idx_v.at[buf, r]],
                rows_v.at[buf, pl.ds(r * 128, 128)],
                semG[buf],
            )

    def drain_rows(buf):
        pltpu.make_async_copy(
            tbl_hbm.at[pl.ds(0, LOOKUPS)], rows_v.at[buf], semG[buf]).wait()

    def drain_out(buf):
        pltpu.make_async_copy(
            out_v.at[buf], out_hbm.at[pl.ds(0, CHUNK)], semO[buf]).wait()

    def half(g, buf):
        drain_rows(buf)

        @pl.when(g + 2 < NCHUNK)
        def _():
            pltpu.async_copy(idx_src(g + 2), idx_v.at[buf], semI[buf])

        @pl.when(g >= 2)
        def _():
            drain_out(buf)

        def out_body(o, _):
            base = o * 16
            acc = rows_v[buf, base, :]
            for k in range(1, 16):
                acc = acc + rows_v[buf, base + k, :]
            out_v[buf, o, :] = acc
            return 0

        lax.fori_loop(0, CHUNK, out_body, 0)
        m0 = wid * M_PER_W + g * CHUNK
        pltpu.async_copy(out_v.at[buf], out_hbm.at[pl.ds(m0, CHUNK)],
                         semO[buf])

        @pl.when(g + 2 < NCHUNK)
        def _():
            pltpu.make_async_copy(idx_src(0), idx_v.at[buf], semI[buf]).wait()
            fire(buf)

    pltpu.sync_copy(idx_src(0), idx_v.at[0])
    fire(0)
    pltpu.sync_copy(idx_src(1), idx_v.at[1])
    fire(1)

    def body2(i, _):
        half(2 * i, 0)
        half(2 * i + 1, 1)
        return 0

    lax.fori_loop(0, NCHUNK // 2, body2, 0)
    drain_out(0)
    drain_out(1)


def _sc_gather(table, idx2):
    mesh = plsc.VectorSubcoreMesh(core_axis_name="c", subcore_axis_name="s")
    run = pl.kernel(
        _sc_body,
        out_type=jax.ShapeDtypeStruct((M, H), jnp.bfloat16),
        mesh=mesh,
        compiler_params=pltpu.CompilerParams(use_tc_tiling_on_sc=False),
        scratch_types=[
            pltpu.VMEM((2, NSTREAM, 128), jnp.int32),
            pltpu.VMEM((2, LOOKUPS, H), jnp.bfloat16),
            pltpu.VMEM((2, CHUNK, H), jnp.bfloat16),
            pltpu.SemaphoreType.DMA,
            pltpu.SemaphoreType.DMA,
            pltpu.SemaphoreType.DMA,
            pltpu.SemaphoreType.DMA,
            pltpu.SemaphoreType.DMA,
            pltpu.SemaphoreType.DMA,
        ],
    )
    return run(table, idx2)


def _assemble_body(ab_ref, e_ref, gt_ref, out_ref):
    et = e_ref[...].T.reshape(H, N, N).astype(jnp.float32)
    zr = jnp.zeros((H, 1, N), jnp.float32)
    tmp = jnp.concatenate([zr, et], axis=1)
    zc = jnp.zeros((H, N + 1, 1), jnp.float32)
    padded = jnp.concatenate([zc, tmp], axis=2)
    ii = lax.broadcasted_iota(jnp.int32, (H, N + 1, N + 1), 1)
    jj = lax.broadcasted_iota(jnp.int32, (H, N + 1, N + 1), 2)
    t = gt_ref[0, :].reshape(H, 1, 1)
    tfield = jnp.where((ii == 0) | (jj == 0), t, 0.0)
    out_ref[0] = 2.0 * ab_ref[0][None, :, :] + padded + tfield


def _assemble(attn_bias, eout, graph_token_w):
    return pl.pallas_call(
        _assemble_body,
        grid=(B,),
        in_specs=[
            pl.BlockSpec((1, N + 1, N + 1), lambda b: (b, 0, 0)),
            pl.BlockSpec((N * N, H), lambda b: (b, 0)),
            pl.BlockSpec((1, H), lambda b: (0, 0)),
        ],
        out_specs=pl.BlockSpec((1, H, N + 1, N + 1), lambda b: (b, 0, 0, 0)),
        out_shape=jax.ShapeDtypeStruct((B, H, N + 1, N + 1), jnp.float32),
    )(attn_bias, eout, graph_token_w)


def kernel(attn_bias, spatial_pos, x, edge_input, attn_edge_type,
           edge_encoder_w, spatial_pos_encoder_w, graph_token_w,
           edge_dis_encoder_w):
    spatial_pos = spatial_pos.astype(jnp.int32)
    edge_input = edge_input.astype(jnp.int32)

    e_pad = jnp.pad(edge_encoder_w, ((0, DSTRIDE - NE1), (0, 0)))
    wm = edge_dis_encoder_w.reshape(128, H, H)[:5]
    table = _build_table(e_pad, wm, spatial_pos_encoder_w)

    cat = jnp.concatenate(
        [edge_input.reshape(M, 15), spatial_pos.reshape(M, 1)], axis=1)
    spx = jnp.broadcast_to(spatial_pos.reshape(M, 1), (M, 16))
    idx2 = _build_idx(cat.reshape(IDX_ROWS, 128), spx.reshape(IDX_ROWS, 128))

    eout = _sc_gather(table, idx2)
    return _assemble(attn_bias, eout, graph_token_w)

# --- scband reference (transcript-rebuilt; emitter-appended) ---
"""Pipeline reference for scband-molecule-attn-bias-85186381349021 (READ-ONLY COPY).

The authoritative reference and input builder live on the scoring server;
editing this copy changes nothing except your own understanding.
"""

import jax, jax.numpy as jnp
import numpy as np

NUM_HEADS = 32
NUM_EDGES = 1536
NUM_SPATIAL = 512
NUM_EDGE_DIS = 128
MULTI_HOP_MAX_DIST = 5
B, N = 32, 64


def setup_inputs(seed: int = 0) -> dict:
    key = jax.random.key(seed)
    ks = jax.random.split(key, 9)
    attn_bias = jax.random.normal(ks[0], (B, N + 1, N + 1), dtype=jnp.float32)
    spatial_pos = jax.random.randint(ks[1], (B, N, N), 0, NUM_SPATIAL, dtype=jnp.int64 if jax.config.jax_enable_x64 else jnp.int32)
    x = jax.random.randint(ks[2], (B, N, 9), 0, 4608)
    edge_input = jax.random.randint(ks[3], (B, N, N, MULTI_HOP_MAX_DIST, 3), 0, NUM_EDGES + 1)
    attn_edge_type = jax.random.randint(ks[4], (B, N, N, 3), 0, NUM_EDGES + 1)
    edge_encoder_w = (0.02 * jax.random.normal(ks[5], (NUM_EDGES + 1, NUM_HEADS), dtype=jnp.float32)).at[0].set(0.0)
    spatial_pos_encoder_w = (0.02 * jax.random.normal(ks[6], (NUM_SPATIAL, NUM_HEADS), dtype=jnp.float32)).at[0].set(0.0)
    graph_token_w = 0.02 * jax.random.normal(ks[7], (1, NUM_HEADS), dtype=jnp.float32)
    edge_dis_encoder_w = 0.02 * jax.random.normal(ks[8], (NUM_EDGE_DIS * NUM_HEADS * NUM_HEADS, 1), dtype=jnp.float32)
    return {
        "attn_bias": attn_bias,
        "spatial_pos": spatial_pos,
        "x": x,
        "edge_input": edge_input,
        "attn_edge_type": attn_edge_type,
        "edge_encoder_w": edge_encoder_w,
        "spatial_pos_encoder_w": spatial_pos_encoder_w,
        "graph_token_w": graph_token_w,
        "edge_dis_encoder_w": edge_dis_encoder_w,
    }


def reference(attn_bias, spatial_pos, x, edge_input, attn_edge_type,
              edge_encoder_w, spatial_pos_encoder_w, graph_token_w, edge_dis_encoder_w):
    n_graph, n_node = x.shape[0], x.shape[1]
    H = NUM_HEADS
    # [B, H, N+1, N+1]
    gab = jnp.broadcast_to(attn_bias[:, None, :, :], (n_graph, H, n_node + 1, n_node + 1))
    # spatial pos bias (embedding gather)
    spb = jnp.take(spatial_pos_encoder_w, spatial_pos, axis=0)  # [B, N, N, H]
    spb = jnp.transpose(spb, (0, 3, 1, 2))  # [B, H, N, N]
    gab = gab.at[:, :, 1:, 1:].add(spb)
    # virtual graph-token distance
    t = graph_token_w.reshape(1, H, 1)
    gab = gab.at[:, :, 1:, 0].add(t)
    gab = gab.at[:, :, 0, :].add(t)
    # multi-hop edge encoding
    sp_ = jnp.where(spatial_pos == 0, 1, spatial_pos)
    sp_ = jnp.where(sp_ > 1, sp_ - 1, sp_)
    sp_ = jnp.clip(sp_, 0, MULTI_HOP_MAX_DIST)
    ei = edge_input[:, :, :, :MULTI_HOP_MAX_DIST, :]
    ei = jnp.take(edge_encoder_w, ei, axis=0).mean(-2)  # [B, N, N, D, H]
    max_dist = ei.shape[-2]
    ei_flat = jnp.transpose(ei, (3, 0, 1, 2, 4)).reshape(max_dist, -1, H)
    w = edge_dis_encoder_w.reshape(-1, H, H)[:max_dist, :, :]
    ei_flat = jnp.einsum('dbh,dhk->dbk', ei_flat, w)
    ei = jnp.transpose(ei_flat.reshape(max_dist, n_graph, n_node, n_node, H), (1, 2, 3, 0, 4))
    ei = ei.sum(-2) / sp_.astype(jnp.float32)[..., None]  # [B, N, N, H]
    ei = jnp.transpose(ei, (0, 3, 1, 2))  # [B, H, N, N]
    gab = gab.at[:, :, 1:, 1:].add(ei)
    gab = gab + attn_bias[:, None, :, :]
    return gab

if __name__ == "__main__":
    import jax
    _d = setup_inputs()
    print(jax.jit(kernel)(*tuple(_d.values())))

</pallas_src>

<mosaic_0001>
#map = affine_map<(d0, d1) -> (0, 0)>
module attributes {stable_mosaic.version = 14 : i64} {
  func.func @_sc_body(%arg0: i32, %arg1: i32, %arg2: memref<39112x32xbf16, #tpu.memory_space<hbm>>, %arg3: memref<16384x128xi32, #tpu.memory_space<hbm>>, %arg4: memref<131072x32xbf16, #tpu.memory_space<hbm>>, %arg5: memref<2x16x128xi32, #tpu.memory_space<vmem>>, %arg6: memref<2x2048x32xbf16, #tpu.memory_space<vmem>>, %arg7: memref<2x128x32xbf16, #tpu.memory_space<vmem>>, %arg8: memref<!tpu.dma_semaphore, #tpu.memory_space<semaphore_mem>>, %arg9: memref<!tpu.dma_semaphore, #tpu.memory_space<semaphore_mem>>, %arg10: memref<!tpu.dma_semaphore, #tpu.memory_space<semaphore_mem>>, %arg11: memref<!tpu.dma_semaphore, #tpu.memory_space<semaphore_mem>>, %arg12: memref<!tpu.dma_semaphore, #tpu.memory_space<semaphore_mem>>, %arg13: memref<!tpu.dma_semaphore, #tpu.memory_space<semaphore_mem>>) attributes {dimension_semantics = [#tpu.dimension_semantics<core_parallel>, #tpu.dimension_semantics<subcore_parallel>], iteration_bounds = array<i64: 2, 16>, scalar_prefetch = 0 : i64, scratch_operands = 9 : i64, tpu.core_type = #tpu.core_type<sc_vector_subcore>, window_params = [{transform_indices = #map}, {transform_indices = #map}, {transform_indices = #map}]} {
    %mul3A = arith.constant 2 : i32
    %mul3A_0 = arith.muli %arg1, %mul3A : i32
    %add3A = arith.addi %mul3A_0, %arg0 : i32
    %mul3A_1 = arith.constant 512 : i32
    %mul3A_2 = arith.muli %add3A, %mul3A_1 : i32
    %add3A_3 = arith.constant 0 : i32
    %add3A_4 = arith.addi %mul3A_2, %add3A_3 : i32
    %run_scoped3A = arith.constant 0 : i32
    "tpu.region"() ({
      %run_scoped3A_460 = tpu.sem_alloc : memref<!tpu.dma_semaphore, #tpu.memory_space<semaphore_mem>>
      %dma_start3A_461 = arith.constant 0 : i32
      %dma_start3A_462 = arith.constant 0 : i32
      %dma_start3A_463 = tpu.memref_slice %arg5[%run_scoped3A, %dma_start3A_461, %dma_start3A_462] : memref<2x16x128xi32, #tpu.memory_space<vmem>> -> memref<1x16x128xi32, #tpu.memory_space<vmem>>
      %dma_start3A_464 = tpu.memref_squeeze %dma_start3A_463 : memref<1x16x128xi32, #tpu.memory_space<vmem>> -> memref<16x128xi32, #tpu.memory_space<vmem>>
      %dma_start3A_465 = arith.constant 0 : i32
      %dma_start3A_466 = tpu.memref_slice %arg3[%add3A_4, %dma_start3A_465] : memref<16384x128xi32, #tpu.memory_space<hbm>> -> memref<16x128xi32, #tpu.memory_space<hbm>>
      %dma_start3A_467 = arith.constant 0 : i32
      %dma_start3A_468 = arith.constant 0 : i32
      %dma_start3A_469 = tpu.memref_slice %arg5[%run_scoped3A, %dma_start3A_467, %dma_start3A_468] : memref<2x16x128xi32, #tpu.memory_space<vmem>> -> memref<1x16x128xi32, #tpu.memory_space<vmem>>
      %dma_start3A_470 = tpu.memref_squeeze %dma_start3A_469 : memref<1x16x128xi32, #tpu.memory_space<vmem>> -> memref<16x128xi32, #tpu.memory_space<vmem>>
      %dma_start3A_471 = arith.constant 0 : i32
      %dma_start3A_472 = tpu.memref_slice %arg3[%add3A_4, %dma_start3A_471] : memref<16384x128xi32, #tpu.memory_space<hbm>> -> memref<16x128xi32, #tpu.memory_space<hbm>>
      tpu.enqueue_dma source(%dma_start3A_472 : memref<16x128xi32, #tpu.memory_space<hbm>>) target(%dma_start3A_470 : memref<16x128xi32, #tpu.memory_space<vmem>>) target_semaphore(%run_scoped3A_460 : memref<!tpu.dma_semaphore, #tpu.memory_space<semaphore_mem>>)
      %dma_wait3A_473 = arith.constant 0 : i32
      %dma_wait3A_474 = arith.constant 0 : i32
      %dma_wait3A_475 = tpu.memref_slice %arg5[%run_scoped3A, %dma_wait3A_473, %dma_wait3A_474] : memref<2x16x128xi32, #tpu.memory_space<vmem>> -> memref<1x16x128xi32, #tpu.memory_space<vmem>>
      %dma_wait3A_476 = tpu.memref_squeeze %dma_wait3A_475 : memref<1x16x128xi32, #tpu.memory_space<vmem>> -> memref<16x128xi32, #tpu.memory_space<vmem>>
      %dma_wait3A_477 = arith.constant 0 : i32
      %dma_wait3A_478 = tpu.memref_slice %arg3[%add3A_4, %dma_wait3A_477] : memref<16384x128xi32, #tpu.memory_space<hbm>> -> memref<16x128xi32, #tpu.memory_space<hbm>>
      %dma_wait3A_479 = arith.constant 0 : i32
      %dma_wait3A_480 = arith.constant 0 : i32
      %dma_wait3A_481 = tpu.memref_slice %arg5[%run_scoped3A, %dma_wait3A_479, %dma_wait3A_480] : memref<2x16x128xi32, #tpu.memory_space<vmem>> -> memref<1x16x128xi32, #tpu.memory_space<vmem>>
      %dma_wait3A_482 = tpu.memref_squeeze %dma_wait3A_481 : memref<1x16x128xi32, #tpu.memory_space<vmem>> -> memref<16x128xi32, #tpu.memory_space<vmem>>
      %dma_wait3A_483 = arith.constant 0 : i32
      %dma_wait3A_484 = tpu.memref_slice %arg3[%add3A_4, %dma_wait3A_483] : memref<16384x128xi32, #tpu.memory_space<hbm>> -> memref<16x128xi32, #tpu.memory_space<hbm>>
      tpu.wait_dma2 semaphore(%run_scoped3A_460 : memref<!tpu.dma_semaphore, #tpu.memory_space<semaphore_mem>>) src(%dma_wait3A_484 : memref<16x128xi32, #tpu.memory_space<hbm>>) dst(%dma_wait3A_482 : memref<16x128xi32, #tpu.memory_space<vmem>>)
      tpu.yield
    }) : () -> ()
    %dma_start3A = arith.constant 0 : i32
    %dma_start3A_5 = arith.constant 0 : i32
    %dma_start3A_6 = arith.constant 0 : i32
    %dma_start3A_7 = arith.constant 0 : i32
    %dma_start3A_8 = arith.constant 0 : i32
    %dma_start3A_9 = tpu.memref_slice %arg6[%dma_start3A_6, %dma_start3A_7, %dma_start3A_8] : memref<2x2048x32xbf16, #tpu.memory_space<vmem>> -> memref<1x128x32xbf16, #tpu.memory_space<vmem>>
    %dma_start3A_10 = tpu.memref_squeeze %dma_start3A_9 : memref<1x128x32xbf16, #tpu.memory_space<vmem>> -> memref<128x32xbf16, #tpu.memory_space<vmem>>
    %dma_start3A_11 = arith.constant 0 : i32
    %dma_start3A_12 = tpu.memref_slice %arg5[%dma_start3A, %dma_start3A_5, %dma_start3A_11] : memref<2x16x128xi32, #tpu.memory_space<vmem>> -> memref<1x1x128xi32, #tpu.memory_space<vmem>>
    %dma_start3A_13 = tpu.memref_squeeze %dma_start3A_12 : memref<1x1x128xi32, #tpu.memory_space<vmem>> -> memref<128xi32, #tpu.memory_space<vmem>>
    %dma_start3A_14 = arith.constant 0 : i32
    %dma_start3A_15 = arith.constant 0 : i32
    %dma_start3A_16 = tpu.memref_slice %arg2[%dma_start3A_14, %dma_start3A_15] : memref<39112x32xbf16, #tpu.memory_space<hbm>> -> memref<39112x32xbf16, #tpu.memory_space<hbm>>
    tpu.enqueue_indirect_dma source(%dma_start3A_16 : memref<39112x32xbf16, #tpu.memory_space<hbm>>) target(%dma_start3A_10 : memref<128x32xbf16, #tpu.memory_space<vmem>>) offsets(%dma_start3A_13 : memref<128xi32, #tpu.memory_space<vmem>>) semaphore(%arg8 : memref<!tpu.dma_semaphore, #tpu.memory_space<semaphore_mem>>)
    %dma_start3A_17 = arith.constant 0 : i32
    %dma_start3A_18 = arith.constant 1 : i32
    %dma_start3A_19 = arith.constant 0 : i32
    %dma_start3A_20 = arith.constant 128 : i32
    %dma_start3A_21 = arith.constant 0 : i32
    %dma_start3A_22 = tpu.memref_slice %arg6[%dma_start3A_19, %dma_start3A_20, %dma_start3A_21] : memref<2x2048x32xbf16, #tpu.memory_space<vmem>> -> memref<1x128x32xbf16, #tpu.memory_space<vmem>>
    %dma_start3A_23 = tpu.memref_squeeze %dma_start3A_22 : memref<1x128x32xbf16, #tpu.memory_space<vmem>> -> memref<128x32xbf16, #tpu.memory_space<vmem>>
    %dma_start3A_24 = arith.constant 0 : i32
    %dma_start3A_25 = tpu.memref_slice %arg5[%dma_start3A_17, %dma_start3A_18, %dma_start3A_24] : memref<2x16x128xi32, #tpu.memory_space<vmem>> -> memref<1x1x128xi32, #tpu.memory_space<vmem>>
    %dma_start3A_26 = tpu.memref_squeeze %dma_start3A_25 : memref<1x1x128xi32, #tpu.memory_space<vmem>> -> memref<128xi32, #tpu.memory_space<vmem>>
    %dma_start3A_27 = arith.constant 0 : i32
    %dma_start3A_28 = arith.constant 0 : i32
    %dma_start3A_29 = tpu.memref_slice %arg2[%dma_start3A_27, %dma_start3A_28] : memref<39112x32xbf16, #tpu.memory_space<hbm>> -> memref<39112x32xbf16, #tpu.memory_space<hbm>>
    tpu.enqueue_indirect_dma source(%dma_start3A_29 : memref<39112x32xbf16, #tpu.memory_space<hbm>>) target(%dma_start3A_23 : memref<128x32xbf16, #tpu.memory_space<vmem>>) offsets(%dma_start3A_26 : memref<128xi32, #tpu.memory_space<vmem>>) semaphore(%arg8 : memref<!tpu.dma_semaphore, #tpu.memory_space<semaphore_mem>>)
    %dma_start3A_30 = arith.constant 0 : i32
    %dma_start3A_31 = arith.constant 2 : i32
    %dma_start3A_32 = arith.constant 0 : i32
    %dma_start3A_33 = arith.constant 256 : i32
    %dma_start3A_34 = arith.constant 0 : i32
    %dma_start3A_35 = tpu.memref_slice %arg6[%dma_start3A_32, %dma_start3A_33, %dma_start3A_34] : memref<2x2048x32xbf16, #tpu.memory_space<vmem>> -> memref<1x128x32xbf16, #tpu.memory_space<vmem>>
    %dma_start3A_36 = tpu.memref_squeeze %dma_start3A_35 : memref<1x128x32xbf16, #tpu.memory_space<vmem>> -> memref<128x32xbf16, #tpu.memory_space<vmem>>
    %dma_start3A_37 = arith.constant 0 : i32
    %dma_start3A_38 = tpu.memref_slice %arg5[%dma_start3A_30, %dma_start3A_31, %dma_start3A_37] : memref<2x16x128xi32, #tpu.memory_space<vmem>> -> memref<1x1x128xi32, #tpu.memory_space<vmem>>
    %dma_start3A_39 = tpu.memref_squeeze %dma_start3A_38 : memref<1x1x128xi32, #tpu.memory_space<vmem>> -> memref<128xi32, #tpu.memory_space<vmem>>
    %dma_start3A_40 = arith.constant 0 : i32
    %dma_start3A_41 = arith.constant 0 : i32
    %dma_start3A_42 = tpu.memref_slice %arg2[%dma_start3A_40, %dma_start3A_41] : memref<39112x32xbf16, #tpu.memory_space<hbm>> -> memref<39112x32xbf16, #tpu.memory_space<hbm>>
    tpu.enqueue_indirect_dma source(%dma_start3A_42 : memref<39112x32xbf16, #tpu.memory_space<hbm>>) target(%dma_start3A_36 : memref<128x32xbf16, #tpu.memory_space<vmem>>) offsets(%dma_start3A_39 : memref<128xi32, #tpu.memory_space<vmem>>) semaphore(%arg8 : memref<!tpu.dma_semaphore, #tpu.memory_space<semaphore_mem>>)
    %dma_start3A_43 = arith.constant 0 : i32
    %dma_start3A_44 = arith.constant 3 : i32
    %dma_start3A_45 = arith.constant 0 : i32
    %dma_start3A_46 = arith.constant 384 : i32
    %dma_start3A_47 = arith.constant 0 : i32
    %dma_start3A_48 = tpu.memref_slice %arg6[%dma_start3A_45, %dma_start3A_46, %dma_start3A_47] : memref<2x2048x32xbf16, #tpu.memory_space<vmem>> -> memref<1x128x32xbf16, #tpu.memory_space<vmem>>
    %dma_start3A_49 = tpu.memref_squeeze %dma_start3A_48 : memref<1x128x32xbf16, #tpu.memory_space<vmem>> -> memref<128x32xbf16, #tpu.memory_space<vmem>>
    %dma_start3A_50 = arith.constant 0 : i32
    %dma_start3A_51 = tpu.memref_slice %arg5[%dma_start3A_43, %dma_start3A_44, %dma_start3A_50] : memref<2x16x128xi32, #tpu.memory_space<vmem>> -> memref<1x1x128xi32, #tpu.memory_space<vmem>>
    %dma_start3A_52 = tpu.memref_squeeze %dma_start3A_51 : memref<1x1x128xi32, #tpu.memory_space<vmem>> -> memref<128xi32, #tpu.memory_space<vmem>>
    %dma_start3A_53 = arith.constant 0 : i32
    %dma_start3A_54 = arith.constant 0 : i32
    %dma_start3A_55 = tpu.memref_slice %arg2[%dma_start3A_53, %dma_start3A_54] : memref<39112x32xbf16, #tpu.memory_space<hbm>> -> memref<39112x32xbf16, #tpu.memory_space<hbm>>
    tpu.enqueue_indirect_dma source(%dma_start3A_55 : memref<39112x32xbf16, #tpu.memory_space<hbm>>) target(%dma_start3A_49 : memref<128x32xbf16, #tpu.memory_space<vmem>>) offsets(%dma_start3A_52 : memref<128xi32, #tpu.memory_space<vmem>>) semaphore(%arg8 : memref<!tpu.dma_semaphore, #tpu.memory_space<semaphore_mem>>)
    %dma_start3A_56 = arith.constant 0 : i32
    %dma_start3A_57 = arith.constant 4 : i32
    %dma_start3A_58 = arith.constant 0 : i32
    %dma_start3A_59 = arith.constant 512 : i32
    %dma_start3A_60 = arith.constant 0 : i32
    %dma_start3A_61 = tpu.memref_slice %arg6[%dma_start3A_58, %dma_start3A_59, %dma_start3A_60] : memref<2x2048x32xbf16, #tpu.memory_space<vmem>> -> memref<1x128x32xbf16, #tpu.memory_space<vmem>>
    %dma_start3A_62 = tpu.memref_squeeze %dma_start3A_61 : memref<1x128x32xbf16, #tpu.memory_space<vmem>> -> memref<128x32xbf16, #tpu.memory_space<vmem>>
    %dma_start3A_63 = arith.constant 0 : i32
    %dma_start3A_64 = tpu.memref_slice %arg5[%dma_start3A_56, %dma_start3A_57, %dma_start3A_63] : memref<2x16x128xi32, #tpu.memory_space<vmem>> -> memref<1x1x128xi32, #tpu.memory_space<vmem>>
    %dma_start3A_65 = tpu.memref_squeeze %dma_start3A_64 : memref<1x1x128xi32, #tpu.memory_space<vmem>> -> memref<128xi32, #tpu.memory_space<vmem>>
    %dma_start3A_66 = arith.constant 0 : i32
    %dma_start3A_67 = arith.constant 0 : i32
    %dma_start3A_68 = tpu.memref_slice %arg2[%dma_start3A_66, %dma_start3A_67] : memref<39112x32xbf16, #tpu.memory_space<hbm>> -> memref<39112x32xbf16, #tpu.memory_space<hbm>>
    tpu.enqueue_indirect_dma source(%dma_start3A_68 : memref<39112x32xbf16, #tpu.memory_space<hbm>>) target(%dma_start3A_62 : memref<128x32xbf16, #tpu.memory_space<vmem>>) offsets(%dma_start3A_65 : memref<128xi32, #tpu.memory_space<vmem>>) semaphore(%arg8 : memref<!tpu.dma_semaphore, #tpu.memory_space<semaphore_mem>>)
    %dma_start3A_69 = arith.constant 0 : i32
    %dma_start3A_70 = arith.constant 5 : i32
    %dma_start3A_71 = arith.constant 0 : i32
    %dma_start3A_72 = arith.constant 640 : i32
    %dma_start3A_73 = arith.constant 0 : i32
    %dma_start3A_74 = tpu.memref_slice %arg6[%dma_start3A_71, %dma_start3A_72, %dma_start3A_73] : memref<2x2048x32xbf16, #tpu.memory_space<vmem>> -> memref<1x128x32xbf16, #tpu.memory_space<vmem>>
    %dma_start3A_75 = tpu.memref_squeeze %dma_start3A_74 : memref<1x128x32xbf16, #tpu.memory_space<vmem>> -> memref<128x32xbf16, #tpu.memory_space<vmem>>
    %dma_start3A_76 = arith.constant 0 : i32
    %dma_start3A_77 = tpu.memref_slice %arg5[%dma_start3A_69, %dma_start3A_70, %dma_start3A_76] : memref<2x16x128xi32, #tpu.memory_space<vmem>> -> memref<1x1x128xi32, #tpu.memory_space<vmem>>
    %dma_start3A_78 = tpu.memref_squeeze %dma_start3A_77 : memref<1x1x128xi32, #tpu.memory_space<vmem>> -> memref<128xi32, #tpu.memory_space<vmem>>
    %dma_start3A_79 = arith.constant 0 : i32
    %dma_start3A_80 = arith.constant 0 : i32
    %dma_start3A_81 = tpu.memref_slice %arg2[%dma_start3A_79, %dma_start3A_80] : memref<39112x32xbf16, #tpu.memory_space<hbm>> -> memref<39112x32xbf16, #tpu.memory_space<hbm>>
    tpu.enqueue_indirect_dma source(%dma_start3A_81 : memref<39112x32xbf16, #tpu.memory_space<hbm>>) target(%dma_start3A_75 : memref<128x32xbf16, #tpu.memory_space<vmem>>) offsets(%dma_start3A_78 : memref<128xi32, #tpu.memory_space<vmem>>) semaphore(%arg8 : memref<!tpu.dma_semaphore, #tpu.memory_space<semaphore_mem>>)
    %dma_start3A_82 = arith.constant 0 : i32
    %dma_start3A_83 = arith.constant 6 : i32
    %dma_start3A_84 = arith.constant 0 : i32
    %dma_start3A_85 = arith.constant 768 : i32
    %dma_start3A_86 = arith.constant 0 : i32
    %dma_start3A_87 = tpu.memref_slice %arg6[%dma_start3A_84, %dma_start3A_85, %dma_start3A_86] : memref<2x2048x32xbf16, #tpu.memory_space<vmem>> -> memref<1x128x32xbf16, #tpu.memory_space<vmem>>
    %dma_start3A_88 = tpu.memref_squeeze %dma_start3A_87 : memref<1x128x32xbf16, #tpu.memory_space<vmem>> -> memref<128x32xbf16, #tpu.memory_space<vmem>>
    %dma_start3A_89 = arith.constant 0 : i32
    %dma_start3A_90 = tpu.memref_slice %arg5[%dma_start3A_82, %dma_start3A_83, %dma_start3A_89] : memref<2x16x128xi32, #tpu.memory_space<vmem>> -> memref<1x1x128xi32, #tpu.memory_space<vmem>>
    %dma_start3A_91 = tpu.memref_squeeze %dma_start3A_90 : memref<1x1x128xi32, #tpu.memory_space<vmem>> -> memref<128xi32, #tpu.memory_space<vmem>>
    %dma_start3A_92 = arith.constant 0 : i32
    %dma_start3A_93 = arith.constant 0 : i32
    %dma_start3A_94 = tpu.memref_slice %arg2[%dma_start3A_92, %dma_start3A_93] : memref<39112x32xbf16, #tpu.memory_space<hbm>> -> memref<39112x32xbf16, #tpu.memory_space<hbm>>
    tpu.enqueue_indirect_dma source(%dma_start3A_94 : memref<39112x32xbf16, #tpu.memory_space<hbm>>) target(%dma_start3A_88 : memref<128x32xbf16, #tpu.memory_space<vmem>>) offsets(%dma_start3A_91 : memref<128xi32, #tpu.memory_space<vmem>>) semaphore(%arg8 : memref<!tpu.dma_semaphore, #tpu.memory_space<semaphore_mem>>)
    %dma_start3A_95 = arith.constant 0 : i32
    %dma_start3A_96 = arith.constant 7 : i32
    %dma_start3A_97 = arith.constant 0 : i32
    %dma_start3A_98 = arith.constant 896 : i32
    %dma_start3A_99 = arith.constant 0 : i32
    %dma_start3A_100 = tpu.memref_slice %arg6[%dma_start3A_97, %dma_start3A_98, %dma_start3A_99] : memref<2x2048x32xbf16, #tpu.memory_space<vmem>> -> memref<1x128x32xbf16, #tpu.memory_space<vmem>>
    %dma_start3A_101 = tpu.memref_squeeze %dma_start3A_100 : memref<1x128x32xbf16, #tpu.memory_space<vmem>> -> memref<128x32xbf16, #tpu.memory_space<vmem>>
    %dma_start3A_102 = arith.constant 0 : i32
    %dma_start3A_103 = tpu.memref_slice %arg5[%dma_start3A_95, %dma_start3A_96, %dma_start3A_102] : memref<2x16x128xi32, #tpu.memory_space<vmem>> -> memref<1x1x128xi32, #tpu.memory_space<vmem>>
    %dma_start3A_104 = tpu.memref_squeeze %dma_start3A_103 : memref<1x1x128xi32, #tpu.memory_space<vmem>> -> memref<128xi32, #tpu.memory_space<vmem>>
    %dma_start3A_105 = arith.constant 0 : i32
    %dma_start3A_106 = arith.constant 0 : i32
    %dma_start3A_107 = tpu.memref_slice %arg2[%dma_start3A_105, %dma_start3A_106] : memref<39112x32xbf16, #tpu.memory_space<hbm>> -> memref<39112x32xbf16, #tpu.memory_space<hbm>>
    tpu.enqueue_indirect_dma source(%dma_start3A_107 : memref<39112x32xbf16, #tpu.memory_space<hbm>>) target(%dma_start3A_101 : memref<128x32xbf16, #tpu.memory_space<vmem>>) offsets(%dma_start3A_104 : memref<128xi32, #tpu.memory_space<vmem>>) semaphore(%arg8 : memref<!tpu.dma_semaphore, #tpu.memory_space<semaphore_mem>>)
    %dma_start3A_108 = arith.constant 0 : i32
    %dma_start3A_109 = arith.constant 8 : i32
    %dma_start3A_110 = arith.constant 0 : i32
    %dma_start3A_111 = arith.constant 1024 : i32
    %dma_start3A_112 = arith.constant 0 : i32
    %dma_start3A_113 = tpu.memref_slice %arg6[%dma_start3A_110, %dma_start3A_111, %dma_start3A_112] : memref<2x2048x32xbf16, #tpu.memory_space<vmem>> -> memref<1x128x32xbf16, #tpu.memory_space<vmem>>
    %dma_start3A_114 = tpu.memref_squeeze %dma_start3A_113 : memref<1x128x32xbf16, #tpu.memory_space<vmem>> -> memref<128x32xbf16, #tpu.memory_space<vmem>>
    %dma_start3A_115 = arith.constant 0 : i32
    %dma_start3A_116 = tpu.memref_slice %arg5[%dma_start3A_108, %dma_start3A_109, %dma_start3A_115] : memref<2x16x128xi32, #tpu.memory_space<vmem>> -> memref<1x1x128xi32, #tpu.memory_space<vmem>>
    %dma_start3A_117 = tpu.memref_squeeze %dma_start3A_116 : memref<1x1x128xi32, #tpu.memory_space<vmem>> -> memref<128xi32, #tpu.memory_space<vmem>>
    %dma_start3A_118 = arith.constant 0 : i32
    %dma_start3A_119 = arith.constant 0 : i32
    %dma_start3A_120 = tpu.memref_slice %arg2[%dma_start3A_118, %dma_start3A_119] : memref<39112x32xbf16, #tpu.memory_space<hbm>> -> memref<39112x32xbf16, #tpu.memory_space<hbm>>
    tpu.enqueue_indirect_dma source(%dma_start3A_120 : memref<39112x32xbf16, #tpu.memory_space<hbm>>) target(%dma_start3A_114 : memref<128x32xbf16, #tpu.memory_space<vmem>>) offsets(%dma_start3A_117 : memref<128xi32, #tpu.memory_space<vmem>>) semaphore(%arg8 : memref<!tpu.dma_semaphore, #tpu.memory_space<semaphore_mem>>)
    %dma_start3A_121 = arith.constant 0 : i32
    %dma_start3A_122 = arith.constant 9 : i32
    %dma_start3A_123 = arith.constant 0 : i32
    %dma_start3A_124 = arith.constant 1152 : i32
    %dma_start3A_125 = arith.constant 0 : i32
    %dma_start3A_126 = tpu.memref_slice %arg6[%dma_start3A_123, %dma_start3A_124, %dma_start3A_125] : memref<2x2048x32xbf16, #tpu.memory_space<vmem>> -> memref<1x128x32xbf16, #tpu.memory_space<vmem>>
    %dma_start3A_127 = tpu.memref_squeeze %dma_start3A_126 : memref<1x128x32xbf16, #tpu.memory_space<vmem>> -> memref<128x32xbf16, #tpu.memory_space<vmem>>
    %dma_start3A_128 = arith.constant 0 : i32
    %dma_start3A_129 = tpu.memref_slice %arg5[%dma_start3A_121, %dma_start3A_122, %dma_start3A_128] : memref<2x16x128xi32, #tpu.memory_space<vmem>> -> memref<1x1x128xi32, #tpu.memory_space<vmem>>
    %dma_start3A_130 = tpu.memref_squeeze %dma_start3A_129 : memref<1x1x128xi32, #tpu.memory_space<vmem>> -> memref<128xi32, #tpu.memory_space<vmem>>
    %dma_start3A_131 = arith.constant 0 : i32
    %dma_start3A_132 = arith.constant 0 : i32
    %dma_start3A_133 = tpu.memref_slice %arg2[%dma_start3A_131, %dma_start3A_132] : memref<39112x32xbf16, #tpu.memory_space<hbm>> -> memref<39112x32xbf16, #tpu.memory_space<hbm>>
    tpu.enqueue_indirect_dma source(%dma_start3A_133 : memref<39112x32xbf16, #tpu.memory_space<hbm>>) target(%dma_start3A_127 : memref<128x32xbf16, #tpu.memory_space<vmem>>) offsets(%dma_start3A_130 : memref<128xi32, #tpu.memory_space<vmem>>) semaphore(%arg8 : memref<!tpu.dma_semaphore, #tpu.memory_space<semaphore_mem>>)
    %dma_start3A_134 = arith.constant 0 : i32
    %dma_start3A_135 = arith.constant 10 : i32
    %dma_start3A_136 = arith.constant 0 : i32
    %dma_start3A_137 = arith.constant 1280 : i32
    %dma_start3A_138 = arith.constant 0 : i32
    %dma_start3A_139 = tpu.memref_slice %arg6[%dma_start3A_136, %dma_start3A_137, %dma_start3A_138] : memref<2x2048x32xbf16, #tpu.memory_space<vmem>> -> memref<1x128x32xbf16, #tpu.memory_space<vmem>>
    %dma_start3A_140 = tpu.memref_squeeze %dma_start3A_139 : memref<1x128x32xbf16, #tpu.memory_space<vmem>> -> memref<128x32xbf16, #tpu.memory_space<vmem>>
    %dma_start3A_141 = arith.constant 0 : i32
    %dma_start3A_142 = tpu.memref_slice %arg5[%dma_start3A_134, %dma_start3A_135, %dma_start3A_141] : memref<2x16x128xi32, #tpu.memory_space<vmem>> -> memref<1x1x128xi32, #tpu.memory_space<vmem>>
    %dma_start3A_143 = tpu.memref_squeeze %dma_start3A_142 : memref<1x1x128xi32, #tpu.memory_space<vmem>> -> memref<128xi32, #tpu.memory_space<vmem>>
    %dma_start3A_144 = arith.constant 0 : i32
    %dma_start3A_145 = arith.constant 0 : i32
    %dma_start3A_146 = tpu.memref_slice %arg2[%dma_start3A_144, %dma_start3A_145] : memref<39112x32xbf16, #tpu.memory_space<hbm>> -> memref<39112x32xbf16, #tpu.memory_space<hbm>>
    tpu.enqueue_indirect_dma source(%dma_start3A_146 : memref<39112x32xbf16, #tpu.memory_space<hbm>>) target(%dma_start3A_140 : memref<128x32xbf16, #tpu.memory_space<vmem>>) offsets(%dma_start3A_143 : memref<128xi32, #tpu.memory_space<vmem>>) semaphore(%arg8 : memref<!tpu.dma_semaphore, #tpu.memory_space<semaphore_mem>>)
    %dma_start3A_147 = arith.constant 0 : i32
    %dma_start3A_148 = arith.constant 11 : i32
    %dma_start3A_149 = arith.constant 0 : i32
    %dma_start3A_150 = arith.constant 1408 : i32
    %dma_start3A_151 = arith.constant 0 : i32
    %dma_start3A_152 = tpu.memref_slice %arg6[%dma_start3A_149, %dma_start3A_150, %dma_start3A_151] : memref<2x2048x32xbf16, #tpu.memory_space<vmem>> -> memref<1x128x32xbf16, #tpu.memory_space<vmem>>
    %dma_start3A_153 = tpu.memref_squeeze %dma_start3A_152 : memref<1x128x32xbf16, #tpu.memory_space<vmem>> -> memref<128x32xbf16, #tpu.memory_space<vmem>>
    %dma_start3A_154 = arith.constant 0 : i32
    %dma_start3A_155 = tpu.memref_slice %arg5[%dma_start3A_147, %dma_start3A_148, %dma_start3A_154] : memref<2x16x128xi32, #tpu.memory_space<vmem>> -> memref<1x1x128xi32, #tpu.memory_space<vmem>>
    %dma_start3A_156 = tpu.memref_squeeze %dma_start3A_155 : memref<1x1x128xi32, #tpu.memory_space<vmem>> -> memref<128xi32, #tpu.memory_space<vmem>>
    %dma_start3A_157 = arith.constant 0 : i32
    %dma_start3A_158 = arith.constant 0 : i32
    %dma_start3A_159 = tpu.memref_slice %arg2[%dma_start3A_157, %dma_start3A_158] : memref<39112x32xbf16, #tpu.memory_space<hbm>> -> memref<39112x32xbf16, #tpu.memory_space<hbm>>
    tpu.enqueue_indirect_dma source(%dma_start3A_159 : memref<39112x32xbf16, #tpu.memory_space<hbm>>) target(%dma_start3A_153 : memref<128x32xbf16, #tpu.memory_space<vmem>>) offsets(%dma_start3A_156 : memref<128xi32, #tpu.memory_space<vmem>>) semaphore(%arg8 : memref<!tpu.dma_semaphore, #tpu.memory_space<semaphore_mem>>)
    %dma_start3A_160 = arith.constant 0 : i32
    %dma_start3A_161 = arith.constant 12 : i32
    %dma_start3A_162 = arith.constant 0 : i32
    %dma_start3A_163 = arith.constant 1536 : i32
    %dma_start3A_164 = arith.constant 0 : i32
    %dma_start3A_165 = tpu.memref_slice %arg6[%dma_start3A_162, %dma_start3A_163, %dma_start3A_164] : memref<2x2048x32xbf16, #tpu.memory_space<vmem>> -> memref<1x128x32xbf16, #tpu.memory_space<vmem>>
    %dma_start3A_166 = tpu.memref_squeeze %dma_start3A_165 : memref<1x128x32xbf16, #tpu.memory_space<vmem>> -> memref<128x32xbf16, #tpu.memory_space<vmem>>
    %dma_start3A_167 = arith.constant 0 : i32
    %dma_start3A_168 = tpu.memref_slice %arg5[%dma_start3A_160, %dma_start3A_161, %dma_start3A_167] : memref<2x16x128xi32, #tpu.memory_space<vmem>> -> memref<1x1x128xi32, #tpu.memory_space<vmem>>
    %dma_start3A_169 = tpu.memref_squeeze %dma_start3A_168 : memref<1x1x128xi32, #tpu.memory_space<vmem>> -> memref<128xi32, #tpu.memory_space<vmem>>
    %dma_start3A_170 = arith.constant 0 : i32
    %dma_start3A_171 = arith.constant 0 : i32
    %dma_start3A_172 = tpu.memref_slice %arg2[%dma_start3A_170, %dma_start3A_171] : memref<39112x32xbf16, #tpu.memory_space<hbm>> -> memref<39112x32xbf16, #tpu.memory_space<hbm>>
    tpu.enqueue_indirect_dma source(%dma_start3A_172 : memref<39112x32xbf16, #tpu.memory_space<hbm>>) target(%dma_start3A_166 : memref<128x32xbf16, #tpu.memory_space<vmem>>) offsets(%dma_start3A_169 : memref<128xi32, #tpu.memory_space<vmem>>) semaphore(%arg8 : memref<!tpu.dma_semaphore, #tpu.memory_space<semaphore_mem>>)
    %dma_start3A_173 = arith.constant 0 : i32
    %dma_start3A_174 = arith.constant 13 : i32
    %dma_start3A_175 = arith.constant 0 : i32
    %dma_start3A_176 = arith.constant 1664 : i32
    %dma_start3A_177 = arith.constant 0 : i32
    %dma_start3A_178 = tpu.memref_slice %arg6[%dma_start3A_175, %dma_start3A_176, %dma_start3A_177] : memref<2x2048x32xbf16, #tpu.memory_space<vmem>> -> memref<1x128x32xbf16, #tpu.memory_space<vmem>>
    %dma_start3A_179 = tpu.memref_squeeze %dma_start3A_178 : memref<1x128x32xbf16, #tpu.memory_space<vmem>> -> memref<128x32xbf16, #tpu.memory_space<vmem>>
    %dma_start3A_180 = arith.constant 0 : i32
    %dma_start3A_181 = tpu.memref_slice %arg5[%dma_start3A_173, %dma_start3A_174, %dma_start3A_180] : memref<2x16x128xi32, #tpu.memory_space<vmem>> -> memref<1x1x128xi32, #tpu.memory_space<vmem>>
    %dma_start3A_182 = tpu.memref_squeeze %dma_start3A_181 : memref<1x1x128xi32, #tpu.memory_space<vmem>> -> memref<128xi32, #tpu.memory_space<vmem>>
    %dma_start3A_183 = arith.constant 0 : i32
    %dma_start3A_184 = arith.constant 0 : i32
    %dma_start3A_185 = tpu.memref_slice %arg2[%dma_start3A_183, %dma_start3A_184] : memref<39112x32xbf16, #tpu.memory_space<hbm>> -> memref<39112x32xbf16, #tpu.memory_space<hbm>>
    tpu.enqueue_indirect_dma source(%dma_start3A_185 : memref<39112x32xbf16, #tpu.memory_space<hbm>>) target(%dma_start3A_179 : memref<128x32xbf16, #tpu.memory_space<vmem>>) offsets(%dma_start3A_182 : memref<128xi32, #tpu.memory_space<vmem>>) semaphore(%arg8 : memref<!tpu.dma_semaphore, #tpu.memory_space<semaphore_mem>>)
    %dma_start3A_186 = arith.constant 0 : i32
    %dma_start3A_187 = arith.constant 14 : i32
    %dma_start3A_188 = arith.constant 0 : i32
    %dma_start3A_189 = arith.constant 1792 : i32
    %dma_start3A_190 = arith.constant 0 : i32
    %dma_start3A_191 = tpu.memref_slice %arg6[%dma_start3A_188, %dma_start3A_189, %dma_start3A_190] : memref<2x2048x32xbf16, #tpu.memory_space<vmem>> -> memref<1x128x32xbf16, #tpu.memory_space<vmem>>
    %dma_start3A_192 = tpu.memref_squeeze %dma_start3A_191 : memref<1x128x32xbf16, #tpu.memory_space<vmem>> -> memref<128x32xbf16, #tpu.memory_space<vmem>>
    %dma_start3A_193 = arith.constant 0 : i32
    %dma_start3A_194 = tpu.memref_slice %arg5[%dma_start3A_186, %dma_start3A_187, %dma_start3A_193] : memref<2x16x128xi32, #tpu.memory_space<vmem>> -> memref<1x1x128xi32, #tpu.memory_space<vmem>>
    %dma_start3A_195 = tpu.memref_squeeze %dma_start3A_194 : memref<1x1x128xi32, #tpu.memory_space<vmem>> -> memref<128xi32, #tpu.memory_space<vmem>>
    %dma_start3A_196 = arith.constant 0 : i32
    %dma_start3A_197 = arith.constant 0 : i32
    %dma_start3A_198 = tpu.memref_slice %arg2[%dma_start3A_196, %dma_start3A_197] : memref<39112x32xbf16, #tpu.memory_space<hbm>> -> memref<39112x32xbf16, #tpu.memory_space<hbm>>
    tpu.enqueue_indirect_dma source(%dma_start3A_198 : memref<39112x32xbf16, #tpu.memory_space<hbm>>) target(%dma_start3A_192 : memref<128x32xbf16, #tpu.memory_space<vmem>>) offsets(%dma_start3A_195 : memref<128xi32, #tpu.memory_space<vmem>>) semaphore(%arg8 : memref<!tpu.dma_semaphore, #tpu.memory_space<semaphore_mem>>)
    %dma_start3A_199 = arith.constant 0 : i32
    %dma_start3A_200 = arith.constant 15 : i32
    %dma_start3A_201 = arith.constant 0 : i32
    %dma_start3A_202 = arith.constant 1920 : i32
    %dma_start3A_203 = arith.constant 0 : i32
    %dma_start3A_204 = tpu.memref_slice %arg6[%dma_start3A_201, %dma_start3A_202, %dma_start3A_203] : memref<2x2048x32xbf16, #tpu.memory_space<vmem>> -> memref<1x128x32xbf16, #tpu.memory_space<vmem>>
    %dma_start3A_205 = tpu.memref_squeeze %dma_start3A_204 : memref<1x128x32xbf16, #tpu.memory_space<vmem>> -> memref<128x32xbf16, #tpu.memory_space<vmem>>
    %dma_start3A_206 = arith.constant 0 : i32
    %dma_start3A_207 = tpu.memref_slice %arg5[%dma_start3A_199, %dma_start3A_200, %dma_start3A_206] : memref<2x16x128xi32, #tpu.memory_space<vmem>> -> memref<1x1x128xi32, #tpu.memory_space<vmem>>
    %dma_start3A_208 = tpu.memref_squeeze %dma_start3A_207 : memref<1x1x128xi32, #tpu.memory_space<vmem>> -> memref<128xi32, #tpu.memory_space<vmem>>
    %dma_start3A_209 = arith.constant 0 : i32
    %dma_start3A_210 = arith.constant 0 : i32
    %dma_start3A_211 = tpu.memref_slice %arg2[%dma_start3A_209, %dma_start3A_210] : memref<39112x32xbf16, #tpu.memory_space<hbm>> -> memref<39112x32xbf16, #tpu.memory_space<hbm>>
    tpu.enqueue_indirect_dma source(%dma_start3A_211 : memref<39112x32xbf16, #tpu.memory_space<hbm>>) target(%dma_start3A_205 : memref<128x32xbf16, #tpu.memory_space<vmem>>) offsets(%dma_start3A_208 : memref<128xi32, #tpu.memory_space<vmem>>) semaphore(%arg8 : memref<!tpu.dma_semaphore, #tpu.memory_space<semaphore_mem>>)
    %mul3A_212 = arith.constant 512 : i32
    %mul3A_213 = arith.muli %add3A, %mul3A_212 : i32
    %add3A_214 = arith.constant 16 : i32
    %add3A_215 = arith.addi %mul3A_213, %add3A_214 : i32
    %run_scoped3A_216 = arith.constant 1 : i32
    "tpu.region"() ({
      %run_scoped3A_460 = tpu.sem_alloc : memref<!tpu.dma_semaphore, #tpu.memory_space<semaphore_mem>>
      %dma_start3A_461 = arith.constant 0 : i32
      %dma_start3A_462 = arith.constant 0 : i32
      %dma_start3A_463 = tpu.memref_slice %arg5[%run_scoped3A_216, %dma_start3A_461, %dma_start3A_462] : memref<2x16x128xi32, #tpu.memory_space<vmem>> -> memref<1x16x128xi32, #tpu.memory_space<vmem>>
      %dma_start3A_464 = tpu.memref_squeeze %dma_start3A_463 : memref<1x16x128xi32, #tpu.memory_space<vmem>> -> memref<16x128xi32, #tpu.memory_space<vmem>>
      %dma_start3A_465 = arith.constant 0 : i32
      %dma_start3A_466 = tpu.memref_slice %arg3[%add3A_215, %dma_start3A_465] : memref<16384x128xi32, #tpu.memory_space<hbm>> -> memref<16x128xi32, #tpu.memory_space<hbm>>
      %dma_start3A_467 = arith.constant 0 : i32
      %dma_start3A_468 = arith.constant 0 : i32
      %dma_start3A_469 = tpu.memref_slice %arg5[%run_scoped3A_216, %dma_start3A_467, %dma_start3A_468] : memref<2x16x128xi32, #tpu.memory_space<vmem>> -> memref<1x16x128xi32, #tpu.memory_space<vmem>>
      %dma_start3A_470 = tpu.memref_squeeze %dma_start3A_469 : memref<1x16x128xi32, #tpu.memory_space<vmem>> -> memref<16x128xi32, #tpu.memory_space<vmem>>
      %dma_start3A_471 = arith.constant 0 : i32
      %dma_start3A_472 = tpu.memref_slice %arg3[%add3A_215, %dma_start3A_471] : memref<16384x128xi32, #tpu.memory_space<hbm>> -> memref<16x128xi32, #tpu.memory_space<hbm>>
      tpu.enqueue_dma source(%dma_start3A_472 : memref<16x128xi32, #tpu.memory_space<hbm>>) target(%dma_start3A_470 : memref<16x128xi32, #tpu.memory_space<vmem>>) target_semaphore(%run_scoped3A_460 : memref<!tpu.dma_semaphore, #tpu.memory_space<semaphore_mem>>)
      %dma_wait3A_473 = arith.constant 0 : i32
      %dma_wait3A_474 = arith.constant 0 : i32
      %dma_wait3A_475 = tpu.memref_slice %arg5[%run_scoped3A_216, %dma_wait3A_473, %dma_wait3A_474] : memref<2x16x128xi32, #tpu.memory_space<vmem>> -> memref<1x16x128xi32, #tpu.memory_space<vmem>>
      %dma_wait3A_476 = tpu.memref_squeeze %dma_wait3A_475 : memref<1x16x128xi32, #tpu.memory_space<vmem>> -> memref<16x128xi32, #tpu.memory_space<vmem>>
      %dma_wait3A_477 = arith.constant 0 : i32
      %dma_wait3A_478 = tpu.memref_slice %arg3[%add3A_215, %dma_wait3A_477] : memref<16384x128xi32, #tpu.memory_space<hbm>> -> memref<16x128xi32, #tpu.memory_space<hbm>>
      %dma_wait3A_479 = arith.constant 0 : i32
      %dma_wait3A_480 = arith.constant 0 : i32
      %dma_wait3A_481 = tpu.memref_slice %arg5[%run_scoped3A_216, %dma_wait3A_479, %dma_wait3A_480] : memref<2x16x128xi32, #tpu.memory_space<vmem>> -> memref<1x16x128xi32, #tpu.memory_space<vmem>>
      %dma_wait3A_482 = tpu.memref_squeeze %dma_wait3A_481 : memref<1x16x128xi32, #tpu.memory_space<vmem>> -> memref<16x128xi32, #tpu.memory_space<vmem>>
      %dma_wait3A_483 = arith.constant 0 : i32
      %dma_wait3A_484 = tpu.memref_slice %arg3[%add3A_215, %dma_wait3A_483] : memref<16384x128xi32, #tpu.memory_space<hbm>> -> memref<16x128xi32, #tpu.memory_space<hbm>>
      tpu.wait_dma2 semaphore(%run_scoped3A_460 : memref<!tpu.dma_semaphore, #tpu.memory_space<semaphore_mem>>) src(%dma_wait3A_484 : memref<16x128xi32, #tpu.memory_space<hbm>>) dst(%dma_wait3A_482 : memref<16x128xi32, #tpu.memory_space<vmem>>)
      tpu.yield
    }) : () -> ()
    %dma_start3A_217 = arith.constant 1 : i32
    %dma_start3A_218 = arith.constant 0 : i32
    %dma_start3A_219 = arith.constant 1 : i32
    %dma_start3A_220 = arith.constant 0 : i32
    %dma_start3A_221 = arith.constant 0 : i32
    %dma_start3A_222 = tpu.memref_slice %arg6[%dma_start3A_219, %dma_start3A_220, %dma_start3A_221] : memref<2x2048x32xbf16, #tpu.memory_space<vmem>> -> memref<1x128x32xbf16, #tpu.memory_space<vmem>>
    %dma_start3A_223 = tpu.memref_squeeze %dma_start3A_222 : memref<1x128x32xbf16, #tpu.memory_space<vmem>> -> memref<128x32xbf16, #tpu.memory_space<vmem>>
    %dma_start3A_224 = arith.constant 0 : i32
    %dma_start3A_225 = tpu.memref_slice %arg5[%dma_start3A_217, %dma_start3A_218, %dma_start3A_224] : memref<2x16x128xi32, #tpu.memory_space<vmem>> -> memref<1x1x128xi32, #tpu.memory_space<vmem>>
    %dma_start3A_226 = tpu.memref_squeeze %dma_start3A_225 : memref<1x1x128xi32, #tpu.memory_space<vmem>> -> memref<128xi32, #tpu.memory_space<vmem>>
    %dma_start3A_227 = arith.constant 0 : i32
    %dma_start3A_228 = arith.constant 0 : i32
    %dma_start3A_229 = tpu.memref_slice %arg2[%dma_start3A_227, %dma_start3A_228] : memref<39112x32xbf16, #tpu.memory_space<hbm>> -> memref<39112x32xbf16, #tpu.memory_space<hbm>>
    tpu.enqueue_indirect_dma source(%dma_start3A_229 : memref<39112x32xbf16, #tpu.memory_space<hbm>>) target(%dma_start3A_223 : memref<128x32xbf16, #tpu.memory_space<vmem>>) offsets(%dma_start3A_226 : memref<128xi32, #tpu.memory_space<vmem>>) semaphore(%arg9 : memref<!tpu.dma_semaphore, #tpu.memory_space<semaphore_mem>>)
    %dma_start3A_230 = arith.constant 1 : i32
    %dma_start3A_231 = arith.constant 1 : i32
    %dma_start3A_232 = arith.constant 1 : i32
    %dma_start3A_233 = arith.constant 128 : i32
    %dma_start3A_234 = arith.constant 0 : i32
    %dma_start3A_235 = tpu.memref_slice %arg6[%dma_start3A_232, %dma_start3A_233, %dma_start3A_234] : memref<2x2048x32xbf16, #tpu.memory_space<vmem>> -> memref<1x128x32xbf16, #tpu.memory_space<vmem>>
    %dma_start3A_236 = tpu.memref_squeeze %dma_start3A_235 : memref<1x128x32xbf16, #tpu.memory_space<vmem>> -> memref<128x32xbf16, #tpu.memory_space<vmem>>
    %dma_start3A_237 = arith.constant 0 : i32
    %dma_start3A_238 = tpu.memref_slice %arg5[%dma_start3A_230, %dma_start3A_231, %dma_start3A_237] : memref<2x16x128xi32, #tpu.memory_space<vmem>> -> memref<1x1x128xi32, #tpu.memory_space<vmem>>
    %dma_start3A_239 = tpu.memref_squeeze %dma_start3A_238 : memref<1x1x128xi32, #tpu.memory_space<vmem>> -> memref<128xi32, #tpu.memory_space<vmem>>
    %dma_start3A_240 = arith.constant 0 : i32
    %dma_start3A_241 = arith.constant 0 : i32
    %dma_start3A_242 = tpu.memref_slice %arg2[%dma_start3A_240, %dma_start3A_241] : memref<39112x32xbf16, #tpu.memory_space<hbm>> -> memref<39112x32xbf16, #tpu.memory_space<hbm>>
    tpu.enqueue_indirect_dma source(%dma_start3A_242 : memref<39112x32xbf16, #tpu.memory_space<hbm>>) target(%dma_start3A_236 : memref<128x32xbf16, #tpu.memory_space<vmem>>) offsets(%dma_start3A_239 : memref<128xi32, #tpu.memory_space<vmem>>) semaphore(%arg9 : memref<!tpu.dma_semaphore, #tpu.memory_space<semaphore_mem>>)
    %dma_start3A_243 = arith.constant 1 : i32
    %dma_start3A_244 = arith.constant 2 : i32
    %dma_start3A_245 = arith.constant 1 : i32
    %dma_start3A_246 = arith.constant 256 : i32
    %dma_start3A_247 = arith.constant 0 : i32
    %dma_start3A_248 = tpu.memref_slice %arg6[%dma_start3A_245, %dma_start3A_246, %dma_start3A_247] : memref<2x2048x32xbf16, #tpu.memory_space<vmem>> -> memref<1x128x32xbf16, #tpu.memory_space<vmem>>
    %dma_start3A_249 = tpu.memref_squeeze %dma_start3A_248 : memref<1x128x32xbf16, #tpu.memory_space<vmem>> -> memref<128x32xbf16, #tpu.memory_space<vmem>>
    %dma_start3A_250 = arith.constant 0 : i32
    %dma_start3A_251 = tpu.memref_slice %arg5[%dma_start3A_243, %dma_start3A_244, %dma_start3A_250] : memref<2x16x128xi32, #tpu.memory_space<vmem>> -> memref<1x1x128xi32, #tpu.memory_space<vmem>>
    %dma_start3A_252 = tpu.memref_squeeze %dma_start3A_251 : memref<1x1x128xi32, #tpu.memory_space<vmem>> -> memref<128xi32, #tpu.memory_space<vmem>>
    %dma_start3A_253 = arith.constant 0 : i32
    %dma_start3A_254 = arith.constant 0 : i32
    %dma_start3A_255 = tpu.memref_slice %arg2[%dma_start3A_253, %dma_start3A_254] : memref<39112x32xbf16, #tpu.memory_space<hbm>> -> memref<39112x32xbf16, #tpu.memory_space<hbm>>
    tpu.enqueue_indirect_dma source(%dma_start3A_255 : memref<39112x32xbf16, #tpu.memory_space<hbm>>) target(%dma_start3A_249 : memref<128x32xbf16, #tpu.memory_space<vmem>>) offsets(%dma_start3A_252 : memref<128xi32, #tpu.memory_space<vmem>>) semaphore(%arg9 : memref<!tpu.dma_semaphore, #tpu.memory_space<semaphore_mem>>)
    %dma_start3A_256 = arith.constant 1 : i32
    %dma_start3A_257 = arith.constant 3 : i32
    %dma_start3A_258 = arith.constant 1 : i32
    %dma_start3A_259 = arith.constant 384 : i32
    %dma_start3A_260 = arith.constant 0 : i32
    %dma_start3A_261 = tpu.memref_slice %arg6[%dma_start3A_258, %dma_start3A_259, %dma_start3A_260] : memref<2x2048x32xbf16, #tpu.memory_space<vmem>> -> memref<1x128x32xbf16, #tpu.memory_space<vmem>>
    %dma_start3A_262 = tpu.memref_squeeze %dma_start3A_261 : memref<1x128x32xbf16, #tpu.memory_space<vmem>> -> memref<128x32xbf16, #tpu.memory_space<vmem>>
    %dma_start3A_263 = arith.constant 0 : i32
    %dma_start3A_264 = tpu.memref_slice %arg5[%dma_start3A_256, %dma_start3A_257, %dma_start3A_263] : memref<2x16x128xi32, #tpu.memory_space<vmem>> -> memref<1x1x128xi32, #tpu.memory_space<vmem>>
    %dma_start3A_265 = tpu.memref_squeeze %dma_start3A_264 : memref<1x1x128xi32, #tpu.memory_space<vmem>> -> memref<128xi32, #tpu.memory_space<vmem>>
    %dma_start3A_266 = arith.constant 0 : i32
    %dma_start3A_267 = arith.constant 0 : i32
    %dma_start3A_268 = tpu.memref_slice %arg2[%dma_start3A_266, %dma_start3A_267] : memref<39112x32xbf16, #tpu.memory_space<hbm>> -> memref<39112x32xbf16, #tpu.memory_space<hbm>>
    tpu.enqueue_indirect_dma source(%dma_start3A_268 : memref<39112x32xbf16, #tpu.memory_space<hbm>>) target(%dma_start3A_262 : memref<128x32xbf16, #tpu.memory_space<vmem>>) offsets(%dma_start3A_265 : memref<128xi32, #tpu.memory_space<vmem>>) semaphore(%arg9 : memref<!tpu.dma_semaphore, #tpu.memory_space<semaphore_mem>>)
    %dma_start3A_269 = arith.constant 1 : i32
    %dma_start3A_270 = arith.constant 4 : i32
    %dma_start3A_271 = arith.constant 1 : i32
    %dma_start3A_272 = arith.constant 512 : i32
    %dma_start3A_273 = arith.constant 0 : i32
    %dma_start3A_274 = tpu.memref_slice %arg6[%dma_start3A_271, %dma_start3A_272, %dma_start3A_273] : memref<2x2048x32xbf16, #tpu.memory_space<vmem>> -> memref<1x128x32xbf16, #tpu.memory_space<vmem>>
    %dma_start3A_275 = tpu.memref_squeeze %dma_start3A_274 : memref<1x128x32xbf16, #tpu.memory_space<vmem>> -> memref<128x32xbf16, #tpu.memory_space<vmem>>
    %dma_start3A_276 = arith.constant 0 : i32
    %dma_start3A_277 = tpu.memref_slice %arg5[%dma_start3A_269, %dma_start3A_270, %dma_start3A_276] : memref<2x16x128xi32, #tpu.memory_space<vmem>> -> memref<1x1x128xi32, #tpu.memory_space<vmem>>
    %dma_start3A_278 = tpu.memref_squeeze %dma_start3A_277 : memref<1x1x128xi32, #tpu.memory_space<vmem>> -> memref<128xi32, #tpu.memory_space<vmem>>
    %dma_start3A_279 = arith.constant 0 : i32
    %dma_start3A_280 = arith.constant 0 : i32
    %dma_start3A_281 = tpu.memref_slice %arg2[%dma_start3A_279, %dma_start3A_280] : memref<39112x32xbf16, #tpu.memory_space<hbm>> -> memref<39112x32xbf16, #tpu.memory_space<hbm>>
    tpu.enqueue_indirect_dma source(%dma_start3A_281 : memref<39112x32xbf16, #tpu.memory_space<hbm>>) target(%dma_start3A_275 : memref<128x32xbf16, #tpu.memory_space<vmem>>) offsets(%dma_start3A_278 : memref<128xi32, #tpu.memory_space<vmem>>) semaphore(%arg9 : memref<!tpu.dma_semaphore, #tpu.memory_space<semaphore_mem>>)
    %dma_start3A_282 = arith.constant 1 : i32
    %dma_start3A_283 = arith.constant 5 : i32
    %dma_start3A_284 = arith.constant 1 : i32
    %dma_start3A_285 = arith.constant 640 : i32
    %dma_start3A_286 = arith.constant 0 : i32
    %dma_start3A_287 = tpu.memref_slice %arg6[%dma_start3A_284, %dma_start3A_285, %dma_start3A_286] : memref<2x2048x32xbf16, #tpu.memory_space<vmem>> -> memref<1x128x32xbf16, #tpu.memory_space<vmem>>
    %dma_start3A_288 = tpu.memref_squeeze %dma_start3A_287 : memref<1x128x32xbf16, #tpu.memory_space<vmem>> -> memref<128x32xbf16, #tpu.memory_space<vmem>>
    %dma_start3A_289 = arith.constant 0 : i32
    %dma_start3A_290 = tpu.memref_slice %arg5[%dma_start3A_282, %dma_start3A_283, %dma_start3A_289] : memref<2x16x128xi32, #tpu.memory_space<vmem>> -> memref<1x1x128xi32, #tpu.memory_space<vmem>>
    %dma_start3A_291 = tpu.memref_squeeze %dma_start3A_290 : memref<1x1x128xi32, #tpu.memory_space<vmem>> -> memref<128xi32, #tpu.memory_space<vmem>>
    %dma_start3A_292 = arith.constant 0 : i32
    %dma_start3A_293 = arith.constant 0 : i32
    %dma_start3A_294 = tpu.memref_slice %arg2[%dma_start3A_292, %dma_start3A_293] : memref<39112x32xbf16, #tpu.memory_space<hbm>> -> memref<39112x32xbf16, #tpu.memory_space<hbm>>
    tpu.enqueue_indirect_dma source(%dma_start3A_294 : memref<39112x32xbf16, #tpu.memory_space<hbm>>) target(%dma_start3A_288 : memref<128x32xbf16, #tpu.memory_space<vmem>>) offsets(%dma_start3A_291 : memref<128xi32, #tpu.memory_space<vmem>>) semaphore(%arg9 : memref<!tpu.dma_semaphore, #tpu.memory_space<semaphore_mem>>)
    %dma_start3A_295 = arith.constant 1 : i32
    %dma_start3A_296 = arith.constant 6 : i32
    %dma_start3A_297 = arith.constant 1 : i32
    %dma_start3A_298 = arith.constant 768 : i32
    %dma_start3A_299 = arith.constant 0 : i32
    %dma_start3A_300 = tpu.memref_slice %arg6[%dma_start3A_297, %dma_start3A_298, %dma_start3A_299] : memref<2x2048x32xbf16, #tpu.memory_space<vmem>> -> memref<1x128x32xbf16, #tpu.memory_space<vmem>>
    %dma_start3A_301 = tpu.memref_squeeze %dma_start3A_300 : memref<1x128x32xbf16, #tpu.memory_space<vmem>> -> memref<128x32xbf16, #tpu.memory_space<vmem>>
    %dma_start3A_302 = arith.constant 0 : i32
    %dma_start3A_303 = tpu.memref_slice %arg5[%dma_start3A_295, %dma_start3A_296, %dma_start3A_302] : memref<2x16x128xi32, #tpu.memory_space<vmem>> -> memref<1x1x128xi32, #tpu.memory_space<vmem>>
    %dma_start3A_304 = tpu.memref_squeeze %dma_start3A_303 : memref<1x1x128xi32, #tpu.memory_space<vmem>> -> memref<128xi32, #tpu.memory_space<vmem>>
    %dma_start3A_305 = arith.constant 0 : i32
    %dma_start3A_306 = arith.constant 0 : i32
    %dma_start3A_307 = tpu.memref_slice %arg2[%dma_start3A_305, %dma_start3A_306] : memref<39112x32xbf16, #tpu.memory_space<hbm>> -> memref<39112x32xbf16, #tpu.memory_space<hbm>>
    tpu.enqueue_indirect_dma source(%dma_start3A_307 : memref<39112x32xbf16, #tpu.memory_space<hbm>>) target(%dma_start3A_301 : memref<128x32xbf16, #tpu.memory_space<vmem>>) offsets(%dma_start3A_304 : memref<128xi32, #tpu.memory_space<vmem>>) semaphore(%arg9 : memref<!tpu.dma_semaphore, #tpu.memory_space<semaphore_mem>>)
    %dma_start3A_308 = arith.constant 1 : i32
    %dma_start3A_309 = arith.constant 7 : i32
    %dma_start3A_310 = arith.constant 1 : i32
    %dma_start3A_311 = arith.constant 896 : i32
    %dma_start3A_312 = arith.constant 0 : i32
    %dma_start3A_313 = tpu.memref_slice %arg6[%dma_start3A_310, %dma_start3A_311, %dma_start3A_312] : memref<2x2048x32xbf16, #tpu.memory_space<vmem>> -> memref<1x128x32xbf16, #tpu.memory_space<vmem>>
    %dma_start3A_314 = tpu.memref_squeeze %dma_start3A_313 : memref<1x128x32xbf16, #tpu.memory_space<vmem>> -> memref<128x32xbf16, #tpu.memory_space<vmem>>
    %dma_start3A_315 = arith.constant 0 : i32
    %dma_start3A_316 = tpu.memref_slice %arg5[%dma_start3A_308, %dma_start3A_309, %dma_start3A_315] : memref<2x16x128xi32, #tpu.memory_space<vmem>> -> memref<1x1x128xi32, #tpu.memory_space<vmem>>
    %dma_start3A_317 = tpu.memref_squeeze %dma_start3A_316 : memref<1x1x128xi32, #tpu.memory_space<vmem>> -> memref<128xi32, #tpu.memory_space<vmem>>
    %dma_start3A_318 = arith.constant 0 : i32
    %dma_start3A_319 = arith.constant 0 : i32
    %dma_start3A_320 = tpu.memref_slice %arg2[%dma_start3A_318, %dma_start3A_319] : memref<39112x32xbf16, #tpu.memory_space<hbm>> -> memref<39112x32xbf16, #tpu.memory_space<hbm>>
    tpu.enqueue_indirect_dma source(%dma_start3A_320 : memref<39112x32xbf16, #tpu.memory_space<hbm>>) target(%dma_start3A_314 : memref<128x32xbf16, #tpu.memory_space<vmem>>) offsets(%dma_start3A_317 : memref<128xi32, #tpu.memory_space<vmem>>) semaphore(%arg9 : memref<!tpu.dma_semaphore, #tpu.memory_space<semaphore_mem>>)
    %dma_start3A_321 = arith.constant 1 : i32
    %dma_start3A_322 = arith.constant 8 : i32
    %dma_start3A_323 = arith.constant 1 : i32
    %dma_start3A_324 = arith.constant 1024 : i32
    %dma_start3A_325 = arith.constant 0 : i32
    %dma_start3A_326 = tpu.memref_slice %arg6[%dma_start3A_323, %dma_start3A_324, %dma_start3A_325] : memref<2x2048x32xbf16, #tpu.memory_space<vmem>> -> memref<1x128x32xbf16, #tpu.memory_space<vmem>>
    %dma_start3A_327 = tpu.memref_squeeze %dma_start3A_326 : memref<1x128x32xbf16, #tpu.memory_space<vmem>> -> memref<128x32xbf16, #tpu.memory_space<vmem>>
    %dma_start3A_328 = arith.constant 0 : i32
    %dma_start3A_329 = tpu.memref_slice %arg5[%dma_start3A_321, %dma_start3A_322, %dma_start3A_328] : memref<2x16x128xi32, #tpu.memory_space<vmem>> -> memref<1x1x128xi32, #tpu.memory_space<vmem>>
    %dma_start3A_330 = tpu.memref_squeeze %dma_start3A_329 : memref<1x1x128xi32, #tpu.memory_space<vmem>> -> memref<128xi32, #tpu.memory_space<vmem>>
    %dma_start3A_331 = arith.constant 0 : i32
    %dma_start3A_332 = arith.constant 0 : i32
    %dma_start3A_333 = tpu.memref_slice %arg2[%dma_start3A_331, %dma_start3A_332] : memref<39112x32xbf16, #tpu.memory_space<hbm>> -> memref<39112x32xbf16, #tpu.memory_space<hbm>>
    tpu.enqueue_indirect_dma source(%dma_start3A_333 : memref<39112x32xbf16, #tpu.memory_space<hbm>>) target(%dma_start3A_327 : memref<128x32xbf16, #tpu.memory_space<vmem>>) offsets(%dma_start3A_330 : memref<128xi32, #tpu.memory_space<vmem>>) semaphore(%arg9 : memref<!tpu.dma_semaphore, #tpu.memory_space<semaphore_mem>>)
    %dma_start3A_334 = arith.constant 1 : i32
    %dma_start3A_335 = arith.constant 9 : i32
    %dma_start3A_336 = arith.constant 1 : i32
    %dma_start3A_337 = arith.constant 1152 : i32
    %dma_start3A_338 = arith.constant 0 : i32
    %dma_start3A_339 = tpu.memref_slice %arg6[%dma_start3A_336, %dma_start3A_337, %dma_start3A_338] : memref<2x2048x32xbf16, #tpu.memory_space<vmem>> -> memref<1x128x32xbf16, #tpu.memory_space<vmem>>
    %dma_start3A_340 = tpu.memref_squeeze %dma_start3A_339 : memref<1x128x32xbf16, #tpu.memory_space<vmem>> -> memref<128x32xbf16, #tpu.memory_space<vmem>>
    %dma_start3A_341 = arith.constant 0 : i32
    %dma_start3A_342 = tpu.memref_slice %arg5[%dma_start3A_334, %dma_start3A_335, %dma_start3A_341] : memref<2x16x128xi32, #tpu.memory_space<vmem>> -> memref<1x1x128xi32, #tpu.memory_space<vmem>>
    %dma_start3A_343 = tpu.memref_squeeze %dma_start3A_342 : memref<1x1x128xi32, #tpu.memory_space<vmem>> -> memref<128xi32, #tpu.memory_space<vmem>>
    %dma_start3A_344 = arith.constant 0 : i32
    %dma_start3A_345 = arith.constant 0 : i32
    %dma_start3A_346 = tpu.memref_slice %arg2[%dma_start3A_344, %dma_start3A_345] : memref<39112x32xbf16, #tpu.memory_space<hbm>> -> memref<39112x32xbf16, #tpu.memory_space<hbm>>
    tpu.enqueue_indirect_dma source(%dma_start3A_346 : memref<39112x32xbf16, #tpu.memory_space<hbm>>) target(%dma_start3A_340 : memref<128x32xbf16, #tpu.memory_space<vmem>>) offsets(%dma_start3A_343 : memref<128xi32, #tpu.memory_space<vmem>>) semaphore(%arg9 : memref<!tpu.dma_semaphore, #tpu.memory_space<semaphore_mem>>)
    %dma_start3A_347 = arith.constant 1 : i32
    %dma_start3A_348 = arith.constant 10 : i32
    %dma_start3A_349 = arith.constant 1 : i32
    %dma_start3A_350 = arith.constant 1280 : i32
    %dma_start3A_351 = arith.constant 0 : i32
    %dma_start3A_352 = tpu.memref_slice %arg6[%dma_start3A_349, %dma_start3A_350, %dma_start3A_351] : memref<2x2048x32xbf16, #tpu.memory_space<vmem>> -> memref<1x128x32xbf16, #tpu.memory_space<vmem>>
    %dma_start3A_353 = tpu.memref_squeeze %dma_start3A_352 : memref<1x128x32xbf16, #tpu.memory_space<vmem>> -> memref<128x32xbf16, #tpu.memory_space<vmem>>
    %dma_start3A_354 = arith.constant 0 : i32
    %dma_start3A_355 = tpu.memref_slice %arg5[%dma_start3A_347, %dma_start3A_348, %dma_start3A_354] : memref<2x16x128xi32, #tpu.memory_space<vmem>> -> memref<1x1x128xi32, #tpu.memory_space<vmem>>
    %dma_start3A_356 = tpu.memref_squeeze %dma_start3A_355 : memref<1x1x128xi32, #tpu.memory_space<vmem>> -> memref<128xi32, #tpu.memory_space<vmem>>
    %dma_start3A_357 = arith.constant 0 : i32
    %dma_start3A_358 = arith.constant 0 : i32
    %dma_start3A_359 = tpu.memref_slice %arg2[%dma_start3A_357, %dma_start3A_358] : memref<39112x32xbf16, #tpu.memory_space<hbm>> -> memref<39112x32xbf16, #tpu.memory_space<hbm>>
    tpu.enqueue_indirect_dma source(%dma_start3A_359 : memref<39112x32xbf16, #tpu.memory_space<hbm>>) target(%dma_start3A_353 : memref<128x32xbf16, #tpu.memory_space<vmem>>) offsets(%dma_start3A_356 : memref<128xi32, #tpu.memory_space<vmem>>) semaphore(%arg9 : memref<!tpu.dma_semaphore, #tpu.memory_space<semaphore_mem>>)
    %dma_start3A_360 = arith.constant 1 : i32
    %dma_start3A_361 = arith.constant 11 : i32
    %dma_start3A_362 = arith.constant 1 : i32
    %dma_start3A_363 = arith.constant 1408 : i32
    %dma_start3A_364 = arith.constant 0 : i32
    %dma_start3A_365 = tpu.memref_slice %arg6[%dma_start3A_362, %dma_start3A_363, %dma_start3A_364] : memref<2x2048x32xbf16, #tpu.memory_space<vmem>> -> memref<1x128x32xbf16, #tpu.memory_space<vmem>>
    %dma_start3A_366 = tpu.memref_squeeze %dma_start3A_365 : memref<1x128x32xbf16, #tpu.memory_space<vmem>> -> memref<128x32xbf16, #tpu.memory_space<vmem>>
    %dma_start3A_367 = arith.constant 0 : i32
    %dma_start3A_368 = tpu.memref_slice %arg5[%dma_start3A_360, %dma_start3A_361, %dma_start3A_367] : memref<2x16x128xi32, #tpu.memory_space<vmem>> -> memref<1x1x128xi32, #tpu.memory_space<vmem>>
    %dma_start3A_369 = tpu.memref_squeeze %dma_start3A_368 : memref<1x1x128xi32, #tpu.memory_space<vmem>> -> memref<128xi32, #tpu.memory_space<vmem>>
    %dma_start3A_370 = arith.constant 0 : i32
    %dma_start3A_371 = arith.constant 0 : i32
    %dma_start3A_372 = tpu.memref_slice %arg2[%dma_start3A_370, %dma_start3A_371] : memref<39112x32xbf16, #tpu.memory_space<hbm>> -> memref<39112x32xbf16, #tpu.memory_space<hbm>>
    tpu.enqueue_indirect_dma source(%dma_start3A_372 : memref<39112x32xbf16, #tpu.memory_space<hbm>>) target(%dma_start3A_366 : memref<128x32xbf16, #tpu.memory_space<vmem>>) offsets(%dma_start3A_369 : memref<128xi32, #tpu.memory_space<vmem>>) semaphore(%arg9 : memref<!tpu.dma_semaphore, #tpu.memory_space<semaphore_mem>>)
    %dma_start3A_373 = arith.constant 1 : i32
    %dma_start3A_374 = arith.constant 12 : i32
    %dma_start3A_375 = arith.constant 1 : i32
    %dma_start3A_376 = arith.constant 1536 : i32
    %dma_start3A_377 = arith.constant 0 : i32
    %dma_start3A_378 = tpu.memref_slice %arg6[%dma_start3A_375, %dma_start3A_376, %dma_start3A_377] : memref<2x2048x32xbf16, #tpu.memory_space<vmem>> -> memref<1x128x32xbf16, #tpu.memory_space<vmem>>
    %dma_start3A_379 = tpu.memref_squeeze %dma_start3A_378 : memref<1x128x32xbf16, #tpu.memory_space<vmem>> -> memref<128x32xbf16, #tpu.memory_space<vmem>>
    %dma_start3A_380 = arith.constant 0 : i32
    %dma_start3A_381 = tpu.memref_slice %arg5[%dma_start3A_373, %dma_start3A_374, %dma_start3A_380] : memref<2x16x128xi32, #tpu.memory_space<vmem>> -> memref<1x1x128xi32, #tpu.memory_space<vmem>>
    %dma_start3A_382 = tpu.memref_squeeze %dma_start3A_381 : memref<1x1x128xi32, #tpu.memory_space<vmem>> -> memref<128xi32, #tpu.memory_space<vmem>>
    %dma_start3A_383 = arith.constant 0 : i32
    %dma_start3A_384 = arith.constant 0 : i32
    %dma_start3A_385 = tpu.memref_slice %arg2[%dma_start3A_383, %dma_start3A_384] : memref<39112x32xbf16, #tpu.memory_space<hbm>> -> memref<39112x32xbf16, #tpu.memory_space<hbm>>
    tpu.enqueue_indirect_dma source(%dma_start3A_385 : memref<39112x32xbf16, #tpu.memory_space<hbm>>) target(%dma_start3A_379 : memref<128x32xbf16, #tpu.memory_space<vmem>>) offsets(%dma_start3A_382 : memref<128xi32, #tpu.memory_space<vmem>>) semaphore(%arg9 : memref<!tpu.dma_semaphore, #tpu.memory_space<semaphore_mem>>)
    %dma_start3A_386 = arith.constant 1 : i32
    %dma_start3A_387 = arith.constant 13 : i32
    %dma_start3A_388 = arith.constant 1 : i32
    %dma_start3A_389 = arith.constant 1664 : i32
    %dma_start3A_390 = arith.constant 0 : i32
    %dma_start3A_391 = tpu.memref_slice %arg6[%dma_start3A_388, %dma_start3A_389, %dma_start3A_390] : memref<2x2048x32xbf16, #tpu.memory_space<vmem>> -> memref<1x128x32xbf16, #tpu.memory_space<vmem>>
    %dma_start3A_392 = tpu.memref_squeeze %dma_start3A_391 : memref<1x128x32xbf16, #tpu.memory_space<vmem>> -> memref<128x32xbf16, #tpu.memory_space<vmem>>
    %dma_start3A_393 = arith.constant 0 : i32
    %dma_start3A_394 = tpu.memref_slice %arg5[%dma_start3A_386, %dma_start3A_387, %dma_start3A_393] : memref<2x16x128xi32, #tpu.memory_space<vmem>> -> memref<1x1x128xi32, #tpu.memory_space<vmem>>
    %dma_start3A_395 = tpu.memref_squeeze %dma_start3A_394 : memref<1x1x128xi32, #tpu.memory_space<vmem>> -> memref<128xi32, #tpu.memory_space<vmem>>
    %dma_start3A_396 = arith.constant 0 : i32
    %dma_start3A_397 = arith.constant 0 : i32
    %dma_start3A_398 = tpu.memref_slice %arg2[%dma_start3A_396, %dma_start3A_397] : memref<39112x32xbf16, #tpu.memory_space<hbm>> -> memref<39112x32xbf16, #tpu.memory_space<hbm>>
    tpu.enqueue_indirect_dma source(%dma_start3A_398 : memref<39112x32xbf16, #tpu.memory_space<hbm>>) target(%dma_start3A_392 : memref<128x32xbf16, #tpu.memory_space<vmem>>) offsets(%dma_start3A_395 : memref<128xi32, #tpu.memory_space<vmem>>) semaphore(%arg9 : memref<!tpu.dma_semaphore, #tpu.memory_space<semaphore_mem>>)
    %dma_start3A_399 = arith.constant 1 : i32
    %dma_start3A_400 = arith.constant 14 : i32
    %dma_start3A_401 = arith.constant 1 : i32
    %dma_start3A_402 = arith.constant 1792 : i32
    %dma_start3A_403 = arith.constant 0 : i32
    %dma_start3A_404 = tpu.memref_slice %arg6[%dma_start3A_401, %dma_start3A_402, %dma_start3A_403] : memref<2x2048x32xbf16, #tpu.memory_space<vmem>> -> memref<1x128x32xbf16, #tpu.memory_space<vmem>>
    %dma_start3A_405 = tpu.memref_squeeze %dma_start3A_404 : memref<1x128x32xbf16, #tpu.memory_space<vmem>> -> memref<128x32xbf16, #tpu.memory_space<vmem>>
    %dma_start3A_406 = arith.constant 0 : i32
    %dma_start3A_407 = tpu.memref_slice %arg5[%dma_start3A_399, %dma_start3A_400, %dma_start3A_406] : memref<2x16x128xi32, #tpu.memory_space<vmem>> -> memref<1x1x128xi32, #tpu.memory_space<vmem>>
    %dma_start3A_408 = tpu.memref_squeeze %dma_start3A_407 : memref<1x1x128xi32, #tpu.memory_space<vmem>> -> memref<128xi32, #tpu.memory_space<vmem>>
    %dma_start3A_409 = arith.constant 0 : i32
    %dma_start3A_410 = arith.constant 0 : i32
    %dma_start3A_411 = tpu.memref_slice %arg2[%dma_start3A_409, %dma_start3A_410] : memref<39112x32xbf16, #tpu.memory_space<hbm>> -> memref<39112x32xbf16, #tpu.memory_space<hbm>>
    tpu.enqueue_indirect_dma source(%dma_start3A_411 : memref<39112x32xbf16, #tpu.memory_space<hbm>>) target(%dma_start3A_405 : memref<128x32xbf16, #tpu.memory_space<vmem>>) offsets(%dma_start3A_408 : memref<128xi32, #tpu.memory_space<vmem>>) semaphore(%arg9 : memref<!tpu.dma_semaphore, #tpu.memory_space<semaphore_mem>>)
    %dma_start3A_412 = arith.constant 1 : i32
    %dma_start3A_413 = arith.constant 15 : i32
    %dma_start3A_414 = arith.constant 1 : i32
    %dma_start3A_415 = arith.constant 1920 : i32
    %dma_start3A_416 = arith.constant 0 : i32
    %dma_start3A_417 = tpu.memref_slice %arg6[%dma_start3A_414, %dma_start3A_415, %dma_start3A_416] : memref<2x2048x32xbf16, #tpu.memory_space<vmem>> -> memref<1x128x32xbf16, #tpu.memory_space<vmem>>
    %dma_start3A_418 = tpu.memref_squeeze %dma_start3A_417 : memref<1x128x32xbf16, #tpu.memory_space<vmem>> -> memref<128x32xbf16, #tpu.memory_space<vmem>>
    %dma_start3A_419 = arith.constant 0 : i32
    %dma_start3A_420 = tpu.memref_slice %arg5[%dma_start3A_412, %dma_start3A_413, %dma_start3A_419] : memref<2x16x128xi32, #tpu.memory_space<vmem>> -> memref<1x1x128xi32, #tpu.memory_space<vmem>>
    %dma_start3A_421 = tpu.memref_squeeze %dma_start3A_420 : memref<1x1x128xi32, #tpu.memory_space<vmem>> -> memref<128xi32, #tpu.memory_space<vmem>>
    %dma_start3A_422 = arith.constant 0 : i32
    %dma_start3A_423 = arith.constant 0 : i32
    %dma_start3A_424 = tpu.memref_slice %arg2[%dma_start3A_422, %dma_start3A_423] : memref<39112x32xbf16, #tpu.memory_space<hbm>> -> memref<39112x32xbf16, #tpu.memory_space<hbm>>
    tpu.enqueue_indirect_dma source(%dma_start3A_424 : memref<39112x32xbf16, #tpu.memory_space<hbm>>) target(%dma_start3A_418 : memref<128x32xbf16, #tpu.memory_space<vmem>>) offsets(%dma_start3A_421 : memref<128xi32, #tpu.memory_space<vmem>>) semaphore(%arg9 : memref<!tpu.dma_semaphore, #tpu.memory_space<semaphore_mem>>)
    %scan3A = arith.constant 0 : i32
    %scan3A_425 = arith.constant 0 : i32
    %scan3A_426 = arith.constant 16 : i32
    %scan3A_427 = arith.addi %scan3A_425, %scan3A_426 : i32
    %scan3A_428 = arith.constant 1 : i32
    %scan3A_429 = scf.for %scan3A_460 = %scan3A_425 to %scan3A_427 step %scan3A_428 iter_args(%scan3A_461 = %scan3A) -> (i32)  : i32 {
      %mul3A_462 = arith.constant 2 : i32
      %mul3A_463 = arith.muli %mul3A_462, %scan3A_460 : i32
      %dma_wait3A_464 = arith.constant 0 : i32
      %dma_wait3A_465 = arith.constant 0 : i32
      %dma_wait3A_466 = arith.constant 0 : i32
      %dma_wait3A_467 = tpu.memref_slice %arg6[%dma_wait3A_464, %dma_wait3A_465, %dma_wait3A_466] : memref<2x2048x32xbf16, #tpu.memory_space<vmem>> -> memref<1x2048x32xbf16, #tpu.memory_space<vmem>>
      %dma_wait3A_468 = tpu.memref_squeeze %dma_wait3A_467 : memref<1x2048x32xbf16, #tpu.memory_space<vmem>> -> memref<2048x32xbf16, #tpu.memory_space<vmem>>
      %dma_wait3A_469 = arith.constant 0 : i32
      %dma_wait3A_470 = arith.constant 0 : i32
      %dma_wait3A_471 = tpu.memref_slice %arg2[%dma_wait3A_469, %dma_wait3A_470] : memref<39112x32xbf16, #tpu.memory_space<hbm>> -> memref<2048x32xbf16, #tpu.memory_space<hbm>>
      %dma_wait3A_472 = arith.constant 0 : i32
      %dma_wait3A_473 = arith.constant 0 : i32
      %dma_wait3A_474 = tpu.memref_slice %arg6[%dma_wait3A_464, %dma_wait3A_472, %dma_wait3A_473] : memref<2x2048x32xbf16, #tpu.memory_space<vmem>> -> memref<1x2048x32xbf16, #tpu.memory_space<vmem>>
      %dma_wait3A_475 = tpu.memref_squeeze %dma_wait3A_474 : memref<1x2048x32xbf16, #tpu.memory_space<vmem>> -> memref<2048x32xbf16, #tpu.memory_space<vmem>>
      %dma_wait3A_476 = arith.constant 0 : i32
      %dma_wait3A_477 = arith.constant 0 : i32
      %dma_wait3A_478 = tpu.memref_slice %arg2[%dma_wait3A_476, %dma_wait3A_477] : memref<39112x32xbf16, #tpu.memory_space<hbm>> -> memref<2048x32xbf16, #tpu.memory_space<hbm>>
      tpu.wait_dma2 semaphore(%arg8 : memref<!tpu.dma_semaphore, #tpu.memory_space<semaphore_mem>>) src(%dma_wait3A_478 : memref<2048x32xbf16, #tpu.memory_space<hbm>>) dst(%dma_wait3A_475 : memref<2048x32xbf16, #tpu.memory_space<vmem>>)
      %add3A_479 = arith.constant 2 : i32
      %add3A_480 = arith.addi %mul3A_463, %add3A_479 : i32
      %lt3A = arith.constant 32 : i32
      %lt3A_481 = arith.cmpi slt, %add3A_480, %lt3A : i32
      %convert_element_type3A = arith.extui %lt3A_481 : i1 to i32
      %cond3A = arith.constant 0 : i32
      %cond3A_482 = arith.cmpi ne, %convert_element_type3A, %cond3A : i32
      scf.if %cond3A_482 {
        %add3A_583 = arith.constant 2 : i32
        %add3A_584 = arith.addi %mul3A_463, %add3A_583 : i32
        %mul3A_585 = arith.constant 512 : i32
        %mul3A_586 = arith.muli %add3A, %mul3A_585 : i32
        %mul3A_587 = arith.constant 16 : i32
        %mul3A_588 = arith.muli %add3A_584, %mul3A_587 : i32
        %add3A_589 = arith.addi %mul3A_586, %mul3A_588 : i32
        %dma_start3A_590 = arith.constant 0 : i32
        %dma_start3A_591 = arith.constant 0 : i32
        %dma_start3A_592 = arith.constant 0 : i32
        %dma_start3A_593 = tpu.memref_slice %arg5[%dma_start3A_590, %dma_start3A_591, %dma_start3A_592] : memref<2x16x128xi32, #tpu.memory_space<vmem>> -> memref<1x16x128xi32, #tpu.memory_space<vmem>>
        %dma_start3A_594 = tpu.memref_squeeze %dma_start3A_593 : memref<1x16x128xi32, #tpu.memory_space<vmem>> -> memref<16x128xi32, #tpu.memory_space<vmem>>
        %dma_start3A_595 = arith.constant 0 : i32
        %dma_start3A_596 = tpu.memref_slice %arg3[%add3A_589, %dma_start3A_595] : memref<16384x128xi32, #tpu.memory_space<hbm>> -> memref<16x128xi32, #tpu.memory_space<hbm>>
        %dma_start3A_597 = arith.constant 0 : i32
        %dma_start3A_598 = arith.constant 0 : i32
        %dma_start3A_599 = tpu.memref_slice %arg5[%dma_start3A_590, %dma_start3A_597, %dma_start3A_598] : memref<2x16x128xi32, #tpu.memory_space<vmem>> -> memref<1x16x128xi32, #tpu.memory_space<vmem>>
        %dma_start3A_600 = tpu.memref_squeeze %dma_start3A_599 : memref<1x16x128xi32, #tpu.memory_space<vmem>> -> memref<16x128xi32, #tpu.memory_space<vmem>>
        %dma_start3A_601 = arith.constant 0 : i32
        %dma_start3A_602 = tpu.memref_slice %arg3[%add3A_589, %dma_start3A_601] : memref<16384x128xi32, #tpu.memory_space<hbm>> -> memref<16x128xi32, #tpu.memory_space<hbm>>
        tpu.enqueue_dma source(%dma_start3A_602 : memref<16x128xi32, #tpu.memory_space<hbm>>) target(%dma_start3A_600 : memref<16x128xi32, #tpu.memory_space<vmem>>) target_semaphore(%arg10 : memref<!tpu.dma_semaphore, #tpu.memory_space<semaphore_mem>>)
      } else {
      }
      %ge3A = arith.constant 2 : i32
      %ge3A_483 = arith.cmpi sge, %mul3A_463, %ge3A : i32
      %convert_element_type3A_484 = arith.extui %ge3A_483 : i1 to i32
      %cond3A_485 = arith.constant 0 : i32
      %cond3A_486 = arith.cmpi ne, %convert_element_type3A_484, %cond3A_485 : i32
      scf.if %cond3A_486 {
        %dma_wait3A_583 = arith.constant 0 : i32
        %dma_wait3A_584 = arith.constant 0 : i32
        %dma_wait3A_585 = arith.constant 0 : i32
        %dma_wait3A_586 = tpu.memref_slice %arg7[%dma_wait3A_583, %dma_wait3A_584, %dma_wait3A_585] : memref<2x128x32xbf16, #tpu.memory_space<vmem>> -> memref<1x128x32xbf16, #tpu.memory_space<vmem>>
        %dma_wait3A_587 = tpu.memref_squeeze %dma_wait3A_586 : memref<1x128x32xbf16, #tpu.memory_space<vmem>> -> memref<128x32xbf16, #tpu.memory_space<vmem>>
        %dma_wait3A_588 = arith.constant 0 : i32
        %dma_wait3A_589 = arith.constant 0 : i32
        %dma_wait3A_590 = tpu.memref_slice %arg4[%dma_wait3A_588, %dma_wait3A_589] : memref<131072x32xbf16, #tpu.memory_space<hbm>> -> memref<128x32xbf16, #tpu.memory_space<hbm>>
        %dma_wait3A_591 = arith.constant 0 : i32
        %dma_wait3A_592 = arith.constant 0 : i32
        %dma_wait3A_593 = tpu.memref_slice %arg4[%dma_wait3A_591, %dma_wait3A_592] : memref<131072x32xbf16, #tpu.memory_space<hbm>> -> memref<128x32xbf16, #tpu.memory_space<hbm>>
        %dma_wait3A_594 = arith.constant 0 : i32
        %dma_wait3A_595 = arith.constant 0 : i32
        %dma_wait3A_596 = tpu.memref_slice %arg7[%dma_wait3A_583, %dma_wait3A_594, %dma_wait3A_595] : memref<2x128x32xbf16, #tpu.memory_space<vmem>> -> memref<1x128x32xbf16, #tpu.memory_space<vmem>>
        %dma_wait3A_597 = tpu.memref_squeeze %dma_wait3A_596 : memref<1x128x32xbf16, #tpu.memory_space<vmem>> -> memref<128x32xbf16, #tpu.memory_space<vmem>>
        tpu.wait_dma2 semaphore(%arg12 : memref<!tpu.dma_semaphore, #tpu.memory_space<semaphore_mem>>) src(%dma_wait3A_597 : memref<128x32xbf16, #tpu.memory_space<vmem>>) dst(%dma_wait3A_593 : memref<128x32xbf16, #tpu.memory_space<hbm>>)
      } else {
      }
      %scan3A_487 = arith.constant 0 : i32
      %scan3A_488 = arith.constant 0 : i32
      %scan3A_489 = arith.constant 128 : i32
      %scan3A_490 = arith.addi %scan3A_488, %scan3A_489 : i32
      %scan3A_491 = arith.constant 1 : i32
      %scan3A_492 = scf.for %scan3A_583 = %scan3A_488 to %scan3A_490 step %scan3A_491 iter_args(%scan3A_584 = %scan3A_487) -> (i32)  : i32 {
        %mul3A_585 = arith.constant 16 : i32
        %mul3A_586 = arith.muli %scan3A_583, %mul3A_585 : i32
        %get3A = arith.constant 0 : i32
        %get3A_587 = arith.index_cast %get3A : i32 to index
        %get3A_588 = arith.index_cast %mul3A_586 : i32 to index
        %get3A_589 = arith.constant 0 : index
        %get3A_590 = tpu.vector_load %arg6[%get3A_587, %get3A_588, %get3A_589] {strides = array<i32>} : memref<2x2048x32xbf16, #tpu.memory_space<vmem>>, vector<1x1x32xbf16>,
        %get3A_591 = vector.shape_cast %get3A_590 : vector<1x1x32xbf16> to vector<32xbf16>
        %add3A_592 = arith.constant 1 : i32
        %add3A_593 = arith.addi %mul3A_586, %add3A_592 : i32
        %get3A_594 = arith.constant 0 : i32
        %get3A_595 = arith.index_cast %get3A_594 : i32 to index
        %get3A_596 = arith.index_cast %add3A_593 : i32 to index
        %get3A_597 = arith.constant 0 : index
        %get3A_598 = tpu.vector_load %arg6[%get3A_595, %get3A_596, %get3A_597] {strides = array<i32>} : memref<2x2048x32xbf16, #tpu.memory_space<vmem>>, vector<1x1x32xbf16>,
        %get3A_599 = vector.shape_cast %get3A_598 : vector<1x1x32xbf16> to vector<32xbf16>
        %add3A_600 = arith.addf %get3A_591, %get3A_599 : vector<32xbf16>
        %add3A_601 = arith.constant 2 : i32
        %add3A_602 = arith.addi %mul3A_586, %add3A_601 : i32
        %get3A_603 = arith.constant 0 : i32
        %get3A_604 = arith.index_cast %get3A_603 : i32 to index
        %get3A_605 = arith.index_cast %add3A_602 : i32 to index
        %get3A_606 = arith.constant 0 : index
        %get3A_607 = tpu.vector_load %arg6[%get3A_604, %get3A_605, %get3A_606] {strides = array<i32>} : memref<2x2048x32xbf16, #tpu.memory_space<vmem>>, vector<1x1x32xbf16>,
        %get3A_608 = vector.shape_cast %get3A_607 : vector<1x1x32xbf16> to vector<32xbf16>
        %add3A_609 = arith.addf %add3A_600, %get3A_608 : vector<32xbf16>
        %add3A_610 = arith.constant 3 : i32
        %add3A_611 = arith.addi %mul3A_586, %add3A_610 : i32
        %get3A_612 = arith.constant 0 : i32
        %get3A_613 = arith.index_cast %get3A_612 : i32 to index
        %get3A_614 = arith.index_cast %add3A_611 : i32 to index
        %get3A_615 = arith.constant 0 : index
        %get3A_616 = tpu.vector_load %arg6[%get3A_613, %get3A_614, %get3A_615] {strides = array<i32>} : memref<2x2048x32xbf16, #tpu.memory_space<vmem>>, vector<1x1x32xbf16>,
        %get3A_617 = vector.shape_cast %get3A_616 : vector<1x1x32xbf16> to vector<32xbf16>
        %add3A_618 = arith.addf %add3A_609, %get3A_617 : vector<32xbf16>
        %add3A_619 = arith.constant 4 : i32
        %add3A_620 = arith.addi %mul3A_586, %add3A_619 : i32
        %get3A_621 = arith.constant 0 : i32
        %get3A_622 = arith.index_cast %get3A_621 : i32 to index
        %get3A_623 = arith.index_cast %add3A_620 : i32 to index
        %get3A_624 = arith.constant 0 : index
        %get3A_625 = tpu.vector_load %arg6[%get3A_622, %get3A_623, %get3A_624] {strides = array<i32>} : memref<2x2048x32xbf16, #tpu.memory_space<vmem>>, vector<1x1x32xbf16>,
        %get3A_626 = vector.shape_cast %get3A_625 : vector<1x1x32xbf16> to vector<32xbf16>
        %add3A_627 = arith.addf %add3A_618, %get3A_626 : vector<32xbf16>
        %add3A_628 = arith.constant 5 : i32
        %add3A_629 = arith.addi %mul3A_586, %add3A_628 : i32
        %get3A_630 = arith.constant 0 : i32
        %get3A_631 = arith.index_cast %get3A_630 : i32 to index
        %get3A_632 = arith.index_cast %add3A_629 : i32 to index
        %get3A_633 = arith.constant 0 : index
        %get3A_634 = tpu.vector_load %arg6[%get3A_631, %get3A_632, %get3A_633] {strides = array<i32>} : memref<2x2048x32xbf16, #tpu.memory_space<vmem>>, vector<1x1x32xbf16>,
        %get3A_635 = vector.shape_cast %get3A_634 : vector<1x1x32xbf16> to vector<32xbf16>
        %add3A_636 = arith.addf %add3A_627, %get3A_635 : vector<32xbf16>
        %add3A_637 = arith.constant 6 : i32
        %add3A_638 = arith.addi %mul3A_586, %add3A_637 : i32
        %get3A_639 = arith.constant 0 : i32
        %get3A_640 = arith.index_cast %get3A_639 : i32 to index
        %get3A_641 = arith.index_cast %add3A_638 : i32 to index
        %get3A_642 = arith.constant 0 : index
        %get3A_643 = tpu.vector_load %arg6[%get3A_640, %get3A_641, %get3A_642] {strides = array<i32>} : memref<2x2048x32xbf16, #tpu.memory_space<vmem>>, vector<1x1x32xbf16>,
        %get3A_644 = vector.shape_cast %get3A_643 : vector<1x1x32xbf16> to vector<32xbf16>
        %add3A_645 = arith.addf %add3A_636, %get3A_644 : vector<32xbf16>
        %add3A_646 = arith.constant 7 : i32
        %add3A_647 = arith.addi %mul3A_586, %add3A_646 : i32
        %get3A_648 = arith.constant 0 : i32
        %get3A_649 = arith.index_cast %get3A_648 : i32 to index
        %get3A_650 = arith.index_cast %add3A_647 : i32 to index
        %get3A_651 = arith.constant 0 : index
        %get3A_652 = tpu.vector_load %arg6[%get3A_649, %get3A_650, %get3A_651] {strides = array<i32>} : memref<2x2048x32xbf16, #tpu.memory_space<vmem>>, vector<1x1x32xbf16>,
        %get3A_653 = vector.shape_cast %get3A_652 : vector<1x1x32xbf16> to vector<32xbf16>
        %add3A_654 = arith.addf %add3A_645, %get3A_653 : vector<32xbf16>
        %add3A_655 = arith.constant 8 : i32
        %add3A_656 = arith.addi %mul3A_586, %add3A_655 : i32
        %get3A_657 = arith.constant 0 : i32
        %get3A_658 = arith.index_cast %get3A_657 : i32 to index
        %get3A_659 = arith.index_cast %add3A_656 : i32 to index
        %get3A_660 = arith.constant 0 : index
        %get3A_661 = tpu.vector_load %arg6[%get3A_658, %get3A_659, %get3A_660] {strides = array<i32>} : memref<2x2048x32xbf16, #tpu.memory_space<vmem>>, vector<1x1x32xbf16>,
        %get3A_662 = vector.shape_cast %get3A_661 : vector<1x1x32xbf16> to vector<32xbf16>
        %add3A_663 = arith.addf %add3A_654, %get3A_662 : vector<32xbf16>
        %add3A_664 = arith.constant 9 : i32
        %add3A_665 = arith.addi %mul3A_586, %add3A_664 : i32
        %get3A_666 = arith.constant 0 : i32
        %get3A_667 = arith.index_cast %get3A_666 : i32 to index
        %get3A_668 = arith.index_cast %add3A_665 : i32 to index
        %get3A_669 = arith.constant 0 : index
        %get3A_670 = tpu.vector_load %arg6[%get3A_667, %get3A_668, %get3A_669] {strides = array<i32>} : memref<2x2048x32xbf16, #tpu.memory_space<vmem>>, vector<1x1x32xbf16>,
        %get3A_671 = vector.shape_cast %get3A_670 : vector<1x1x32xbf16> to vector<32xbf16>
        %add3A_672 = arith.addf %add3A_663, %get3A_671 : vector<32xbf16>
        %add3A_673 = arith.constant 10 : i32
        %add3A_674 = arith.addi %mul3A_586, %add3A_673 : i32
        %get3A_675 = arith.constant 0 : i32
        %get3A_676 = arith.index_cast %get3A_675 : i32 to index
        %get3A_677 = arith.index_cast %add3A_674 : i32 to index
        %get3A_678 = arith.constant 0 : index
        %get3A_679 = tpu.vector_load %arg6[%get3A_676, %get3A_677, %get3A_678] {strides = array<i32>} : memref<2x2048x32xbf16, #tpu.memory_space<vmem>>, vector<1x1x32xbf16>,
        %get3A_680 = vector.shape_cast %get3A_679 : vector<1x1x32xbf16> to vector<32xbf16>
        %add3A_681 = arith.addf %add3A_672, %get3A_680 : vector<32xbf16>
        %add3A_682 = arith.constant 11 : i32
        %add3A_683 = arith.addi %mul3A_586, %add3A_682 : i32
        %get3A_684 = arith.constant 0 : i32
        %get3A_685 = arith.index_cast %get3A_684 : i32 to index
        %get3A_686 = arith.index_cast %add3A_683 : i32 to index
        %get3A_687 = arith.constant 0 : index
        %get3A_688 = tpu.vector_load %arg6[%get3A_685, %get3A_686, %get3A_687] {strides = array<i32>} : memref<2x2048x32xbf16, #tpu.memory_space<vmem>>, vector<1x1x32xbf16>,
        %get3A_689 = vector.shape_cast %get3A_688 : vector<1x1x32xbf16> to vector<32xbf16>
        %add3A_690 = arith.addf %add3A_681, %get3A_689 : vector<32xbf16>
        %add3A_691 = arith.constant 12 : i32
        %add3A_692 = arith.addi %mul3A_586, %add3A_691 : i32
        %get3A_693 = arith.constant 0 : i32
        %get3A_694 = arith.index_cast %get3A_693 : i32 to index
        %get3A_695 = arith.index_cast %add3A_692 : i32 to index
        %get3A_696 = arith.constant 0 : index
        %get3A_697 = tpu.vector_load %arg6[%get3A_694, %get3A_695, %get3A_696] {strides = array<i32>} : memref<2x2048x32xbf16, #tpu.memory_space<vmem>>, vector<1x1x32xbf16>,
        %get3A_698 = vector.shape_cast %get3A_697 : vector<1x1x32xbf16> to vector<32xbf16>
        %add3A_699 = arith.addf %add3A_690, %get3A_698 : vector<32xbf16>
        %add3A_700 = arith.constant 13 : i32
        %add3A_701 = arith.addi %mul3A_586, %add3A_700 : i32
        %get3A_702 = arith.constant 0 : i32
        %get3A_703 = arith.index_cast %get3A_702 : i32 to index
        %get3A_704 = arith.index_cast %add3A_701 : i32 to index
        %get3A_705 = arith.constant 0 : index
        %get3A_706 = tpu.vector_load %arg6[%get3A_703, %get3A_704, %get3A_705] {strides = array<i32>} : memref<2x2048x32xbf16, #tpu.memory_space<vmem>>, vector<1x1x32xbf16>,
        %get3A_707 = vector.shape_cast %get3A_706 : vector<1x1x32xbf16> to vector<32xbf16>
        %add3A_708 = arith.addf %add3A_699, %get3A_707 : vector<32xbf16>
        %add3A_709 = arith.constant 14 : i32
        %add3A_710 = arith.addi %mul3A_586, %add3A_709 : i32
        %get3A_711 = arith.constant 0 : i32
        %get3A_712 = arith.index_cast %get3A_711 : i32 to index
        %get3A_713 = arith.index_cast %add3A_710 : i32 to index
        %get3A_714 = arith.constant 0 : index
        %get3A_715 = tpu.vector_load %arg6[%get3A_712, %get3A_713, %get3A_714] {strides = array<i32>} : memref<2x2048x32xbf16, #tpu.memory_space<vmem>>, vector<1x1x32xbf16>,
        %get3A_716 = vector.shape_cast %get3A_715 : vector<1x1x32xbf16> to vector<32xbf16>
        %add3A_717 = arith.addf %add3A_708, %get3A_716 : vector<32xbf16>
        %add3A_718 = arith.constant 15 : i32
        %add3A_719 = arith.addi %mul3A_586, %add3A_718 : i32
        %get3A_720 = arith.constant 0 : i32
        %get3A_721 = arith.index_cast %get3A_720 : i32 to index
        %get3A_722 = arith.index_cast %add3A_719 : i32 to index
        %get3A_723 = arith.constant 0 : index
        %get3A_724 = tpu.vector_load %arg6[%get3A_721, %get3A_722, %get3A_723] {strides = array<i32>} : memref<2x2048x32xbf16, #tpu.memory_space<vmem>>, vector<1x1x32xbf16>,
        %get3A_725 = vector.shape_cast %get3A_724 : vector<1x1x32xbf16> to vector<32xbf16>
        %add3A_726 = arith.addf %add3A_717, %get3A_725 : vector<32xbf16>
        %swap3A = arith.constant 0 : i32
        %swap3A_727 = arith.index_cast %swap3A : i32 to index
        %swap3A_728 = arith.index_cast %scan3A_583 : i32 to index
        %swap3A_729 = arith.constant 0 : index
        %swap3A_730 = tpu.vector_load %arg7[%swap3A_727, %swap3A_728, %swap3A_729] {strides = array<i32>} : memref<2x128x32xbf16, #tpu.memory_space<vmem>>, vector<1x1x32xbf16>,
        %swap3A_731 = vector.shape_cast %swap3A_730 : vector<1x1x32xbf16> to vector<32xbf16>
        %swap3A_732 = vector.shape_cast %add3A_726 : vector<32xbf16> to vector<1x1x32xbf16>
        tpu.vector_store %arg7[%swap3A_727, %swap3A_728, %swap3A_729], %swap3A_732 {strides = array<i32>} : memref<2x128x32xbf16, #tpu.memory_space<vmem>>, vector<1x1x32xbf16>,
        %scan3A_733 = arith.constant 0 : i32
        scf.yield %scan3A_733 : i32
      }
      %scan3A_493 = arith.constant 128 : i32
      %mul3A_494 = arith.constant 4096 : i32
      %mul3A_495 = arith.muli %add3A, %mul3A_494 : i32
      %mul3A_496 = arith.constant 128 : i32
      %mul3A_497 = arith.muli %mul3A_463, %mul3A_496 : i32
      %add3A_498 = arith.addi %mul3A_495, %mul3A_497 : i32
      %dma_start3A_499 = arith.constant 0 : i32
      %dma_start3A_500 = arith.constant 0 : i32
      %dma_start3A_501 = arith.constant 0 : i32
      %dma_start3A_502 = tpu.memref_slice %arg7[%dma_start3A_499, %dma_start3A_500, %dma_start3A_501] : memref<2x128x32xbf16, #tpu.memory_space<vmem>> -> memref<1x128x32xbf16, #tpu.memory_space<vmem>>
      %dma_start3A_503 = tpu.memref_squeeze %dma_start3A_502 : memref<1x128x32xbf16, #tpu.memory_space<vmem>> -> memref<128x32xbf16, #tpu.memory_space<vmem>>
      %dma_start3A_504 = arith.constant 0 : i32
      %dma_start3A_505 = tpu.memref_slice %arg4[%add3A_498, %dma_start3A_504] : memref<131072x32xbf16, #tpu.memory_space<hbm>> -> memref<128x32xbf16, #tpu.memory_space<hbm>>
      %dma_start3A_506 = arith.constant 0 : i32
      %dma_start3A_507 = tpu.memref_slice %arg4[%add3A_498, %dma_start3A_506] : memref<131072x32xbf16, #tpu.memory_space<hbm>> -> memref<128x32xbf16, #tpu.memory_space<hbm>>
      %dma_start3A_508 = arith.constant 0 : i32
      %dma_start3A_509 = arith.constant 0 : i32
      %dma_start3A_510 = tpu.memref_slice %arg7[%dma_start3A_499, %dma_start3A_508, %dma_start3A_509] : memref<2x128x32xbf16, #tpu.memory_space<vmem>> -> memref<1x128x32xbf16, #tpu.memory_space<vmem>>
      %dma_start3A_511 = tpu.memref_squeeze %dma_start3A_510 : memref<1x128x32xbf16, #tpu.memory_space<vmem>> -> memref<128x32xbf16, #tpu.memory_space<vmem>>
      tpu.enqueue_dma source(%dma_start3A_511 : memref<128x32xbf16, #tpu.memory_space<vmem>>) target(%dma_start3A_507 : memref<128x32xbf16, #tpu.memory_space<hbm>>) target_semaphore(%arg12 : memref<!tpu.dma_semaphore, #tpu.memory_space<semaphore_mem>>)
      %add3A_512 = arith.constant 2 : i32
      %add3A_513 = arith.addi %mul3A_463, %add3A_512 : i32
      %lt3A_514 = arith.constant 32 : i32
      %lt3A_515 = arith.cmpi slt, %add3A_513, %lt3A_514 : i32
      %convert_element_type3A_516 = arith.extui %lt3A_515 : i1 to i32
      %cond3A_517 = arith.constant 0 : i32
      %cond3A_518 = arith.cmpi ne, %convert_element_type3A_516, %cond3A_517 : i32
      scf.if %cond3A_518 {
        %mul3A_583 = arith.constant 512 : i32
        %mul3A_584 = arith.muli %add3A, %mul3A_583 : i32
        %add3A_585 = arith.constant 0 : i32
        %add3A_586 = arith.addi %mul3A_584, %add3A_585 : i32
        %dma_wait3A_587 = arith.constant 0 : i32
        %dma_wait3A_588 = arith.constant 0 : i32
        %dma_wait3A_589 = arith.constant 0 : i32
        %dma_wait3A_590 = tpu.memref_slice %arg5[%dma_wait3A_587, %dma_wait3A_588, %dma_wait3A_589] : memref<2x16x128xi32, #tpu.memory_space<vmem>> -> memref<1x16x128xi32, #tpu.memory_space<vmem>>
        %dma_wait3A_591 = tpu.memref_squeeze %dma_wait3A_590 : memref<1x16x128xi32, #tpu.memory_space<vmem>> -> memref<16x128xi32, #tpu.memory_space<vmem>>
        %dma_wait3A_592 = arith.constant 0 : i32
        %dma_wait3A_593 = tpu.memref_slice %arg3[%add3A_586, %dma_wait3A_592] : memref<16384x128xi32, #tpu.memory_space<hbm>> -> memref<16x128xi32, #tpu.memory_space<hbm>>
        %dma_wait3A_594 = arith.constant 0 : i32
        %dma_wait3A_595 = arith.constant 0 : i32
        %dma_wait3A_596 = tpu.memref_slice %arg5[%dma_wait3A_587, %dma_wait3A_594, %dma_wait3A_595] : memref<2x16x128xi32, #tpu.memory_space<vmem>> -> memref<1x16x128xi32, #tpu.memory_space<vmem>>
        %dma_wait3A_597 = tpu.memref_squeeze %dma_wait3A_596 : memref<1x16x128xi32, #tpu.memory_space<vmem>> -> memref<16x128xi32, #tpu.memory_space<vmem>>
        %dma_wait3A_598 = arith.constant 0 : i32
        %dma_wait3A_599 = tpu.memref_slice %arg3[%add3A_586, %dma_wait3A_598] : memref<16384x128xi32, #tpu.memory_space<hbm>> -> memref<16x128xi32, #tpu.memory_space<hbm>>
        tpu.wait_dma2 semaphore(%arg10 : memref<!tpu.dma_semaphore, #tpu.memory_space<semaphore_mem>>) src(%dma_wait3A_599 : memref<16x128xi32, #tpu.memory_space<hbm>>) dst(%dma_wait3A_597 : memref<16x128xi32, #tpu.memory_space<vmem>>)
        %dma_start3A_600 = arith.constant 0 : i32
        %dma_start3A_601 = arith.constant 0 : i32
        %dma_start3A_602 = arith.constant 0 : i32
        %dma_start3A_603 = arith.constant 0 : i32
        %dma_start3A_604 = arith.constant 0 : i32
        %dma_start3A_605 = tpu.memref_slice %arg6[%dma_start3A_602, %dma_start3A_603, %dma_start3A_604] : memref<2x2048x32xbf16, #tpu.memory_space<vmem>> -> memref<1x128x32xbf16, #tpu.memory_space<vmem>>
        %dma_start3A_606 = tpu.memref_squeeze %dma_start3A_605 : memref<1x128x32xbf16, #tpu.memory_space<vmem>> -> memref<128x32xbf16, #tpu.memory_space<vmem>>
        %dma_start3A_607 = arith.constant 0 : i32
        %dma_start3A_608 = tpu.memref_slice %arg5[%dma_start3A_600, %dma_start3A_601, %dma_start3A_607] : memref<2x16x128xi32, #tpu.memory_space<vmem>> -> memref<1x1x128xi32, #tpu.memory_space<vmem>>
        %dma_start3A_609 = tpu.memref_squeeze %dma_start3A_608 : memref<1x1x128xi32, #tpu.memory_space<vmem>> -> memref<128xi32, #tpu.memory_space<vmem>>
        %dma_start3A_610 = arith.constant 0 : i32
        %dma_start3A_611 = arith.constant 0 : i32
        %dma_start3A_612 = tpu.memref_slice %arg2[%dma_start3A_610, %dma_start3A_611] : memref<39112x32xbf16, #tpu.memory_space<hbm>> -> memref<39112x32xbf16, #tpu.memory_space<hbm>>
        tpu.enqueue_indirect_dma source(%dma_start3A_612 : memref<39112x32xbf16, #tpu.memory_space<hbm>>) target(%dma_start3A_606 : memref<128x32xbf16, #tpu.memory_space<vmem>>) offsets(%dma_start3A_609 : memref<128xi32, #tpu.memory_space<vmem>>) semaphore(%arg8 : memref<!tpu.dma_semaphore, #tpu.memory_space<semaphore_mem>>)
        %dma_start3A_613 = arith.constant 0 : i32
        %dma_start3A_614 = arith.constant 1 : i32
        %dma_start3A_615 = arith.constant 0 : i32
        %dma_start3A_616 = arith.constant 128 : i32
        %dma_start3A_617 = arith.constant 0 : i32
        %dma_start3A_618 = tpu.memref_slice %arg6[%dma_start3A_615, %dma_start3A_616, %dma_start3A_617] : memref<2x2048x32xbf16, #tpu.memory_space<vmem>> -> memref<1x128x32xbf16, #tpu.memory_space<vmem>>
        %dma_start3A_619 = tpu.memref_squeeze %dma_start3A_618 : memref<1x128x32xbf16, #tpu.memory_space<vmem>> -> memref<128x32xbf16, #tpu.memory_space<vmem>>
        %dma_start3A_620 = arith.constant 0 : i32
        %dma_start3A_621 = tpu.memref_slice %arg5[%dma_start3A_613, %dma_start3A_614, %dma_start3A_620] : memref<2x16x128xi32, #tpu.memory_space<vmem>> -> memref<1x1x128xi32, #tpu.memory_space<vmem>>
        %dma_start3A_622 = tpu.memref_squeeze %dma_start3A_621 : memref<1x1x128xi32, #tpu.memory_space<vmem>> -> memref<128xi32, #tpu.memory_space<vmem>>
        %dma_start3A_623 = arith.constant 0 : i32
        %dma_start3A_624 = arith.constant 0 : i32
        %dma_start3A_625 = tpu.memref_slice %arg2[%dma_start3A_623, %dma_start3A_624] : memref<39112x32xbf16, #tpu.memory_space<hbm>> -> memref<39112x32xbf16, #tpu.memory_space<hbm>>
        tpu.enqueue_indirect_dma source(%dma_start3A_625 : memref<39112x32xbf16, #tpu.memory_space<hbm>>) target(%dma_start3A_619 : memref<128x32xbf16, #tpu.memory_space<vmem>>) offsets(%dma_start3A_622 : memref<128xi32, #tpu.memory_space<vmem>>) semaphore(%arg8 : memref<!tpu.dma_semaphore, #tpu.memory_space<semaphore_mem>>)
        %dma_start3A_626 = arith.constant 0 : i32
        %dma_start3A_627 = arith.constant 2 : i32
        %dma_start3A_628 = arith.constant 0 : i32
        %dma_start3A_629 = arith.constant 256 : i32
        %dma_start3A_630 = arith.constant 0 : i32
        %dma_start3A_631 = tpu.memref_slice %arg6[%dma_start3A_628, %dma_start3A_629, %dma_start3A_630] : memref<2x2048x32xbf16, #tpu.memory_space<vmem>> -> memref<1x128x32xbf16, #tpu.memory_space<vmem>>
        %dma_start3A_632 = tpu.memref_squeeze %dma_start3A_631 : memref<1x128x32xbf16, #tpu.memory_space<vmem>> -> memref<128x32xbf16, #tpu.memory_space<vmem>>
        %dma_start3A_633 = arith.constant 0 : i32
        %dma_start3A_634 = tpu.memref_slice %arg5[%dma_start3A_626, %dma_start3A_627, %dma_start3A_633] : memref<2x16x128xi32, #tpu.memory_space<vmem>> -> memref<1x1x128xi32, #tpu.memory_space<vmem>>
        %dma_start3A_635 = tpu.memref_squeeze %dma_start3A_634 : memref<1x1x128xi32, #tpu.memory_space<vmem>> -> memref<128xi32, #tpu.memory_space<vmem>>
        %dma_start3A_636 = arith.constant 0 : i32
        %dma_start3A_637 = arith.constant 0 : i32
        %dma_start3A_638 = tpu.memref_slice %arg2[%dma_start3A_636, %dma_start3A_637] : memref<39112x32xbf16, #tpu.memory_space<hbm>> -> memref<39112x32xbf16, #tpu.memory_space<hbm>>
        tpu.enqueue_indirect_dma source(%dma_start3A_638 : memref<39112x32xbf16, #tpu.memory_space<hbm>>) target(%dma_start3A_632 : memref<128x32xbf16, #tpu.memory_space<vmem>>) offsets(%dma_start3A_635 : memref<128xi32, #tpu.memory_space<vmem>>) semaphore(%arg8 : memref<!tpu.dma_semaphore, #tpu.memory_space<semaphore_mem>>)
        %dma_start3A_639 = arith.constant 0 : i32
        %dma_start3A_640 = arith.constant 3 : i32
        %dma_start3A_641 = arith.constant 0 : i32
        %dma_start3A_642 = arith.constant 384 : i32
        %dma_start3A_643 = arith.constant 0 : i32
        %dma_start3A_644 = tpu.memref_slice %arg6[%dma_start3A_641, %dma_start3A_642, %dma_start3A_643] : memref<2x2048x32xbf16, #tpu.memory_space<vmem>> -> memref<1x128x32xbf16, #tpu.memory_space<vmem>>
        %dma_start3A_645 = tpu.memref_squeeze %dma_start3A_644 : memref<1x128x32xbf16, #tpu.memory_space<vmem>> -> memref<128x32xbf16, #tpu.memory_space<vmem>>
        %dma_start3A_646 = arith.constant 0 : i32
        %dma_start3A_647 = tpu.memref_slice %arg5[%dma_start3A_639, %dma_start3A_640, %dma_start3A_646] : memref<2x16x128xi32, #tpu.memory_space<vmem>> -> memref<1x1x128xi32, #tpu.memory_space<vmem>>
        %dma_start3A_648 = tpu.memref_squeeze %dma_start3A_647 : memref<1x1x128xi32, #tpu.memory_space<vmem>> -> memref<128xi32, #tpu.memory_space<vmem>>
        %dma_start3A_649 = arith.constant 0 : i32
        %dma_start3A_650 = arith.constant 0 : i32
        %dma_start3A_651 = tpu.memref_slice %arg2[%dma_start3A_649, %dma_start3A_650] : memref<39112x32xbf16, #tpu.memory_space<hbm>> -> memref<39112x32xbf16, #tpu.memory_space<hbm>>
        tpu.enqueue_indirect_dma source(%dma_start3A_651 : memref<39112x32xbf16, #tpu.memory_space<hbm>>) target(%dma_start3A_645 : memref<128x32xbf16, #tpu.memory_space<vmem>>) offsets(%dma_start3A_648 : memref<128xi32, #tpu.memory_space<vmem>>) semaphore(%arg8 : memref<!tpu.dma_semaphore, #tpu.memory_space<semaphore_mem>>)
        %dma_start3A_652 = arith.constant 0 : i32
        %dma_start3A_653 = arith.constant 4 : i32
        %dma_start3A_654 = arith.constant 0 : i32
        %dma_start3A_655 = arith.constant 512 : i32
        %dma_start3A_656 = arith.constant 0 : i32
        %dma_start3A_657 = tpu.memref_slice %arg6[%dma_start3A_654, %dma_start3A_655, %dma_start3A_656] : memref<2x2048x32xbf16, #tpu.memory_space<vmem>> -> memref<1x128x32xbf16, #tpu.memory_space<vmem>>
        %dma_start3A_658 = tpu.memref_squeeze %dma_start3A_657 : memref<1x128x32xbf16, #tpu.memory_space<vmem>> -> memref<128x32xbf16, #tpu.memory_space<vmem>>
        %dma_start3A_659 = arith.constant 0 : i32
        %dma_start3A_660 = tpu.memref_slice %arg5[%dma_start3A_652, %dma_start3A_653, %dma_start3A_659] : memref<2x16x128xi32, #tpu.memory_space<vmem>> -> memref<1x1x128xi32, #tpu.memory_space<vmem>>
        %dma_start3A_661 = tpu.memref_squeeze %dma_start3A_660 : memref<1x1x128xi32, #tpu.memory_space<vmem>> -> memref<128xi32, #tpu.memory_space<vmem>>
        %dma_start3A_662 = arith.constant 0 : i32
        %dma_start3A_663 = arith.constant 0 : i32
        %dma_start3A_664 = tpu.memref_slice %arg2[%dma_start3A_662, %dma_start3A_663] : memref<39112x32xbf16, #tpu.memory_space<hbm>> -> memref<39112x32xbf16, #tpu.memory_space<hbm>>
        tpu.enqueue_indirect_dma source(%dma_start3A_664 : memref<39112x32xbf16, #tpu.memory_space<hbm>>) target(%dma_start3A_658 : memref<128x32xbf16, #tpu.memory_space<vmem>>) offsets(%dma_start3A_661 : memref<128xi32, #tpu.memory_space<vmem>>) semaphore(%arg8 : memref<!tpu.dma_semaphore, #tpu.memory_space<semaphore_mem>>)
        %dma_start3A_665 = arith.constant 0 : i32
        %dma_start3A_666 = arith.constant 5 : i32
        %dma_start3A_667 = arith.constant 0 : i32
        %dma_start3A_668 = arith.constant 640 : i32
        %dma_start3A_669 = arith.constant 0 : i32
        %dma_start3A_670 = tpu.memref_slice %arg6[%dma_start3A_667, %dma_start3A_668, %dma_start3A_669] : memref<2x2048x32xbf16, #tpu.memory_space<vmem>> -> memref<1x128x32xbf16, #tpu.memory_space<vmem>>
        %dma_start3A_671 = tpu.memref_squeeze %dma_start3A_670 : memref<1x128x32xbf16, #tpu.memory_space<vmem>> -> memref<128x32xbf16, #tpu.memory_space<vmem>>
        %dma_start3A_672 = arith.constant 0 : i32
        %dma_start3A_673 = tpu.memref_slice %arg5[%dma_start3A_665, %dma_start3A_666, %dma_start3A_672] : memref<2x16x128xi32, #tpu.memory_space<vmem>> -> memref<1x1x128xi32, #tpu.memory_space<vmem>>
        %dma_start3A_674 = tpu.memref_squeeze %dma_start3A_673 : memref<1x1x128xi32, #tpu.memory_space<vmem>> -> memref<128xi32, #tpu.memory_space<vmem>>
        %dma_start3A_675 = arith.constant 0 : i32
        %dma_start3A_676 = arith.constant 0 : i32
        %dma_start3A_677 = tpu.memref_slice %arg2[%dma_start3A_675, %dma_start3A_676] : memref<39112x32xbf16, #tpu.memory_space<hbm>> -> memref<39112x32xbf16, #tpu.memory_space<hbm>>
        tpu.enqueue_indirect_dma source(%dma_start3A_677 : memref<39112x32xbf16, #tpu.memory_space<hbm>>) target(%dma_start3A_671 : memref<128x32xbf16, #tpu.memory_space<vmem>>) offsets(%dma_start3A_674 : memref<128xi32, #tpu.memory_space<vmem>>) semaphore(%arg8 : memref<!tpu.dma_semaphore, #tpu.memory_space<semaphore_mem>>)
        %dma_start3A_678 = arith.constant 0 : i32
        %dma_start3A_679 = arith.constant 6 : i32
        %dma_start3A_680 = arith.constant 0 : i32
        %dma_start3A_681 = arith.constant 768 : i32
        %dma_start3A_682 = arith.constant 0 : i32
        %dma_start3A_683 = tpu.memref_slice %arg6[%dma_start3A_680, %dma_start3A_681, %dma_start3A_682] : memref<2x2048x32xbf16, #tpu.memory_space<vmem>> -> memref<1x128x32xbf16, #tpu.memory_space<vmem>>
        %dma_start3A_684 = tpu.memref_squeeze %dma_start3A_683 : memref<1x128x32xbf16, #tpu.memory_space<vmem>> -> memref<128x32xbf16, #tpu.memory_space<vmem>>
        %dma_start3A_685 = arith.constant 0 : i32
        %dma_start3A_686 = tpu.memref_slice %arg5[%dma_start3A_678, %dma_start3A_679, %dma_start3A_685] : memref<2x16x128xi32, #tpu.memory_space<vmem>> -> memref<1x1x128xi32, #tpu.memory_space<vmem>>
        %dma_start3A_687 = tpu.memref_squeeze %dma_start3A_686 : memref<1x1x128xi32, #tpu.memory_space<vmem>> -> memref<128xi32, #tpu.memory_space<vmem>>
        %dma_start3A_688 = arith.constant 0 : i32
        %dma_start3A_689 = arith.constant 0 : i32
        %dma_start3A_690 = tpu.memref_slice %arg2[%dma_start3A_688, %dma_start3A_689] : memref<39112x32xbf16, #tpu.memory_space<hbm>> -> memref<39112x32xbf16, #tpu.memory_space<hbm>>
        tpu.enqueue_indirect_dma source(%dma_start3A_690 : memref<39112x32xbf16, #tpu.memory_space<hbm>>) target(%dma_start3A_684 : memref<128x32xbf16, #tpu.memory_space<vmem>>) offsets(%dma_start3A_687 : memref<128xi32, #tpu.memory_space<vmem>>) semaphore(%arg8 : memref<!tpu.dma_semaphore, #tpu.memory_space<semaphore_mem>>)
        %dma_start3A_691 = arith.constant 0 : i32
        %dma_start3A_692 = arith.constant 7 : i32
        %dma_start3A_693 = arith.constant 0 : i32
        %dma_start3A_694 = arith.constant 896 : i32
        %dma_start3A_695 = arith.constant 0 : i32
        %dma_start3A_696 = tpu.memref_slice %arg6[%dma_start3A_693, %dma_start3A_694, %dma_start3A_695] : memref<2x2048x32xbf16, #tpu.memory_space<vmem>> -> memref<1x128x32xbf16, #tpu.memory_space<vmem>>
        %dma_start3A_697 = tpu.memref_squeeze %dma_start3A_696 : memref<1x128x32xbf16, #tpu.memory_space<vmem>> -> memref<128x32xbf16, #tpu.memory_space<vmem>>
        %dma_start3A_698 = arith.constant 0 : i32
        %dma_start3A_699 = tpu.memref_slice %arg5[%dma_start3A_691, %dma_start3A_692, %dma_start3A_698] : memref<2x16x128xi32, #tpu.memory_space<vmem>> -> memref<1x1x128xi32, #tpu.memory_space<vmem>>
        %dma_start3A_700 = tpu.memref_squeeze %dma_start3A_699 : memref<1x1x128xi32, #tpu.memory_space<vmem>> -> memref<128xi32, #tpu.memory_space<vmem>>
        %dma_start3A_701 = arith.constant 0 : i32
        %dma_start3A_702 = arith.constant 0 : i32
        %dma_start3A_703 = tpu.memref_slice %arg2[%dma_start3A_701, %dma_start3A_702] : memref<39112x32xbf16, #tpu.memory_space<hbm>> -> memref<39112x32xbf16, #tpu.memory_space<hbm>>
        tpu.enqueue_indirect_dma source(%dma_start3A_703 : memref<39112x32xbf16, #tpu.memory_space<hbm>>) target(%dma_start3A_697 : memref<128x32xbf16, #tpu.memory_space<vmem>>) offsets(%dma_start3A_700 : memref<128xi32, #tpu.memory_space<vmem>>) semaphore(%arg8 : memref<!tpu.dma_semaphore, #tpu.memory_space<semaphore_mem>>)
        %dma_start3A_704 = arith.constant 0 : i32
        %dma_start3A_705 = arith.constant 8 : i32
        %dma_start3A_706 = arith.constant 0 : i32
        %dma_start3A_707 = arith.constant 1024 : i32
        %dma_start3A_708 = arith.constant 0 : i32
        %dma_start3A_709 = tpu.memref_slice %arg6[%dma_start3A_706, %dma_start3A_707, %dma_start3A_708] : memref<2x2048x32xbf16, #tpu.memory_space<vmem>> -> memref<1x128x32xbf16, #tpu.memory_space<vmem>>
        %dma_start3A_710 = tpu.memref_squeeze %dma_start3A_709 : memref<1x128x32xbf16, #tpu.memory_space<vmem>> -> memref<128x32xbf16, #tpu.memory_space<vmem>>
        %dma_start3A_711 = arith.constant 0 : i32
        %dma_start3A_712 = tpu.memref_slice %arg5[%dma_start3A_704, %dma_start3A_705, %dma_start3A_711] : memref<2x16x128xi32, #tpu.memory_space<vmem>> -> memref<1x1x128xi32, #tpu.memory_space<vmem>>
        %dma_start3A_713 = tpu.memref_squeeze %dma_start3A_712 : memref<1x1x128xi32, #tpu.memory_space<vmem>> -> memref<128xi32, #tpu.memory_space<vmem>>
        %dma_start3A_714 = arith.constant 0 : i32
        %dma_start3A_715 = arith.constant 0 : i32
        %dma_start3A_716 = tpu.memref_slice %arg2[%dma_start3A_714, %dma_start3A_715] : memref<39112x32xbf16, #tpu.memory_space<hbm>> -> memref<39112x32xbf16, #tpu.memory_space<hbm>>
        tpu.enqueue_indirect_dma source(%dma_start3A_716 : memref<39112x32xbf16, #tpu.memory_space<hbm>>) target(%dma_start3A_710 : memref<128x32xbf16, #tpu.memory_space<vmem>>) offsets(%dma_start3A_713 : memref<128xi32, #tpu.memory_space<vmem>>) semaphore(%arg8 : memref<!tpu.dma_semaphore, #tpu.memory_space<semaphore_mem>>)
        %dma_start3A_717 = arith.constant 0 : i32
        %dma_start3A_718 = arith.constant 9 : i32
        %dma_start3A_719 = arith.constant 0 : i32
        %dma_start3A_720 = arith.constant 1152 : i32
        %dma_start3A_721 = arith.constant 0 : i32
        %dma_start3A_722 = tpu.memref_slice %arg6[%dma_start3A_719, %dma_start3A_720, %dma_start3A_721] : memref<2x2048x32xbf16, #tpu.memory_space<vmem>> -> memref<1x128x32xbf16, #tpu.memory_space<vmem>>
        %dma_start3A_723 = tpu.memref_squeeze %dma_start3A_722 : memref<1x128x32xbf16, #tpu.memory_space<vmem>> -> memref<128x32xbf16, #tpu.memory_space<vmem>>
        %dma_start3A_724 = arith.constant 0 : i32
        %dma_start3A_725 = tpu.memref_slice %arg5[%dma_start3A_717, %dma_start3A_718, %dma_start3A_724] : memref<2x16x128xi32, #tpu.memory_space<vmem>> -> memref<1x1x128xi32, #tpu.memory_space<vmem>>
        %dma_start3A_726 = tpu.memref_squeeze %dma_start3A_725 : memref<1x1x128xi32, #tpu.memory_space<vmem>> -> memref<128xi32, #tpu.memory_space<vmem>>
        %dma_start3A_727 = arith.constant 0 : i32
        %dma_start3A_728 = arith.constant 0 : i32
        %dma_start3A_729 = tpu.memref_slice %arg2[%dma_start3A_727, %dma_start3A_728] : memref<39112x32xbf16, #tpu.memory_space<hbm>> -> memref<39112x32xbf16, #tpu.memory_space<hbm>>
        tpu.enqueue_indirect_dma source(%dma_start3A_729 : memref<39112x32xbf16, #tpu.memory_space<hbm>>) target(%dma_start3A_723 : memref<128x32xbf16, #tpu.memory_space<vmem>>) offsets(%dma_start3A_726 : memref<128xi32, #tpu.memory_space<vmem>>) semaphore(%arg8 : memref<!tpu.dma_semaphore, #tpu.memory_space<semaphore_mem>>)
        %dma_start3A_730 = arith.constant 0 : i32
        %dma_start3A_731 = arith.constant 10 : i32
        %dma_start3A_732 = arith.constant 0 : i32
        %dma_start3A_733 = arith.constant 1280 : i32
        %dma_start3A_734 = arith.constant 0 : i32
        %dma_start3A_735 = tpu.memref_slice %arg6[%dma_start3A_732, %dma_start3A_733, %dma_start3A_734] : memref<2x2048x32xbf16, #tpu.memory_space<vmem>> -> memref<1x128x32xbf16, #tpu.memory_space<vmem>>
        %dma_start3A_736 = tpu.memref_squeeze %dma_start3A_735 : memref<1x128x32xbf16, #tpu.memory_space<vmem>> -> memref<128x32xbf16, #tpu.memory_space<vmem>>
        %dma_start3A_737 = arith.constant 0 : i32
        %dma_start3A_738 = tpu.memref_slice %arg5[%dma_start3A_730, %dma_start3A_731, %dma_start3A_737] : memref<2x16x128xi32, #tpu.memory_space<vmem>> -> memref<1x1x128xi32, #tpu.memory_space<vmem>>
        %dma_start3A_739 = tpu.memref_squeeze %dma_start3A_738 : memref<1x1x128xi32, #tpu.memory_space<vmem>> -> memref<128xi32, #tpu.memory_space<vmem>>
        %dma_start3A_740 = arith.constant 0 : i32
        %dma_start3A_741 = arith.constant 0 : i32
        %dma_start3A_742 = tpu.memref_slice %arg2[%dma_start3A_740, %dma_start3A_741] : memref<39112x32xbf16, #tpu.memory_space<hbm>> -> memref<39112x32xbf16, #tpu.memory_space<hbm>>
        tpu.enqueue_indirect_dma source(%dma_start3A_742 : memref<39112x32xbf16, #tpu.memory_space<hbm>>) target(%dma_start3A_736 : memref<128x32xbf16, #tpu.memory_space<vmem>>) offsets(%dma_start3A_739 : memref<128xi32, #tpu.memory_space<vmem>>) semaphore(%arg8 : memref<!tpu.dma_semaphore, #tpu.memory_space<semaphore_mem>>)
        %dma_start3A_743 = arith.constant 0 : i32
        %dma_start3A_744 = arith.constant 11 : i32
        %dma_start3A_745 = arith.constant 0 : i32
        %dma_start3A_746 = arith.constant 1408 : i32
        %dma_start3A_747 = arith.constant 0 : i32
        %dma_start3A_748 = tpu.memref_slice %arg6[%dma_start3A_745, %dma_start3A_746, %dma_start3A_747] : memref<2x2048x32xbf16, #tpu.memory_space<vmem>> -> memref<1x128x32xbf16, #tpu.memory_space<vmem>>
        %dma_start3A_749 = tpu.memref_squeeze %dma_start3A_748 : memref<1x128x32xbf16, #tpu.memory_space<vmem>> -> memref<128x32xbf16, #tpu.memory_space<vmem>>
        %dma_start3A_750 = arith.constant 0 : i32
        %dma_start3A_751 = tpu.memref_slice %arg5[%dma_start3A_743, %dma_start3A_744, %dma_start3A_750] : memref<2x16x128xi32, #tpu.memory_space<vmem>> -> memref<1x1x128xi32, #tpu.memory_space<vmem>>
        %dma_start3A_752 = tpu.memref_squeeze %dma_start3A_751 : memref<1x1x128xi32, #tpu.memory_space<vmem>> -> memref<128xi32, #tpu.memory_space<vmem>>
        %dma_start3A_753 = arith.constant 0 : i32
        %dma_start3A_754 = arith.constant 0 : i32
        %dma_start3A_755 = tpu.memref_slice %arg2[%dma_start3A_753, %dma_start3A_754] : memref<39112x32xbf16, #tpu.memory_space<hbm>> -> memref<39112x32xbf16, #tpu.memory_space<hbm>>
        tpu.enqueue_indirect_dma source(%dma_start3A_755 : memref<39112x32xbf16, #tpu.memory_space<hbm>>) target(%dma_start3A_749 : memref<128x32xbf16, #tpu.memory_space<vmem>>) offsets(%dma_start3A_752 : memref<128xi32, #tpu.memory_space<vmem>>) semaphore(%arg8 : memref<!tpu.dma_semaphore, #tpu.memory_space<semaphore_mem>>)
        %dma_start3A_756 = arith.constant 0 : i32
        %dma_start3A_757 = arith.constant 12 : i32
        %dma_start3A_758 = arith.constant 0 : i32
        %dma_start3A_759 = arith.constant 1536 : i32
        %dma_start3A_760 = arith.constant 0 : i32
        %dma_start3A_761 = tpu.memref_slice %arg6[%dma_start3A_758, %dma_start3A_759, %dma_start3A_760] : memref<2x2048x32xbf16, #tpu.memory_space<vmem>> -> memref<1x128x32xbf16, #tpu.memory_space<vmem>>
        %dma_start3A_762 = tpu.memref_squeeze %dma_start3A_761 : memref<1x128x32xbf16, #tpu.memory_space<vmem>> -> memref<128x32xbf16, #tpu.memory_space<vmem>>
        %dma_start3A_763 = arith.constant 0 : i32
        %dma_start3A_764 = tpu.memref_slice %arg5[%dma_start3A_756, %dma_start3A_757, %dma_start3A_763] : memref<2x16x128xi32, #tpu.memory_space<vmem>> -> memref<1x1x128xi32, #tpu.memory_space<vmem>>
        %dma_start3A_765 = tpu.memref_squeeze %dma_start3A_764 : memref<1x1x128xi32, #tpu.memory_space<vmem>> -> memref<128xi32, #tpu.memory_space<vmem>>
        %dma_start3A_766 = arith.constant 0 : i32
        %dma_start3A_767 = arith.constant 0 : i32
        %dma_start3A_768 = tpu.memref_slice %arg2[%dma_start3A_766, %dma_start3A_767] : memref<39112x32xbf16, #tpu.memory_space<hbm>> -> memref<39112x32xbf16, #tpu.memory_space<hbm>>
        tpu.enqueue_indirect_dma source(%dma_start3A_768 : memref<39112x32xbf16, #tpu.memory_space<hbm>>) target(%dma_start3A_762 : memref<128x32xbf16, #tpu.memory_space<vmem>>) offsets(%dma_start3A_765 : memref<128xi32, #tpu.memory_space<vmem>>) semaphore(%arg8 : memref<!tpu.dma_semaphore, #tpu.memory_space<semaphore_mem>>)
        %dma_start3A_769 = arith.constant 0 : i32
        %dma_start3A_770 = arith.constant 13 : i32
        %dma_start3A_771 = arith.constant 0 : i32
        %dma_start3A_772 = arith.constant 1664 : i32
        %dma_start3A_773 = arith.constant 0 : i32
        %dma_start3A_774 = tpu.memref_slice %arg6[%dma_start3A_771, %dma_start3A_772, %dma_start3A_773] : memref<2x2048x32xbf16, #tpu.memory_space<vmem>> -> memref<1x128x32xbf16, #tpu.memory_space<vmem>>
        %dma_start3A_775 = tpu.memref_squeeze %dma_start3A_774 : memref<1x128x32xbf16, #tpu.memory_space<vmem>> -> memref<128x32xbf16, #tpu.memory_space<vmem>>
        %dma_start3A_776 = arith.constant 0 : i32
        %dma_start3A_777 = tpu.memref_slice %arg5[%dma_start3A_769, %dma_start3A_770, %dma_start3A_776] : memref<2x16x128xi32, #tpu.memory_space<vmem>> -> memref<1x1x128xi32, #tpu.memory_space<vmem>>
        %dma_start3A_778 = tpu.memref_squeeze %dma_start3A_777 : memref<1x1x128xi32, #tpu.memory_space<vmem>> -> memref<128xi32, #tpu.memory_space<vmem>>
        %dma_start3A_779 = arith.constant 0 : i32
        %dma_start3A_780 = arith.constant 0 : i32
        %dma_start3A_781 = tpu.memref_slice %arg2[%dma_start3A_779, %dma_start3A_780] : memref<39112x32xbf16, #tpu.memory_space<hbm>> -> memref<39112x32xbf16, #tpu.memory_space<hbm>>
        tpu.enqueue_indirect_dma source(%dma_start3A_781 : memref<39112x32xbf16, #tpu.memory_space<hbm>>) target(%dma_start3A_775 : memref<128x32xbf16, #tpu.memory_space<vmem>>) offsets(%dma_start3A_778 : memref<128xi32, #tpu.memory_space<vmem>>) semaphore(%arg8 : memref<!tpu.dma_semaphore, #tpu.memory_space<semaphore_mem>>)
        %dma_start3A_782 = arith.constant 0 : i32
        %dma_start3A_783 = arith.constant 14 : i32
        %dma_start3A_784 = arith.constant 0 : i32
        %dma_start3A_785 = arith.constant 1792 : i32
        %dma_start3A_786 = arith.constant 0 : i32
        %dma_start3A_787 = tpu.memref_slice %arg6[%dma_start3A_784, %dma_start3A_785, %dma_start3A_786] : memref<2x2048x32xbf16, #tpu.memory_space<vmem>> -> memref<1x128x32xbf16, #tpu.memory_space<vmem>>
        %dma_start3A_788 = tpu.memref_squeeze %dma_start3A_787 : memref<1x128x32xbf16, #tpu.memory_space<vmem>> -> memref<128x32xbf16, #tpu.memory_space<vmem>>
        %dma_start3A_789 = arith.constant 0 : i32
        %dma_start3A_790 = tpu.memref_slice %arg5[%dma_start3A_782, %dma_start3A_783, %dma_start3A_789] : memref<2x16x128xi32, #tpu.memory_space<vmem>> -> memref<1x1x128xi32, #tpu.memory_space<vmem>>
        %dma_start3A_791 = tpu.memref_squeeze %dma_start3A_790 : memref<1x1x128xi32, #tpu.memory_space<vmem>> -> memref<128xi32, #tpu.memory_space<vmem>>
        %dma_start3A_792 = arith.constant 0 : i32
        %dma_start3A_793 = arith.constant 0 : i32
        %dma_start3A_794 = tpu.memref_slice %arg2[%dma_start3A_792, %dma_start3A_793] : memref<39112x32xbf16, #tpu.memory_space<hbm>> -> memref<39112x32xbf16, #tpu.memory_space<hbm>>
        tpu.enqueue_indirect_dma source(%dma_start3A_794 : memref<39112x32xbf16, #tpu.memory_space<hbm>>) target(%dma_start3A_788 : memref<128x32xbf16, #tpu.memory_space<vmem>>) offsets(%dma_start3A_791 : memref<128xi32, #tpu.memory_space<vmem>>) semaphore(%arg8 : memref<!tpu.dma_semaphore, #tpu.memory_space<semaphore_mem>>)
        %dma_start3A_795 = arith.constant 0 : i32
        %dma_start3A_796 = arith.constant 15 : i32
        %dma_start3A_797 = arith.constant 0 : i32
        %dma_start3A_798 = arith.constant 1920 : i32
        %dma_start3A_799 = arith.constant 0 : i32
        %dma_start3A_800 = tpu.memref_slice %arg6[%dma_start3A_797, %dma_start3A_798, %dma_start3A_799] : memref<2x2048x32xbf16, #tpu.memory_space<vmem>> -> memref<1x128x32xbf16, #tpu.memory_space<vmem>>
        %dma_start3A_801 = tpu.memref_squeeze %dma_start3A_800 : memref<1x128x32xbf16, #tpu.memory_space<vmem>> -> memref<128x32xbf16, #tpu.memory_space<vmem>>
        %dma_start3A_802 = arith.constant 0 : i32
        %dma_start3A_803 = tpu.memref_slice %arg5[%dma_start3A_795, %dma_start3A_796, %dma_start3A_802] : memref<2x16x128xi32, #tpu.memory_space<vmem>> -> memref<1x1x128xi32, #tpu.memory_space<vmem>>
        %dma_start3A_804 = tpu.memref_squeeze %dma_start3A_803 : memref<1x1x128xi32, #tpu.memory_space<vmem>> -> memref<128xi32, #tpu.memory_space<vmem>>
        %dma_start3A_805 = arith.constant 0 : i32
        %dma_start3A_806 = arith.constant 0 : i32
        %dma_start3A_807 = tpu.memref_slice %arg2[%dma_start3A_805, %dma_start3A_806] : memref<39112x32xbf16, #tpu.memory_space<hbm>> -> memref<39112x32xbf16, #tpu.memory_space<hbm>>
        tpu.enqueue_indirect_dma source(%dma_start3A_807 : memref<39112x32xbf16, #tpu.memory_space<hbm>>) target(%dma_start3A_801 : memref<128x32xbf16, #tpu.memory_space<vmem>>) offsets(%dma_start3A_804 : memref<128xi32, #tpu.memory_space<vmem>>) semaphore(%arg8 : memref<!tpu.dma_semaphore, #tpu.memory_space<semaphore_mem>>)
      } else {
      }
      %mul3A_519 = arith.constant 2 : i32
      %mul3A_520 = arith.muli %mul3A_519, %scan3A_460 : i32
      %add3A_521 = arith.constant 1 : i32
      %add3A_522 = arith.addi %mul3A_520, %add3A_521 : i32
      %dma_wait3A_523 = arith.constant 1 : i32
      %dma_wait3A_524 = arith.constant 0 : i32
      %dma_wait3A_525 = arith.constant 0 : i32
      %dma_wait3A_526 = tpu.memref_slice %arg6[%dma_wait3A_523, %dma_wait3A_524, %dma_wait3A_525] : memref<2x2048x32xbf16, #tpu.memory_space<vmem>> -> memref<1x2048x32xbf16, #tpu.memory_space<vmem>>
      %dma_wait3A_527 = tpu.memref_squeeze %dma_wait3A_526 : memref<1x2048x32xbf16, #tpu.memory_space<vmem>> -> memref<2048x32xbf16, #tpu.memory_space<vmem>>
      %dma_wait3A_528 = arith.constant 0 : i32
      %dma_wait3A_529 = arith.constant 0 : i32
      %dma_wait3A_530 = tpu.memref_slice %arg2[%dma_wait3A_528, %dma_wait3A_529] : memref<39112x32xbf16, #tpu.memory_space<hbm>> -> memref<2048x32xbf16, #tpu.memory_space<hbm>>
      %dma_wait3A_531 = arith.constant 0 : i32
      %dma_wait3A_532 = arith.constant 0 : i32
      %dma_wait3A_533 = tpu.memref_slice %arg6[%dma_wait3A_523, %dma_wait3A_531, %dma_wait3A_532] : memref<2x2048x32xbf16, #tpu.memory_space<vmem>> -> memref<1x2048x32xbf16, #tpu.memory_space<vmem>>
      %dma_wait3A_534 = tpu.memref_squeeze %dma_wait3A_533 : memref<1x2048x32xbf16, #tpu.memory_space<vmem>> -> memref<2048x32xbf16, #tpu.memory_space<vmem>>
      %dma_wait3A_535 = arith.constant 0 : i32
      %dma_wait3A_536 = arith.constant 0 : i32
      %dma_wait3A_537 = tpu.memref_slice %arg2[%dma_wait3A_535, %dma_wait3A_536] : memref<39112x32xbf16, #tpu.memory_space<hbm>> -> memref<2048x32xbf16, #tpu.memory_space<hbm>>
      tpu.wait_dma2 semaphore(%arg9 : memref<!tpu.dma_semaphore, #tpu.memory_space<semaphore_mem>>) src(%dma_wait3A_537 : memref<2048x32xbf16, #tpu.memory_space<hbm>>) dst(%dma_wait3A_534 : memref<2048x32xbf16, #tpu.memory_space<vmem>>)
      %add3A_538 = arith.constant 2 : i32
      %add3A_539 = arith.addi %add3A_522, %add3A_538 : i32
      %lt3A_540 = arith.constant 32 : i32
      %lt3A_541 = arith.cmpi slt, %add3A_539, %lt3A_540 : i32
      %convert_element_type3A_542 = arith.extui %lt3A_541 : i1 to i32
      %cond3A_543 = arith.constant 0 : i32
      %cond3A_544 = arith.cmpi ne, %convert_element_type3A_542, %cond3A_543 : i32
      scf.if %cond3A_544 {
        %add3A_583 = arith.constant 2 : i32
        %add3A_584 = arith.addi %add3A_522, %add3A_583 : i32
        %mul3A_585 = arith.constant 512 : i32
        %mul3A_586 = arith.muli %add3A, %mul3A_585 : i32
        %mul3A_587 = arith.constant 16 : i32
        %mul3A_588 = arith.muli %add3A_584, %mul3A_587 : i32
        %add3A_589 = arith.addi %mul3A_586, %mul3A_588 : i32
        %dma_start3A_590 = arith.constant 1 : i32
        %dma_start3A_591 = arith.constant 0 : i32
        %dma_start3A_592 = arith.constant 0 : i32
        %dma_start3A_593 = tpu.memref_slice %arg5[%dma_start3A_590, %dma_start3A_591, %dma_start3A_592] : memref<2x16x128xi32, #tpu.memory_space<vmem>> -> memref<1x16x128xi32, #tpu.memory_space<vmem>>
        %dma_start3A_594 = tpu.memref_squeeze %dma_start3A_593 : memref<1x16x128xi32, #tpu.memory_space<vmem>> -> memref<16x128xi32, #tpu.memory_space<vmem>>
        %dma_start3A_595 = arith.constant 0 : i32
        %dma_start3A_596 = tpu.memref_slice %arg3[%add3A_589, %dma_start3A_595] : memref<16384x128xi32, #tpu.memory_space<hbm>> -> memref<16x128xi32, #tpu.memory_space<hbm>>
        %dma_start3A_597 = arith.constant 0 : i32
        %dma_start3A_598 = arith.constant 0 : i32
        %dma_start3A_599 = tpu.memref_slice %arg5[%dma_start3A_590, %dma_start3A_597, %dma_start3A_598] : memref<2x16x128xi32, #tpu.memory_space<vmem>> -> memref<1x16x128xi32, #tpu.memory_space<vmem>>
        %dma_start3A_600 = tpu.memref_squeeze %dma_start3A_599 : memref<1x16x128xi32, #tpu.memory_space<vmem>> -> memref<16x128xi32, #tpu.memory_space<vmem>>
        %dma_start3A_601 = arith.constant 0 : i32
        %dma_start3A_602 = tpu.memref_slice %arg3[%add3A_589, %dma_start3A_601] : memref<16384x128xi32, #tpu.memory_space<hbm>> -> memref<16x128xi32, #tpu.memory_space<hbm>>
        tpu.enqueue_dma source(%dma_start3A_602 : memref<16x128xi32, #tpu.memory_space<hbm>>) target(%dma_start3A_600 : memref<16x128xi32, #tpu.memory_space<vmem>>) target_semaphore(%arg11 : memref<!tpu.dma_semaphore, #tpu.memory_space<semaphore_mem>>)
      } else {
      }
      %ge3A_545 = arith.constant 2 : i32
      %ge3A_546 = arith.cmpi sge, %add3A_522, %ge3A_545 : i32
      %convert_element_type3A_547 = arith.extui %ge3A_546 : i1 to i32
      %cond3A_548 = arith.constant 0 : i32
      %cond3A_549 = arith.cmpi ne, %convert_element_type3A_547, %cond3A_548 : i32
      scf.if %cond3A_549 {
        %dma_wait3A_583 = arith.constant 1 : i32
        %dma_wait3A_584 = arith.constant 0 : i32
        %dma_wait3A_585 = arith.constant 0 : i32
        %dma_wait3A_586 = tpu.memref_slice %arg7[%dma_wait3A_583, %dma_wait3A_584, %dma_wait3A_585] : memref<2x128x32xbf16, #tpu.memory_space<vmem>> -> memref<1x128x32xbf16, #tpu.memory_space<vmem>>
        %dma_wait3A_587 = tpu.memref_squeeze %dma_wait3A_586 : memref<1x128x32xbf16, #tpu.memory_space<vmem>> -> memref<128x32xbf16, #tpu.memory_space<vmem>>
        %dma_wait3A_588 = arith.constant 0 : i32
        %dma_wait3A_589 = arith.constant 0 : i32
        %dma_wait3A_590 = tpu.memref_slice %arg4[%dma_wait3A_588, %dma_wait3A_589] : memref<131072x32xbf16, #tpu.memory_space<hbm>> -> memref<128x32xbf16, #tpu.memory_space<hbm>>
        %dma_wait3A_591 = arith.constant 0 : i32
        %dma_wait3A_592 = arith.constant 0 : i32
        %dma_wait3A_593 = tpu.memref_slice %arg4[%dma_wait3A_591, %dma_wait3A_592] : memref<131072x32xbf16, #tpu.memory_space<hbm>> -> memref<128x32xbf16, #tpu.memory_space<hbm>>
        %dma_wait3A_594 = arith.constant 0 : i32
        %dma_wait3A_595 = arith.constant 0 : i32
        %dma_wait3A_596 = tpu.memref_slice %arg7[%dma_wait3A_583, %dma_wait3A_594, %dma_wait3A_595] : memref<2x128x32xbf16, #tpu.memory_space<vmem>> -> memref<1x128x32xbf16, #tpu.memory_space<vmem>>
        %dma_wait3A_597 = tpu.memref_squeeze %dma_wait3A_596 : memref<1x128x32xbf16, #tpu.memory_space<vmem>> -> memref<128x32xbf16, #tpu.memory_space<vmem>>
        tpu.wait_dma2 semaphore(%arg13 : memref<!tpu.dma_semaphore, #tpu.memory_space<semaphore_mem>>) src(%dma_wait3A_597 : memref<128x32xbf16, #tpu.memory_space<vmem>>) dst(%dma_wait3A_593 : memref<128x32xbf16, #tpu.memory_space<hbm>>)
      } else {
      }
      %scan3A_550 = arith.constant 0 : i32
      %scan3A_551 = arith.constant 0 : i32
      %scan3A_552 = arith.constant 128 : i32
      %scan3A_553 = arith.addi %scan3A_551, %scan3A_552 : i32
      %scan3A_554 = arith.constant 1 : i32
      %scan3A_555 = scf.for %scan3A_583 = %scan3A_551 to %scan3A_553 step %scan3A_554 iter_args(%scan3A_584 = %scan3A_550) -> (i32)  : i32 {
        %mul3A_585 = arith.constant 16 : i32
        %mul3A_586 = arith.muli %scan3A_583, %mul3A_585 : i32
        %get3A = arith.constant 1 : i32
        %get3A_587 = arith.index_cast %get3A : i32 to index
        %get3A_588 = arith.index_cast %mul3A_586 : i32 to index
        %get3A_589 = arith.constant 0 : index
        %get3A_590 = tpu.vector_load %arg6[%get3A_587, %get3A_588, %get3A_589] {strides = array<i32>} : memref<2x2048x32xbf16, #tpu.memory_space<vmem>>, vector<1x1x32xbf16>,
        %get3A_591 = vector.shape_cast %get3A_590 : vector<1x1x32xbf16> to vector<32xbf16>
        %add3A_592 = arith.constant 1 : i32
        %add3A_593 = arith.addi %mul3A_586, %add3A_592 : i32
        %get3A_594 = arith.constant 1 : i32
        %get3A_595 = arith.index_cast %get3A_594 : i32 to index
        %get3A_596 = arith.index_cast %add3A_593 : i32 to index
        %get3A_597 = arith.constant 0 : index
        %get3A_598 = tpu.vector_load %arg6[%get3A_595, %get3A_596, %get3A_597] {strides = array<i32>} : memref<2x2048x32xbf16, #tpu.memory_space<vmem>>, vector<1x1x32xbf16>,
        %get3A_599 = vector.shape_cast %get3A_598 : vector<1x1x32xbf16> to vector<32xbf16>
        %add3A_600 = arith.addf %get3A_591, %get3A_599 : vector<32xbf16>
        %add3A_601 = arith.constant 2 : i32
        %add3A_602 = arith.addi %mul3A_586, %add3A_601 : i32
        %get3A_603 = arith.constant 1 : i32
        %get3A_604 = arith.index_cast %get3A_603 : i32 to index
        %get3A_605 = arith.index_cast %add3A_602 : i32 to index
        %get3A_606 = arith.constant 0 : index
        %get3A_607 = tpu.vector_load %arg6[%get3A_604, %get3A_605, %get3A_606] {strides = array<i32>} : memref<2x2048x32xbf16, #tpu.memory_space<vmem>>, vector<1x1x32xbf16>,
        %get3A_608 = vector.shape_cast %get3A_607 : vector<1x1x32xbf16> to vector<32xbf16>
        %add3A_609 = arith.addf %add3A_600, %get3A_608 : vector<32xbf16>
        %add3A_610 = arith.constant 3 : i32
        %add3A_611 = arith.addi %mul3A_586, %add3A_610 : i32
        %get3A_612 = arith.constant 1 : i32
        %get3A_613 = arith.index_cast %get3A_612 : i32 to index
        %get3A_614 = arith.index_cast %add3A_611 : i32 to index
        %get3A_615 = arith.constant 0 : index
        %get3A_616 = tpu.vector_load %arg6[%get3A_613, %get3A_614, %get3A_615] {strides = array<i32>} : memref<2x2048x32xbf16, #tpu.memory_space<vmem>>, vector<1x1x32xbf16>,
        %get3A_617 = vector.shape_cast %get3A_616 : vector<1x1x32xbf16> to vector<32xbf16>
        %add3A_618 = arith.addf %add3A_609, %get3A_617 : vector<32xbf16>
        %add3A_619 = arith.constant 4 : i32
        %add3A_620 = arith.addi %mul3A_586, %add3A_619 : i32
        %get3A_621 = arith.constant 1 : i32
        %get3A_622 = arith.index_cast %get3A_621 : i32 to index
        %get3A_623 = arith.index_cast %add3A_620 : i32 to index
        %get3A_624 = arith.constant 0 : index
        %get3A_625 = tpu.vector_load %arg6[%get3A_622, %get3A_623, %get3A_624] {strides = array<i32>} : memref<2x2048x32xbf16, #tpu.memory_space<vmem>>, vector<1x1x32xbf16>,
        %get3A_626 = vector.shape_cast %get3A_625 : vector<1x1x32xbf16> to vector<32xbf16>
        %add3A_627 = arith.addf %add3A_618, %get3A_626 : vector<32xbf16>
        %add3A_628 = arith.constant 5 : i32
        %add3A_629 = arith.addi %mul3A_586, %add3A_628 : i32
        %get3A_630 = arith.constant 1 : i32
        %get3A_631 = arith.index_cast %get3A_630 : i32 to index
        %get3A_632 = arith.index_cast %add3A_629 : i32 to index
        %get3A_633 = arith.constant 0 : index
        %get3A_634 = tpu.vector_load %arg6[%get3A_631, %get3A_632, %get3A_633] {strides = array<i32>} : memref<2x2048x32xbf16, #tpu.memory_space<vmem>>, vector<1x1x32xbf16>,
        %get3A_635 = vector.shape_cast %get3A_634 : vector<1x1x32xbf16> to vector<32xbf16>
        %add3A_636 = arith.addf %add3A_627, %get3A_635 : vector<32xbf16>
        %add3A_637 = arith.constant 6 : i32
        %add3A_638 = arith.addi %mul3A_586, %add3A_637 : i32
        %get3A_639 = arith.constant 1 : i32
        %get3A_640 = arith.index_cast %get3A_639 : i32 to index
        %get3A_641 = arith.index_cast %add3A_638 : i32 to index
        %get3A_642 = arith.constant 0 : index
        %get3A_643 = tpu.vector_load %arg6[%get3A_640, %get3A_641, %get3A_642] {strides = array<i32>} : memref<2x2048x32xbf16, #tpu.memory_space<vmem>>, vector<1x1x32xbf16>,
        %get3A_644 = vector.shape_cast %get3A_643 : vector<1x1x32xbf16> to vector<32xbf16>
        %add3A_645 = arith.addf %add3A_636, %get3A_644 : vector<32xbf16>
        %add3A_646 = arith.constant 7 : i32
        %add3A_647 = arith.addi %mul3A_586, %add3A_646 : i32
        %get3A_648 = arith.constant 1 : i32
        %get3A_649 = arith.index_cast %get3A_648 : i32 to index
        %get3A_650 = arith.index_cast %add3A_647 : i32 to index
        %get3A_651 = arith.constant 0 : index
        %get3A_652 = tpu.vector_load %arg6[%get3A_649, %get3A_650, %get3A_651] {strides = array<i32>} : memref<2x2048x32xbf16, #tpu.memory_space<vmem>>, vector<1x1x32xbf16>,
        %get3A_653 = vector.shape_cast %get3A_652 : vector<1x1x32xbf16> to vector<32xbf16>
        %add3A_654 = arith.addf %add3A_645, %get3A_653 : vector<32xbf16>
        %add3A_655 = arith.constant 8 : i32
        %add3A_656 = arith.addi %mul3A_586, %add3A_655 : i32
        %get3A_657 = arith.constant 1 : i32
        %get3A_658 = arith.index_cast %get3A_657 : i32 to index
        %get3A_659 = arith.index_cast %add3A_656 : i32 to index
        %get3A_660 = arith.constant 0 : index
        %get3A_661 = tpu.vector_load %arg6[%get3A_658, %get3A_659, %get3A_660] {strides = array<i32>} : memref<2x2048x32xbf16, #tpu.memory_space<vmem>>, vector<1x1x32xbf16>,
        %get3A_662 = vector.shape_cast %get3A_661 : vector<1x1x32xbf16> to vector<32xbf16>
        %add3A_663 = arith.addf %add3A_654, %get3A_662 : vector<32xbf16>
        %add3A_664 = arith.constant 9 : i32
        %add3A_665 = arith.addi %mul3A_586, %add3A_664 : i32
        %get3A_666 = arith.constant 1 : i32
        %get3A_667 = arith.index_cast %get3A_666 : i32 to index
        %get3A_668 = arith.index_cast %add3A_665 : i32 to index
        %get3A_669 = arith.constant 0 : index
        %get3A_670 = tpu.vector_load %arg6[%get3A_667, %get3A_668, %get3A_669] {strides = array<i32>} : memref<2x2048x32xbf16, #tpu.memory_space<vmem>>, vector<1x1x32xbf16>,
        %get3A_671 = vector.shape_cast %get3A_670 : vector<1x1x32xbf16> to vector<32xbf16>
        %add3A_672 = arith.addf %add3A_663, %get3A_671 : vector<32xbf16>
        %add3A_673 = arith.constant 10 : i32
        %add3A_674 = arith.addi %mul3A_586, %add3A_673 : i32
        %get3A_675 = arith.constant 1 : i32
        %get3A_676 = arith.index_cast %get3A_675 : i32 to index
        %get3A_677 = arith.index_cast %add3A_674 : i32 to index
        %get3A_678 = arith.constant 0 : index
        %get3A_679 = tpu.vector_load %arg6[%get3A_676, %get3A_677, %get3A_678] {strides = array<i32>} : memref<2x2048x32xbf16, #tpu.memory_space<vmem>>, vector<1x1x32xbf16>,
        %get3A_680 = vector.shape_cast %get3A_679 : vector<1x1x32xbf16> to vector<32xbf16>
        %add3A_681 = arith.addf %add3A_672, %get3A_680 : vector<32xbf16>
        %add3A_682 = arith.constant 11 : i32
        %add3A_683 = arith.addi %mul3A_586, %add3A_682 : i32
        %get3A_684 = arith.constant 1 : i32
        %get3A_685 = arith.index_cast %get3A_684 : i32 to index
        %get3A_686 = arith.index_cast %add3A_683 : i32 to index
        %get3A_687 = arith.constant 0 : index
        %get3A_688 = tpu.vector_load %arg6[%get3A_685, %get3A_686, %get3A_687] {strides = array<i32>} : memref<2x2048x32xbf16, #tpu.memory_space<vmem>>, vector<1x1x32xbf16>,
        %get3A_689 = vector.shape_cast %get3A_688 : vector<1x1x32xbf16> to vector<32xbf16>
        %add3A_690 = arith.addf %add3A_681, %get3A_689 : vector<32xbf16>
        %add3A_691 = arith.constant 12 : i32
        %add3A_692 = arith.addi %mul3A_586, %add3A_691 : i32
        %get3A_693 = arith.constant 1 : i32
        %get3A_694 = arith.index_cast %get3A_693 : i32 to index
        %get3A_695 = arith.index_cast %add3A_692 : i32 to index
        %get3A_696 = arith.constant 0 : index
        %get3A_697 = tpu.vector_load %arg6[%get3A_694, %get3A_695, %get3A_696] {strides = array<i32>} : memref<2x2048x32xbf16, #tpu.memory_space<vmem>>, vector<1x1x32xbf16>,
        %get3A_698 = vector.shape_cast %get3A_697 : vector<1x1x32xbf16> to vector<32xbf16>
        %add3A_699 = arith.addf %add3A_690, %get3A_698 : vector<32xbf16>
        %add3A_700 = arith.constant 13 : i32
        %add3A_701 = arith.addi %mul3A_586, %add3A_700 : i32
        %get3A_702 = arith.constant 1 : i32
        %get3A_703 = arith.index_cast %get3A_702 : i32 to index
        %get3A_704 = arith.index_cast %add3A_701 : i32 to index
        %get3A_705 = arith.constant 0 : index
        %get3A_706 = tpu.vector_load %arg6[%get3A_703, %get3A_704, %get3A_705] {strides = array<i32>} : memref<2x2048x32xbf16, #tpu.memory_space<vmem>>, vector<1x1x32xbf16>,
        %get3A_707 = vector.shape_cast %get3A_706 : vector<1x1x32xbf16> to vector<32xbf16>
        %add3A_708 = arith.addf %add3A_699, %get3A_707 : vector<32xbf16>
        %add3A_709 = arith.constant 14 : i32
        %add3A_710 = arith.addi %mul3A_586, %add3A_709 : i32
        %get3A_711 = arith.constant 1 : i32
        %get3A_712 = arith.index_cast %get3A_711 : i32 to index
        %get3A_713 = arith.index_cast %add3A_710 : i32 to index
        %get3A_714 = arith.constant 0 : index
        %get3A_715 = tpu.vector_load %arg6[%get3A_712, %get3A_713, %get3A_714] {strides = array<i32>} : memref<2x2048x32xbf16, #tpu.memory_space<vmem>>, vector<1x1x32xbf16>,
        %get3A_716 = vector.shape_cast %get3A_715 : vector<1x1x32xbf16> to vector<32xbf16>
        %add3A_717 = arith.addf %add3A_708, %get3A_716 : vector<32xbf16>
        %add3A_718 = arith.constant 15 : i32
        %add3A_719 = arith.addi %mul3A_586, %add3A_718 : i32
        %get3A_720 = arith.constant 1 : i32
        %get3A_721 = arith.index_cast %get3A_720 : i32 to index
        %get3A_722 = arith.index_cast %add3A_719 : i32 to index
        %get3A_723 = arith.constant 0 : index
        %get3A_724 = tpu.vector_load %arg6[%get3A_721, %get3A_722, %get3A_723] {strides = array<i32>} : memref<2x2048x32xbf16, #tpu.memory_space<vmem>>, vector<1x1x32xbf16>,
        %get3A_725 = vector.shape_cast %get3A_724 : vector<1x1x32xbf16> to vector<32xbf16>
        %add3A_726 = arith.addf %add3A_717, %get3A_725 : vector<32xbf16>
        %swap3A = arith.constant 1 : i32
        %swap3A_727 = arith.index_cast %swap3A : i32 to index
        %swap3A_728 = arith.index_cast %scan3A_583 : i32 to index
        %swap3A_729 = arith.constant 0 : index
        %swap3A_730 = tpu.vector_load %arg7[%swap3A_727, %swap3A_728, %swap3A_729] {strides = array<i32>} : memref<2x128x32xbf16, #tpu.memory_space<vmem>>, vector<1x1x32xbf16>,
        %swap3A_731 = vector.shape_cast %swap3A_730 : vector<1x1x32xbf16> to vector<32xbf16>
        %swap3A_732 = vector.shape_cast %add3A_726 : vector<32xbf16> to vector<1x1x32xbf16>
        tpu.vector_store %arg7[%swap3A_727, %swap3A_728, %swap3A_729], %swap3A_732 {strides = array<i32>} : memref<2x128x32xbf16, #tpu.memory_space<vmem>>, vector<1x1x32xbf16>,
        %scan3A_733 = arith.constant 0 : i32
        scf.yield %scan3A_733 : i32
      }
      %scan3A_556 = arith.constant 128 : i32
      %mul3A_557 = arith.constant 4096 : i32
      %mul3A_558 = arith.muli %add3A, %mul3A_557 : i32
      %mul3A_559 = arith.constant 128 : i32
      %mul3A_560 = arith.muli %add3A_522, %mul3A_559 : i32
      %add3A_561 = arith.addi %mul3A_558, %mul3A_560 : i32
      %dma_start3A_562 = arith.constant 1 : i32
      %dma_start3A_563 = arith.constant 0 : i32
      %dma_start3A_564 = arith.constant 0 : i32
      %dma_start3A_565 = tpu.memref_slice %arg7[%dma_start3A_562, %dma_start3A_563, %dma_start3A_564] : memref<2x128x32xbf16, #tpu.memory_space<vmem>> -> memref<1x128x32xbf16, #tpu.memory_space<vmem>>
      %dma_start3A_566 = tpu.memref_squeeze %dma_start3A_565 : memref<1x128x32xbf16, #tpu.memory_space<vmem>> -> memref<128x32xbf16, #tpu.memory_space<vmem>>
      %dma_start3A_567 = arith.constant 0 : i32
      %dma_start3A_568 = tpu.memref_slice %arg4[%add3A_561, %dma_start3A_567] : memref<131072x32xbf16, #tpu.memory_space<hbm>> -> memref<128x32xbf16, #tpu.memory_space<hbm>>
      %dma_start3A_569 = arith.constant 0 : i32
      %dma_start3A_570 = tpu.memref_slice %arg4[%add3A_561, %dma_start3A_569] : memref<131072x32xbf16, #tpu.memory_space<hbm>> -> memref<128x32xbf16, #tpu.memory_space<hbm>>
      %dma_start3A_571 = arith.constant 0 : i32
      %dma_start3A_572 = arith.constant 0 : i32
      %dma_start3A_573 = tpu.memref_slice %arg7[%dma_start3A_562, %dma_start3A_571, %dma_start3A_572] : memref<2x128x32xbf16, #tpu.memory_space<vmem>> -> memref<1x128x32xbf16, #tpu.memory_space<vmem>>
      %dma_start3A_574 = tpu.memref_squeeze %dma_start3A_573 : memref<1x128x32xbf16, #tpu.memory_space<vmem>> -> memref<128x32xbf16, #tpu.memory_space<vmem>>
      tpu.enqueue_dma source(%dma_start3A_574 : memref<128x32xbf16, #tpu.memory_space<vmem>>) target(%dma_start3A_570 : memref<128x32xbf16, #tpu.memory_space<hbm>>) target_semaphore(%arg13 : memref<!tpu.dma_semaphore, #tpu.memory_space<semaphore_mem>>)
      %add3A_575 = arith.constant 2 : i32
      %add3A_576 = arith.addi %add3A_522, %add3A_575 : i32
      %lt3A_577 = arith.constant 32 : i32
      %lt3A_578 = arith.cmpi slt, %add3A_576, %lt3A_577 : i32
      %convert_element_type3A_579 = arith.extui %lt3A_578 : i1 to i32
      %cond3A_580 = arith.constant 0 : i32
      %cond3A_581 = arith.cmpi ne, %convert_element_type3A_579, %cond3A_580 : i32
      scf.if %cond3A_581 {
        %mul3A_583 = arith.constant 512 : i32
        %mul3A_584 = arith.muli %add3A, %mul3A_583 : i32
        %add3A_585 = arith.constant 0 : i32
        %add3A_586 = arith.addi %mul3A_584, %add3A_585 : i32
        %dma_wait3A_587 = arith.constant 1 : i32
        %dma_wait3A_588 = arith.constant 0 : i32
        %dma_wait3A_589 = arith.constant 0 : i32
        %dma_wait3A_590 = tpu.memref_slice %arg5[%dma_wait3A_587, %dma_wait3A_588, %dma_wait3A_589] : memref<2x16x128xi32, #tpu.memory_space<vmem>> -> memref<1x16x128xi32, #tpu.memory_space<vmem>>
        %dma_wait3A_591 = tpu.memref_squeeze %dma_wait3A_590 : memref<1x16x128xi32, #tpu.memory_space<vmem>> -> memref<16x128xi32, #tpu.memory_space<vmem>>
        %dma_wait3A_592 = arith.constant 0 : i32
        %dma_wait3A_593 = tpu.memref_slice %arg3[%add3A_586, %dma_wait3A_592] : memref<16384x128xi32, #tpu.memory_space<hbm>> -> memref<16x128xi32, #tpu.memory_space<hbm>>
        %dma_wait3A_594 = arith.constant 0 : i32
        %dma_wait3A_595 = arith.constant 0 : i32
        %dma_wait3A_596 = tpu.memref_slice %arg5[%dma_wait3A_587, %dma_wait3A_594, %dma_wait3A_595] : memref<2x16x128xi32, #tpu.memory_space<vmem>> -> memref<1x16x128xi32, #tpu.memory_space<vmem>>
        %dma_wait3A_597 = tpu.memref_squeeze %dma_wait3A_596 : memref<1x16x128xi32, #tpu.memory_space<vmem>> -> memref<16x128xi32, #tpu.memory_space<vmem>>
        %dma_wait3A_598 = arith.constant 0 : i32
        %dma_wait3A_599 = tpu.memref_slice %arg3[%add3A_586, %dma_wait3A_598] : memref<16384x128xi32, #tpu.memory_space<hbm>> -> memref<16x128xi32, #tpu.memory_space<hbm>>
        tpu.wait_dma2 semaphore(%arg11 : memref<!tpu.dma_semaphore, #tpu.memory_space<semaphore_mem>>) src(%dma_wait3A_599 : memref<16x128xi32, #tpu.memory_space<hbm>>) dst(%dma_wait3A_597 : memref<16x128xi32, #tpu.memory_space<vmem>>)
        %dma_start3A_600 = arith.constant 1 : i32
        %dma_start3A_601 = arith.constant 0 : i32
        %dma_start3A_602 = arith.constant 1 : i32
        %dma_start3A_603 = arith.constant 0 : i32
        %dma_start3A_604 = arith.constant 0 : i32
        %dma_start3A_605 = tpu.memref_slice %arg6[%dma_start3A_602, %dma_start3A_603, %dma_start3A_604] : memref<2x2048x32xbf16, #tpu.memory_space<vmem>> -> memref<1x128x32xbf16, #tpu.memory_space<vmem>>
        %dma_start3A_606 = tpu.memref_squeeze %dma_start3A_605 : memref<1x128x32xbf16, #tpu.memory_space<vmem>> -> memref<128x32xbf16, #tpu.memory_space<vmem>>
        %dma_start3A_607 = arith.constant 0 : i32
        %dma_start3A_608 = tpu.memref_slice %arg5[%dma_start3A_600, %dma_start3A_601, %dma_start3A_607] : memref<2x16x128xi32, #tpu.memory_space<vmem>> -> memref<1x1x128xi32, #tpu.memory_space<vmem>>
        %dma_start3A_609 = tpu.memref_squeeze %dma_start3A_608 : memref<1x1x128xi32, #tpu.memory_space<vmem>> -> memref<128xi32, #tpu.memory_space<vmem>>
        %dma_start3A_610 = arith.constant 0 : i32
        %dma_start3A_611 = arith.constant 0 : i32
        %dma_start3A_612 = tpu.memref_slice %arg2[%dma_start3A_610, %dma_start3A_611] : memref<39112x32xbf16, #tpu.memory_space<hbm>> -> memref<39112x32xbf16, #tpu.memory_space<hbm>>
        tpu.enqueue_indirect_dma source(%dma_start3A_612 : memref<39112x32xbf16, #tpu.memory_space<hbm>>) target(%dma_start3A_606 : memref<128x32xbf16, #tpu.memory_space<vmem>>) offsets(%dma_start3A_609 : memref<128xi32, #tpu.memory_space<vmem>>) semaphore(%arg9 : memref<!tpu.dma_semaphore, #tpu.memory_space<semaphore_mem>>)
        %dma_start3A_613 = arith.constant 1 : i32
        %dma_start3A_614 = arith.constant 1 : i32
        %dma_start3A_615 = arith.constant 1 : i32
        %dma_start3A_616 = arith.constant 128 : i32
        %dma_start3A_617 = arith.constant 0 : i32
        %dma_start3A_618 = tpu.memref_slice %arg6[%dma_start3A_615, %dma_start3A_616, %dma_start3A_617] : memref<2x2048x32xbf16, #tpu.memory_space<vmem>> -> memref<1x128x32xbf16, #tpu.memory_space<vmem>>
        %dma_start3A_619 = tpu.memref_squeeze %dma_start3A_618 : memref<1x128x32xbf16, #tpu.memory_space<vmem>> -> memref<128x32xbf16, #tpu.memory_space<vmem>>
        %dma_start3A_620 = arith.constant 0 : i32
        %dma_start3A_621 = tpu.memref_slice %arg5[%dma_start3A_613, %dma_start3A_614, %dma_start3A_620] : memref<2x16x128xi32, #tpu.memory_space<vmem>> -> memref<1x1x128xi32, #tpu.memory_space<vmem>>
        %dma_start3A_622 = tpu.memref_squeeze %dma_start3A_621 : memref<1x1x128xi32, #tpu.memory_space<vmem>> -> memref<128xi32, #tpu.memory_space<vmem>>
        %dma_start3A_623 = arith.constant 0 : i32
        %dma_start3A_624 = arith.constant 0 : i32
        %dma_start3A_625 = tpu.memref_slice %arg2[%dma_start3A_623, %dma_start3A_624] : memref<39112x32xbf16, #tpu.memory_space<hbm>> -> memref<39112x32xbf16, #tpu.memory_space<hbm>>
        tpu.enqueue_indirect_dma source(%dma_start3A_625 : memref<39112x32xbf16, #tpu.memory_space<hbm>>) target(%dma_start3A_619 : memref<128x32xbf16, #tpu.memory_space<vmem>>) offsets(%dma_start3A_622 : memref<128xi32, #tpu.memory_space<vmem>>) semaphore(%arg9 : memref<!tpu.dma_semaphore, #tpu.memory_space<semaphore_mem>>)
        %dma_start3A_626 = arith.constant 1 : i32
        %dma_start3A_627 = arith.constant 2 : i32
        %dma_start3A_628 = arith.constant 1 : i32
        %dma_start3A_629 = arith.constant 256 : i32
        %dma_start3A_630 = arith.constant 0 : i32
        %dma_start3A_631 = tpu.memref_slice %arg6[%dma_start3A_628, %dma_start3A_629, %dma_start3A_630] : memref<2x2048x32xbf16, #tpu.memory_space<vmem>> -> memref<1x128x32xbf16, #tpu.memory_space<vmem>>
        %dma_start3A_632 = tpu.memref_squeeze %dma_start3A_631 : memref<1x128x32xbf16, #tpu.memory_space<vmem>> -> memref<128x32xbf16, #tpu.memory_space<vmem>>
        %dma_start3A_633 = arith.constant 0 : i32
        %dma_start3A_634 = tpu.memref_slice %arg5[%dma_start3A_626, %dma_start3A_627, %dma_start3A_633] : memref<2x16x128xi32, #tpu.memory_space<vmem>> -> memref<1x1x128xi32, #tpu.memory_space<vmem>>
        %dma_start3A_635 = tpu.memref_squeeze %dma_start3A_634 : memref<1x1x128xi32, #tpu.memory_space<vmem>> -> memref<128xi32, #tpu.memory_space<vmem>>
        %dma_start3A_636 = arith.constant 0 : i32
        %dma_start3A_637 = arith.constant 0 : i32
        %dma_start3A_638 = tpu.memref_slice %arg2[%dma_start3A_636, %dma_start3A_637] : memref<39112x32xbf16, #tpu.memory_space<hbm>> -> memref<39112x32xbf16, #tpu.memory_space<hbm>>
        tpu.enqueue_indirect_dma source(%dma_start3A_638 : memref<39112x32xbf16, #tpu.memory_space<hbm>>) target(%dma_start3A_632 : memref<128x32xbf16, #tpu.memory_space<vmem>>) offsets(%dma_start3A_635 : memref<128xi32, #tpu.memory_space<vmem>>) semaphore(%arg9 : memref<!tpu.dma_semaphore, #tpu.memory_space<semaphore_mem>>)
        %dma_start3A_639 = arith.constant 1 : i32
        %dma_start3A_640 = arith.constant 3 : i32
        %dma_start3A_641 = arith.constant 1 : i32
        %dma_start3A_642 = arith.constant 384 : i32
        %dma_start3A_643 = arith.constant 0 : i32
        %dma_start3A_644 = tpu.memref_slice %arg6[%dma_start3A_641, %dma_start3A_642, %dma_start3A_643] : memref<2x2048x32xbf16, #tpu.memory_space<vmem>> -> memref<1x128x32xbf16, #tpu.memory_space<vmem>>
        %dma_start3A_645 = tpu.memref_squeeze %dma_start3A_644 : memref<1x128x32xbf16, #tpu.memory_space<vmem>> -> memref<128x32xbf16, #tpu.memory_space<vmem>>
        %dma_start3A_646 = arith.constant 0 : i32
        %dma_start3A_647 = tpu.memref_slice %arg5[%dma_start3A_639, %dma_start3A_640, %dma_start3A_646] : memref<2x16x128xi32, #tpu.memory_space<vmem>> -> memref<1x1x128xi32, #tpu.memory_space<vmem>>
        %dma_start3A_648 = tpu.memref_squeeze %dma_start3A_647 : memref<1x1x128xi32, #tpu.memory_space<vmem>> -> memref<128xi32, #tpu.memory_space<vmem>>
        %dma_start3A_649 = arith.constant 0 : i32
        %dma_start3A_650 = arith.constant 0 : i32
        %dma_start3A_651 = tpu.memref_slice %arg2[%dma_start3A_649, %dma_start3A_650] : memref<39112x32xbf16, #tpu.memory_space<hbm>> -> memref<39112x32xbf16, #tpu.memory_space<hbm>>
        tpu.enqueue_indirect_dma source(%dma_start3A_651 : memref<39112x32xbf16, #tpu.memory_space<hbm>>) target(%dma_start3A_645 : memref<128x32xbf16, #tpu.memory_space<vmem>>) offsets(%dma_start3A_648 : memref<128xi32, #tpu.memory_space<vmem>>) semaphore(%arg9 : memref<!tpu.dma_semaphore, #tpu.memory_space<semaphore_mem>>)
        %dma_start3A_652 = arith.constant 1 : i32
        %dma_start3A_653 = arith.constant 4 : i32
        %dma_start3A_654 = arith.constant 1 : i32
        %dma_start3A_655 = arith.constant 512 : i32
        %dma_start3A_656 = arith.constant 0 : i32
        %dma_start3A_657 = tpu.memref_slice %arg6[%dma_start3A_654, %dma_start3A_655, %dma_start3A_656] : memref<2x2048x32xbf16, #tpu.memory_space<vmem>> -> memref<1x128x32xbf16, #tpu.memory_space<vmem>>
        %dma_start3A_658 = tpu.memref_squeeze %dma_start3A_657 : memref<1x128x32xbf16, #tpu.memory_space<vmem>> -> memref<128x32xbf16, #tpu.memory_space<vmem>>
        %dma_start3A_659 = arith.constant 0 : i32
        %dma_start3A_660 = tpu.memref_slice %arg5[%dma_start3A_652, %dma_start3A_653, %dma_start3A_659] : memref<2x16x128xi32, #tpu.memory_space<vmem>> -> memref<1x1x128xi32, #tpu.memory_space<vmem>>
        %dma_start3A_661 = tpu.memref_squeeze %dma_start3A_660 : memref<1x1x128xi32, #tpu.memory_space<vmem>> -> memref<128xi32, #tpu.memory_space<vmem>>
        %dma_start3A_662 = arith.constant 0 : i32
        %dma_start3A_663 = arith.constant 0 : i32
        %dma_start3A_664 = tpu.memref_slice %arg2[%dma_start3A_662, %dma_start3A_663] : memref<39112x32xbf16, #tpu.memory_space<hbm>> -> memref<39112x32xbf16, #tpu.memory_space<hbm>>
        tpu.enqueue_indirect_dma source(%dma_start3A_664 : memref<39112x32xbf16, #tpu.memory_space<hbm>>) target(%dma_start3A_658 : memref<128x32xbf16, #tpu.memory_space<vmem>>) offsets(%dma_start3A_661 : memref<128xi32, #tpu.memory_space<vmem>>) semaphore(%arg9 : memref<!tpu.dma_semaphore, #tpu.memory_space<semaphore_mem>>)
        %dma_start3A_665 = arith.constant 1 : i32
        %dma_start3A_666 = arith.constant 5 : i32
        %dma_start3A_667 = arith.constant 1 : i32
        %dma_start3A_668 = arith.constant 640 : i32
        %dma_start3A_669 = arith.constant 0 : i32
        %dma_start3A_670 = tpu.memref_slice %arg6[%dma_start3A_667, %dma_start3A_668, %dma_start3A_669] : memref<2x2048x32xbf16, #tpu.memory_space<vmem>> -> memref<1x128x32xbf16, #tpu.memory_space<vmem>>
        %dma_start3A_671 = tpu.memref_squeeze %dma_start3A_670 : memref<1x128x32xbf16, #tpu.memory_space<vmem>> -> memref<128x32xbf16, #tpu.memory_space<vmem>>
        %dma_start3A_672 = arith.constant 0 : i32
        %dma_start3A_673 = tpu.memref_slice %arg5[%dma_start3A_665, %dma_start3A_666, %dma_start3A_672] : memref<2x16x128xi32, #tpu.memory_space<vmem>> -> memref<1x1x128xi32, #tpu.memory_space<vmem>>
        %dma_start3A_674 = tpu.memref_squeeze %dma_start3A_673 : memref<1x1x128xi32, #tpu.memory_space<vmem>> -> memref<128xi32, #tpu.memory_space<vmem>>
        %dma_start3A_675 = arith.constant 0 : i32
        %dma_start3A_676 = arith.constant 0 : i32
        %dma_start3A_677 = tpu.memref_slice %arg2[%dma_start3A_675, %dma_start3A_676] : memref<39112x32xbf16, #tpu.memory_space<hbm>> -> memref<39112x32xbf16, #tpu.memory_space<hbm>>
        tpu.enqueue_indirect_dma source(%dma_start3A_677 : memref<39112x32xbf16, #tpu.memory_space<hbm>>) target(%dma_start3A_671 : memref<128x32xbf16, #tpu.memory_space<vmem>>) offsets(%dma_start3A_674 : memref<128xi32, #tpu.memory_space<vmem>>) semaphore(%arg9 : memref<!tpu.dma_semaphore, #tpu.memory_space<semaphore_mem>>)
        %dma_start3A_678 = arith.constant 1 : i32
        %dma_start3A_679 = arith.constant 6 : i32
        %dma_start3A_680 = arith.constant 1 : i32
        %dma_start3A_681 = arith.constant 768 : i32
        %dma_start3A_682 = arith.constant 0 : i32
        %dma_start3A_683 = tpu.memref_slice %arg6[%dma_start3A_680, %dma_start3A_681, %dma_start3A_682] : memref<2x2048x32xbf16, #tpu.memory_space<vmem>> -> memref<1x128x32xbf16, #tpu.memory_space<vmem>>
        %dma_start3A_684 = tpu.memref_squeeze %dma_start3A_683 : memref<1x128x32xbf16, #tpu.memory_space<vmem>> -> memref<128x32xbf16, #tpu.memory_space<vmem>>
        %dma_start3A_685 = arith.constant 0 : i32
        %dma_start3A_686 = tpu.memref_slice %arg5[%dma_start3A_678, %dma_start3A_679, %dma_start3A_685] : memref<2x16x128xi32, #tpu.memory_space<vmem>> -> memref<1x1x128xi32, #tpu.memory_space<vmem>>
        %dma_start3A_687 = tpu.memref_squeeze %dma_start3A_686 : memref<1x1x128xi32, #tpu.memory_space<vmem>> -> memref<128xi32, #tpu.memory_space<vmem>>
        %dma_start3A_688 = arith.constant 0 : i32
        %dma_start3A_689 = arith.constant 0 : i32
        %dma_start3A_690 = tpu.memref_slice %arg2[%dma_start3A_688, %dma_start3A_689] : memref<39112x32xbf16, #tpu.memory_space<hbm>> -> memref<39112x32xbf16, #tpu.memory_space<hbm>>
        tpu.enqueue_indirect_dma source(%dma_start3A_690 : memref<39112x32xbf16, #tpu.memory_space<hbm>>) target(%dma_start3A_684 : memref<128x32xbf16, #tpu.memory_space<vmem>>) offsets(%dma_start3A_687 : memref<128xi32, #tpu.memory_space<vmem>>) semaphore(%arg9 : memref<!tpu.dma_semaphore, #tpu.memory_space<semaphore_mem>>)
        %dma_start3A_691 = arith.constant 1 : i32
        %dma_start3A_692 = arith.constant 7 : i32
        %dma_start3A_693 = arith.constant 1 : i32
        %dma_start3A_694 = arith.constant 896 : i32
        %dma_start3A_695 = arith.constant 0 : i32
        %dma_start3A_696 = tpu.memref_slice %arg6[%dma_start3A_693, %dma_start3A_694, %dma_start3A_695] : memref<2x2048x32xbf16, #tpu.memory_space<vmem>> -> memref<1x128x32xbf16, #tpu.memory_space<vmem>>
        %dma_start3A_697 = tpu.memref_squeeze %dma_start3A_696 : memref<1x128x32xbf16, #tpu.memory_space<vmem>> -> memref<128x32xbf16, #tpu.memory_space<vmem>>
        %dma_start3A_698 = arith.constant 0 : i32
        %dma_start3A_699 = tpu.memref_slice %arg5[%dma_start3A_691, %dma_start3A_692, %dma_start3A_698] : memref<2x16x128xi32, #tpu.memory_space<vmem>> -> memref<1x1x128xi32, #tpu.memory_space<vmem>>
        %dma_start3A_700 = tpu.memref_squeeze %dma_start3A_699 : memref<1x1x128xi32, #tpu.memory_space<vmem>> -> memref<128xi32, #tpu.memory_space<vmem>>
        %dma_start3A_701 = arith.constant 0 : i32
        %dma_start3A_702 = arith.constant 0 : i32
        %dma_start3A_703 = tpu.memref_slice %arg2[%dma_start3A_701, %dma_start3A_702] : memref<39112x32xbf16, #tpu.memory_space<hbm>> -> memref<39112x32xbf16, #tpu.memory_space<hbm>>
        tpu.enqueue_indirect_dma source(%dma_start3A_703 : memref<39112x32xbf16, #tpu.memory_space<hbm>>) target(%dma_start3A_697 : memref<128x32xbf16, #tpu.memory_space<vmem>>) offsets(%dma_start3A_700 : memref<128xi32, #tpu.memory_space<vmem>>) semaphore(%arg9 : memref<!tpu.dma_semaphore, #tpu.memory_space<semaphore_mem>>)
        %dma_start3A_704 = arith.constant 1 : i32
        %dma_start3A_705 = arith.constant 8 : i32
        %dma_start3A_706 = arith.constant 1 : i32
        %dma_start3A_707 = arith.constant 1024 : i32
        %dma_start3A_708 = arith.constant 0 : i32
        %dma_start3A_709 = tpu.memref_slice %arg6[%dma_start3A_706, %dma_start3A_707, %dma_start3A_708] : memref<2x2048x32xbf16, #tpu.memory_space<vmem>> -> memref<1x128x32xbf16, #tpu.memory_space<vmem>>
        %dma_start3A_710 = tpu.memref_squeeze %dma_start3A_709 : memref<1x128x32xbf16, #tpu.memory_space<vmem>> -> memref<128x32xbf16, #tpu.memory_space<vmem>>
        %dma_start3A_711 = arith.constant 0 : i32
        %dma_start3A_712 = tpu.memref_slice %arg5[%dma_start3A_704, %dma_start3A_705, %dma_start3A_711] : memref<2x16x128xi32, #tpu.memory_space<vmem>> -> memref<1x1x128xi32, #tpu.memory_space<vmem>>
        %dma_start3A_713 = tpu.memref_squeeze %dma_start3A_712 : memref<1x1x128xi32, #tpu.memory_space<vmem>> -> memref<128xi32, #tpu.memory_space<vmem>>
        %dma_start3A_714 = arith.constant 0 : i32
        %dma_start3A_715 = arith.constant 0 : i32
        %dma_start3A_716 = tpu.memref_slice %arg2[%dma_start3A_714, %dma_start3A_715] : memref<39112x32xbf16, #tpu.memory_space<hbm>> -> memref<39112x32xbf16, #tpu.memory_space<hbm>>
        tpu.enqueue_indirect_dma source(%dma_start3A_716 : memref<39112x32xbf16, #tpu.memory_space<hbm>>) target(%dma_start3A_710 : memref<128x32xbf16, #tpu.memory_space<vmem>>) offsets(%dma_start3A_713 : memref<128xi32, #tpu.memory_space<vmem>>) semaphore(%arg9 : memref<!tpu.dma_semaphore, #tpu.memory_space<semaphore_mem>>)
        %dma_start3A_717 = arith.constant 1 : i32
        %dma_start3A_718 = arith.constant 9 : i32
        %dma_start3A_719 = arith.constant 1 : i32
        %dma_start3A_720 = arith.constant 1152 : i32
        %dma_start3A_721 = arith.constant 0 : i32
        %dma_start3A_722 = tpu.memref_slice %arg6[%dma_start3A_719, %dma_start3A_720, %dma_start3A_721] : memref<2x2048x32xbf16, #tpu.memory_space<vmem>> -> memref<1x128x32xbf16, #tpu.memory_space<vmem>>
        %dma_start3A_723 = tpu.memref_squeeze %dma_start3A_722 : memref<1x128x32xbf16, #tpu.memory_space<vmem>> -> memref<128x32xbf16, #tpu.memory_space<vmem>>
        %dma_start3A_724 = arith.constant 0 : i32
        %dma_start3A_725 = tpu.memref_slice %arg5[%dma_start3A_717, %dma_start3A_718, %dma_start3A_724] : memref<2x16x128xi32, #tpu.memory_space<vmem>> -> memref<1x1x128xi32, #tpu.memory_space<vmem>>
        %dma_start3A_726 = tpu.memref_squeeze %dma_start3A_725 : memref<1x1x128xi32, #tpu.memory_space<vmem>> -> memref<128xi32, #tpu.memory_space<vmem>>
        %dma_start3A_727 = arith.constant 0 : i32
        %dma_start3A_728 = arith.constant 0 : i32
        %dma_start3A_729 = tpu.memref_slice %arg2[%dma_start3A_727, %dma_start3A_728] : memref<39112x32xbf16, #tpu.memory_space<hbm>> -> memref<39112x32xbf16, #tpu.memory_space<hbm>>
        tpu.enqueue_indirect_dma source(%dma_start3A_729 : memref<39112x32xbf16, #tpu.memory_space<hbm>>) target(%dma_start3A_723 : memref<128x32xbf16, #tpu.memory_space<vmem>>) offsets(%dma_start3A_726 : memref<128xi32, #tpu.memory_space<vmem>>) semaphore(%arg9 : memref<!tpu.dma_semaphore, #tpu.memory_space<semaphore_mem>>)
        %dma_start3A_730 = arith.constant 1 : i32
        %dma_start3A_731 = arith.constant 10 : i32
        %dma_start3A_732 = arith.constant 1 : i32
        %dma_start3A_733 = arith.constant 1280 : i32
        %dma_start3A_734 = arith.constant 0 : i32
        %dma_start3A_735 = tpu.memref_slice %arg6[%dma_start3A_732, %dma_start3A_733, %dma_start3A_734] : memref<2x2048x32xbf16, #tpu.memory_space<vmem>> -> memref<1x128x32xbf16, #tpu.memory_space<vmem>>
        %dma_start3A_736 = tpu.memref_squeeze %dma_start3A_735 : memref<1x128x32xbf16, #tpu.memory_space<vmem>> -> memref<128x32xbf16, #tpu.memory_space<vmem>>
        %dma_start3A_737 = arith.constant 0 : i32
        %dma_start3A_738 = tpu.memref_slice %arg5[%dma_start3A_730, %dma_start3A_731, %dma_start3A_737] : memref<2x16x128xi32, #tpu.memory_space<vmem>> -> memref<1x1x128xi32, #tpu.memory_space<vmem>>
        %dma_start3A_739 = tpu.memref_squeeze %dma_start3A_738 : memref<1x1x128xi32, #tpu.memory_space<vmem>> -> memref<128xi32, #tpu.memory_space<vmem>>
        %dma_start3A_740 = arith.constant 0 : i32
        %dma_start3A_741 = arith.constant 0 : i32
        %dma_start3A_742 = tpu.memref_slice %arg2[%dma_start3A_740, %dma_start3A_741] : memref<39112x32xbf16, #tpu.memory_space<hbm>> -> memref<39112x32xbf16, #tpu.memory_space<hbm>>
        tpu.enqueue_indirect_dma source(%dma_start3A_742 : memref<39112x32xbf16, #tpu.memory_space<hbm>>) target(%dma_start3A_736 : memref<128x32xbf16, #tpu.memory_space<vmem>>) offsets(%dma_start3A_739 : memref<128xi32, #tpu.memory_space<vmem>>) semaphore(%arg9 : memref<!tpu.dma_semaphore, #tpu.memory_space<semaphore_mem>>)
        %dma_start3A_743 = arith.constant 1 : i32
        %dma_start3A_744 = arith.constant 11 : i32
        %dma_start3A_745 = arith.constant 1 : i32
        %dma_start3A_746 = arith.constant 1408 : i32
        %dma_start3A_747 = arith.constant 0 : i32
        %dma_start3A_748 = tpu.memref_slice %arg6[%dma_start3A_745, %dma_start3A_746, %dma_start3A_747] : memref<2x2048x32xbf16, #tpu.memory_space<vmem>> -> memref<1x128x32xbf16, #tpu.memory_space<vmem>>
        %dma_start3A_749 = tpu.memref_squeeze %dma_start3A_748 : memref<1x128x32xbf16, #tpu.memory_space<vmem>> -> memref<128x32xbf16, #tpu.memory_space<vmem>>
        %dma_start3A_750 = arith.constant 0 : i32
        %dma_start3A_751 = tpu.memref_slice %arg5[%dma_start3A_743, %dma_start3A_744, %dma_start3A_750] : memref<2x16x128xi32, #tpu.memory_space<vmem>> -> memref<1x1x128xi32, #tpu.memory_space<vmem>>
        %dma_start3A_752 = tpu.memref_squeeze %dma_start3A_751 : memref<1x1x128xi32, #tpu.memory_space<vmem>> -> memref<128xi32, #tpu.memory_space<vmem>>
        %dma_start3A_753 = arith.constant 0 : i32
        %dma_start3A_754 = arith.constant 0 : i32
        %dma_start3A_755 = tpu.memref_slice %arg2[%dma_start3A_753, %dma_start3A_754] : memref<39112x32xbf16, #tpu.memory_space<hbm>> -> memref<39112x32xbf16, #tpu.memory_space<hbm>>
        tpu.enqueue_indirect_dma source(%dma_start3A_755 : memref<39112x32xbf16, #tpu.memory_space<hbm>>) target(%dma_start3A_749 : memref<128x32xbf16, #tpu.memory_space<vmem>>) offsets(%dma_start3A_752 : memref<128xi32, #tpu.memory_space<vmem>>) semaphore(%arg9 : memref<!tpu.dma_semaphore, #tpu.memory_space<semaphore_mem>>)
        %dma_start3A_756 = arith.constant 1 : i32
        %dma_start3A_757 = arith.constant 12 : i32
        %dma_start3A_758 = arith.constant 1 : i32
        %dma_start3A_759 = arith.constant 1536 : i32
        %dma_start3A_760 = arith.constant 0 : i32
        %dma_start3A_761 = tpu.memref_slice %arg6[%dma_start3A_758, %dma_start3A_759, %dma_start3A_760] : memref<2x2048x32xbf16, #tpu.memory_space<vmem>> -> memref<1x128x32xbf16, #tpu.memory_space<vmem>>
        %dma_start3A_762 = tpu.memref_squeeze %dma_start3A_761 : memref<1x128x32xbf16, #tpu.memory_space<vmem>> -> memref<128x32xbf16, #tpu.memory_space<vmem>>
        %dma_start3A_763 = arith.constant 0 : i32
        %dma_start3A_764 = tpu.memref_slice %arg5[%dma_start3A_756, %dma_start3A_757, %dma_start3A_763] : memref<2x16x128xi32, #tpu.memory_space<vmem>> -> memref<1x1x128xi32, #tpu.memory_space<vmem>>
        %dma_start3A_765 = tpu.memref_squeeze %dma_start3A_764 : memref<1x1x128xi32, #tpu.memory_space<vmem>> -> memref<128xi32, #tpu.memory_space<vmem>>
        %dma_start3A_766 = arith.constant 0 : i32
        %dma_start3A_767 = arith.constant 0 : i32
        %dma_start3A_768 = tpu.memref_slice %arg2[%dma_start3A_766, %dma_start3A_767] : memref<39112x32xbf16, #tpu.memory_space<hbm>> -> memref<39112x32xbf16, #tpu.memory_space<hbm>>
        tpu.enqueue_indirect_dma source(%dma_start3A_768 : memref<39112x32xbf16, #tpu.memory_space<hbm>>) target(%dma_start3A_762 : memref<128x32xbf16, #tpu.memory_space<vmem>>) offsets(%dma_start3A_765 : memref<128xi32, #tpu.memory_space<vmem>>) semaphore(%arg9 : memref<!tpu.dma_semaphore, #tpu.memory_space<semaphore_mem>>)
        %dma_start3A_769 = arith.constant 1 : i32
        %dma_start3A_770 = arith.constant 13 : i32
        %dma_start3A_771 = arith.constant 1 : i32
        %dma_start3A_772 = arith.constant 1664 : i32
        %dma_start3A_773 = arith.constant 0 : i32
        %dma_start3A_774 = tpu.memref_slice %arg6[%dma_start3A_771, %dma_start3A_772, %dma_start3A_773] : memref<2x2048x32xbf16, #tpu.memory_space<vmem>> -> memref<1x128x32xbf16, #tpu.memory_space<vmem>>
        %dma_start3A_775 = tpu.memref_squeeze %dma_start3A_774 : memref<1x128x32xbf16, #tpu.memory_space<vmem>> -> memref<128x32xbf16, #tpu.memory_space<vmem>>
        %dma_start3A_776 = arith.constant 0 : i32
        %dma_start3A_777 = tpu.memref_slice %arg5[%dma_start3A_769, %dma_start3A_770, %dma_start3A_776] : memref<2x16x128xi32, #tpu.memory_space<vmem>> -> memref<1x1x128xi32, #tpu.memory_space<vmem>>
        %dma_start3A_778 = tpu.memref_squeeze %dma_start3A_777 : memref<1x1x128xi32, #tpu.memory_space<vmem>> -> memref<128xi32, #tpu.memory_space<vmem>>
        %dma_start3A_779 = arith.constant 0 : i32
        %dma_start3A_780 = arith.constant 0 : i32
        %dma_start3A_781 = tpu.memref_slice %arg2[%dma_start3A_779, %dma_start3A_780] : memref<39112x32xbf16, #tpu.memory_space<hbm>> -> memref<39112x32xbf16, #tpu.memory_space<hbm>>
        tpu.enqueue_indirect_dma source(%dma_start3A_781 : memref<39112x32xbf16, #tpu.memory_space<hbm>>) target(%dma_start3A_775 : memref<128x32xbf16, #tpu.memory_space<vmem>>) offsets(%dma_start3A_778 : memref<128xi32, #tpu.memory_space<vmem>>) semaphore(%arg9 : memref<!tpu.dma_semaphore, #tpu.memory_space<semaphore_mem>>)
        %dma_start3A_782 = arith.constant 1 : i32
        %dma_start3A_783 = arith.constant 14 : i32
        %dma_start3A_784 = arith.constant 1 : i32
        %dma_start3A_785 = arith.constant 1792 : i32
        %dma_start3A_786 = arith.constant 0 : i32
        %dma_start3A_787 = tpu.memref_slice %arg6[%dma_start3A_784, %dma_start3A_785, %dma_start3A_786] : memref<2x2048x32xbf16, #tpu.memory_space<vmem>> -> memref<1x128x32xbf16, #tpu.memory_space<vmem>>
        %dma_start3A_788 = tpu.memref_squeeze %dma_start3A_787 : memref<1x128x32xbf16, #tpu.memory_space<vmem>> -> memref<128x32xbf16, #tpu.memory_space<vmem>>
        %dma_start3A_789 = arith.constant 0 : i32
        %dma_start3A_790 = tpu.memref_slice %arg5[%dma_start3A_782, %dma_start3A_783, %dma_start3A_789] : memref<2x16x128xi32, #tpu.memory_space<vmem>> -> memref<1x1x128xi32, #tpu.memory_space<vmem>>
        %dma_start3A_791 = tpu.memref_squeeze %dma_start3A_790 : memref<1x1x128xi32, #tpu.memory_space<vmem>> -> memref<128xi32, #tpu.memory_space<vmem>>
        %dma_start3A_792 = arith.constant 0 : i32
        %dma_start3A_793 = arith.constant 0 : i32
        %dma_start3A_794 = tpu.memref_slice %arg2[%dma_start3A_792, %dma_start3A_793] : memref<39112x32xbf16, #tpu.memory_space<hbm>> -> memref<39112x32xbf16, #tpu.memory_space<hbm>>
        tpu.enqueue_indirect_dma source(%dma_start3A_794 : memref<39112x32xbf16, #tpu.memory_space<hbm>>) target(%dma_start3A_788 : memref<128x32xbf16, #tpu.memory_space<vmem>>) offsets(%dma_start3A_791 : memref<128xi32, #tpu.memory_space<vmem>>) semaphore(%arg9 : memref<!tpu.dma_semaphore, #tpu.memory_space<semaphore_mem>>)
        %dma_start3A_795 = arith.constant 1 : i32
        %dma_start3A_796 = arith.constant 15 : i32
        %dma_start3A_797 = arith.constant 1 : i32
        %dma_start3A_798 = arith.constant 1920 : i32
        %dma_start3A_799 = arith.constant 0 : i32
        %dma_start3A_800 = tpu.memref_slice %arg6[%dma_start3A_797, %dma_start3A_798, %dma_start3A_799] : memref<2x2048x32xbf16, #tpu.memory_space<vmem>> -> memref<1x128x32xbf16, #tpu.memory_space<vmem>>
        %dma_start3A_801 = tpu.memref_squeeze %dma_start3A_800 : memref<1x128x32xbf16, #tpu.memory_space<vmem>> -> memref<128x32xbf16, #tpu.memory_space<vmem>>
        %dma_start3A_802 = arith.constant 0 : i32
        %dma_start3A_803 = tpu.memref_slice %arg5[%dma_start3A_795, %dma_start3A_796, %dma_start3A_802] : memref<2x16x128xi32, #tpu.memory_space<vmem>> -> memref<1x1x128xi32, #tpu.memory_space<vmem>>
        %dma_start3A_804 = tpu.memref_squeeze %dma_start3A_803 : memref<1x1x128xi32, #tpu.memory_space<vmem>> -> memref<128xi32, #tpu.memory_space<vmem>>
        %dma_start3A_805 = arith.constant 0 : i32
        %dma_start3A_806 = arith.constant 0 : i32
        %dma_start3A_807 = tpu.memref_slice %arg2[%dma_start3A_805, %dma_start3A_806] : memref<39112x32xbf16, #tpu.memory_space<hbm>> -> memref<39112x32xbf16, #tpu.memory_space<hbm>>
        tpu.enqueue_indirect_dma source(%dma_start3A_807 : memref<39112x32xbf16, #tpu.memory_space<hbm>>) target(%dma_start3A_801 : memref<128x32xbf16, #tpu.memory_space<vmem>>) offsets(%dma_start3A_804 : memref<128xi32, #tpu.memory_space<vmem>>) semaphore(%arg9 : memref<!tpu.dma_semaphore, #tpu.memory_space<semaphore_mem>>)
      } else {
      }
      %scan3A_582 = arith.constant 0 : i32
      scf.yield %scan3A_582 : i32
    }
    %scan3A_430 = arith.constant 16 : i32
    %dma_wait3A = arith.constant 0 : i32
    %dma_wait3A_431 = arith.constant 0 : i32
    %dma_wait3A_432 = arith.constant 0 : i32
    %dma_wait3A_433 = tpu.memref_slice %arg7[%dma_wait3A, %dma_wait3A_431, %dma_wait3A_432] : memref<2x128x32xbf16, #tpu.memory_space<vmem>> -> memref<1x128x32xbf16, #tpu.memory_space<vmem>>
    %dma_wait3A_434 = tpu.memref_squeeze %dma_wait3A_433 : memref<1x128x32xbf16, #tpu.memory_space<vmem>> -> memref<128x32xbf16, #tpu.memory_space<vmem>>
    %dma_wait3A_435 = arith.constant 0 : i32
    %dma_wait3A_436 = arith.constant 0 : i32
    %dma_wait3A_437 = tpu.memref_slice %arg4[%dma_wait3A_435, %dma_wait3A_436] : memref<131072x32xbf16, #tpu.memory_space<hbm>> -> memref<128x32xbf16, #tpu.memory_space<hbm>>
    %dma_wait3A_438 = arith.constant 0 : i32
    %dma_wait3A_439 = arith.constant 0 : i32
    %dma_wait3A_440 = tpu.memref_slice %arg4[%dma_wait3A_438, %dma_wait3A_439] : memref<131072x32xbf16, #tpu.memory_space<hbm>> -> memref<128x32xbf16, #tpu.memory_space<hbm>>
    %dma_wait3A_441 = arith.constant 0 : i32
    %dma_wait3A_442 = arith.constant 0 : i32
    %dma_wait3A_443 = tpu.memref_slice %arg7[%dma_wait3A, %dma_wait3A_441, %dma_wait3A_442] : memref<2x128x32xbf16, #tpu.memory_space<vmem>> -> memref<1x128x32xbf16, #tpu.memory_space<vmem>>
    %dma_wait3A_444 = tpu.memref_squeeze %dma_wait3A_443 : memref<1x128x32xbf16, #tpu.memory_space<vmem>> -> memref<128x32xbf16, #tpu.memory_space<vmem>>
    tpu.wait_dma2 semaphore(%arg12 : memref<!tpu.dma_semaphore, #tpu.memory_space<semaphore_mem>>) src(%dma_wait3A_444 : memref<128x32xbf16, #tpu.memory_space<vmem>>) dst(%dma_wait3A_440 : memref<128x32xbf16, #tpu.memory_space<hbm>>)
    %dma_wait3A_445 = arith.constant 1 : i32
    %dma_wait3A_446 = arith.constant 0 : i32
    %dma_wait3A_447 = arith.constant 0 : i32
    %dma_wait3A_448 = tpu.memref_slice %arg7[%dma_wait3A_445, %dma_wait3A_446, %dma_wait3A_447] : memref<2x128x32xbf16, #tpu.memory_space<vmem>> -> memref<1x128x32xbf16, #tpu.memory_space<vmem>>
    %dma_wait3A_449 = tpu.memref_squeeze %dma_wait3A_448 : memref<1x128x32xbf16, #tpu.memory_space<vmem>> -> memref<128x32xbf16, #tpu.memory_space<vmem>>
    %dma_wait3A_450 = arith.constant 0 : i32
    %dma_wait3A_451 = arith.constant 0 : i32
    %dma_wait3A_452 = tpu.memref_slice %arg4[%dma_wait3A_450, %dma_wait3A_451] : memref<131072x32xbf16, #tpu.memory_space<hbm>> -> memref<128x32xbf16, #tpu.memory_space<hbm>>
    %dma_wait3A_453 = arith.constant 0 : i32
    %dma_wait3A_454 = arith.constant 0 : i32
    %dma_wait3A_455 = tpu.memref_slice %arg4[%dma_wait3A_453, %dma_wait3A_454] : memref<131072x32xbf16, #tpu.memory_space<hbm>> -> memref<128x32xbf16, #tpu.memory_space<hbm>>
    %dma_wait3A_456 = arith.constant 0 : i32
    %dma_wait3A_457 = arith.constant 0 : i32
    %dma_wait3A_458 = tpu.memref_slice %arg7[%dma_wait3A_445, %dma_wait3A_456, %dma_wait3A_457] : memref<2x128x32xbf16, #tpu.memory_space<vmem>> -> memref<1x128x32xbf16, #tpu.memory_space<vmem>>
    %dma_wait3A_459 = tpu.memref_squeeze %dma_wait3A_458 : memref<1x128x32xbf16, #tpu.memory_space<vmem>> -> memref<128x32xbf16, #tpu.memory_space<vmem>>
    tpu.wait_dma2 semaphore(%arg13 : memref<!tpu.dma_semaphore, #tpu.memory_space<semaphore_mem>>) src(%dma_wait3A_459 : memref<128x32xbf16, #tpu.memory_space<vmem>>) dst(%dma_wait3A_455 : memref<128x32xbf16, #tpu.memory_space<hbm>>)
    return
  }
}

module attributes {stable_mosaic.version = 14 : i64} {
  func.func @_table_body(%arg0: memref<1544x32xf32, #tpu.memory_space<vmem>>, %arg1: memref<5x32x32xf32, #tpu.memory_space<vmem>>, %arg2: memref<512x32xf32, #tpu.memory_space<vmem>>, %arg3: memref<39112x32xbf16, #tpu.memory_space<vmem>>) attributes {dimension_semantics = [], scalar_prefetch = 0 : i64, scratch_operands = 0 : i64, tpu.core_type = #tpu.core_type<tc>} {
    %get3A = arith.constant 0 : index
    %get3A_0 = arith.constant 0 : index
    %get3A_1 = vector.load %arg0[%get3A, %get3A_0] : memref<1544x32xf32, #tpu.memory_space<vmem>>, vector<1544x32xf32>
    %get3A_2 = arith.constant 0 : index
    %get3A_3 = arith.constant 0 : index
    %get3A_4 = arith.constant 0 : index
    %get3A_5 = vector.load %arg1[%get3A_2, %get3A_3, %get3A_4] : memref<5x32x32xf32, #tpu.memory_space<vmem>>, vector<1x32x32xf32>
    %get3A_6 = vector.shape_cast %get3A_5 : vector<1x32x32xf32> to vector<32x32xf32>
    %dot_general3A = arith.constant dense<0.000000e+00> : vector<1544x32xf32>
    %dot_general3A_7 = tpu.matmul %get3A_1, %get3A_6, %dot_general3A {dimension_numbers = #tpu.dot_dimension_numbers<[1], [0], [0], [1], [0, 0, 1, 1], [], []>, transpose_lhs_hint = false} : vector<1544x32xf32>, vector<32x32xf32>, vector<1544x32xf32> -> vector<1544x32xf32>
    %mul3A = arith.constant 0.333333343 : f32
    %mul3A_8 = vector.broadcast %mul3A : f32 to vector<1544x32xf32>
    %mul3A_9 = arith.mulf %dot_general3A_7, %mul3A_8 : vector<1544x32xf32>
    %convert_element_type3A = arith.truncf %mul3A_9 : vector<1544x32xf32> to vector<1544x32xbf16>
    %swap3A = arith.constant 0 : index
    %swap3A_10 = arith.constant 0 : index
    %swap3A_11 = vector.load %arg3[%swap3A, %swap3A_10] : memref<39112x32xbf16, #tpu.memory_space<vmem>>, vector<1544x32xbf16>
    tpu.vector_store %arg3[%swap3A, %swap3A_10], %convert_element_type3A {strides = array<i32>} : memref<39112x32xbf16, #tpu.memory_space<vmem>>, vector<1544x32xbf16>,
    %mul3A_12 = arith.constant 0.166666672 : f32
    %mul3A_13 = vector.broadcast %mul3A_12 : f32 to vector<1544x32xf32>
    %mul3A_14 = arith.mulf %dot_general3A_7, %mul3A_13 : vector<1544x32xf32>
    %convert_element_type3A_15 = arith.truncf %mul3A_14 : vector<1544x32xf32> to vector<1544x32xbf16>
    %swap3A_16 = arith.constant 7720 : index
    %swap3A_17 = arith.constant 0 : index
    %swap3A_18 = vector.load %arg3[%swap3A_16, %swap3A_17] : memref<39112x32xbf16, #tpu.memory_space<vmem>>, vector<1544x32xbf16>
    tpu.vector_store %arg3[%swap3A_16, %swap3A_17], %convert_element_type3A_15 {strides = array<i32>} : memref<39112x32xbf16, #tpu.memory_space<vmem>>, vector<1544x32xbf16>,
    %mul3A_19 = arith.constant 0.111111112 : f32
    %mul3A_20 = vector.broadcast %mul3A_19 : f32 to vector<1544x32xf32>
    %mul3A_21 = arith.mulf %dot_general3A_7, %mul3A_20 : vector<1544x32xf32>
    %convert_element_type3A_22 = arith.truncf %mul3A_21 : vector<1544x32xf32> to vector<1544x32xbf16>
    %swap3A_23 = arith.constant 15440 : index
    %swap3A_24 = arith.constant 0 : index
    %swap3A_25 = vector.load %arg3[%swap3A_23, %swap3A_24] : memref<39112x32xbf16, #tpu.memory_space<vmem>>, vector<1544x32xbf16>
    tpu.vector_store %arg3[%swap3A_23, %swap3A_24], %convert_element_type3A_22 {strides = array<i32>} : memref<39112x32xbf16, #tpu.memory_space<vmem>>, vector<1544x32xbf16>,
    %mul3A_26 = arith.constant 0.0833333358 : f32
    %mul3A_27 = vector.broadcast %mul3A_26 : f32 to vector<1544x32xf32>
    %mul3A_28 = arith.mulf %dot_general3A_7, %mul3A_27 : vector<1544x32xf32>
    %convert_element_type3A_29 = arith.truncf %mul3A_28 : vector<1544x32xf32> to vector<1544x32xbf16>
    %swap3A_30 = arith.constant 23160 : index
    %swap3A_31 = arith.constant 0 : index
    %swap3A_32 = vector.load %arg3[%swap3A_30, %swap3A_31] : memref<39112x32xbf16, #tpu.memory_space<vmem>>, vector<1544x32xbf16>
    tpu.vector_store %arg3[%swap3A_30, %swap3A_31], %convert_element_type3A_29 {strides = array<i32>} : memref<39112x32xbf16, #tpu.memory_space<vmem>>, vector<1544x32xbf16>,
    %mul3A_33 = arith.constant 0.0666666701 : f32
    %mul3A_34 = vector.broadcast %mul3A_33 : f32 to vector<1544x32xf32>
    %mul3A_35 = arith.mulf %dot_general3A_7, %mul3A_34 : vector<1544x32xf32>
    %convert_element_type3A_36 = arith.truncf %mul3A_35 : vector<1544x32xf32> to vector<1544x32xbf16>
    %swap3A_37 = arith.constant 30880 : index
    %swap3A_38 = arith.constant 0 : index
    %swap3A_39 = vector.load %arg3[%swap3A_37, %swap3A_38] : memref<39112x32xbf16, #tpu.memory_space<vmem>>, vector<1544x32xbf16>
    tpu.vector_store %arg3[%swap3A_37, %swap3A_38], %convert_element_type3A_36 {strides = array<i32>} : memref<39112x32xbf16, #tpu.memory_space<vmem>>, vector<1544x32xbf16>,
    %get3A_40 = arith.constant 0 : index
    %get3A_41 = arith.constant 0 : index
    %get3A_42 = vector.load %arg0[%get3A_40, %get3A_41] : memref<1544x32xf32, #tpu.memory_space<vmem>>, vector<1544x32xf32>
    %get3A_43 = arith.constant 1 : index
    %get3A_44 = arith.constant 0 : index
    %get3A_45 = arith.constant 0 : index
    %get3A_46 = vector.load %arg1[%get3A_43, %get3A_44, %get3A_45] : memref<5x32x32xf32, #tpu.memory_space<vmem>>, vector<1x32x32xf32>
    %get3A_47 = vector.shape_cast %get3A_46 : vector<1x32x32xf32> to vector<32x32xf32>
    %dot_general3A_48 = arith.constant dense<0.000000e+00> : vector<1544x32xf32>
    %dot_general3A_49 = tpu.matmul %get3A_42, %get3A_47, %dot_general3A_48 {dimension_numbers = #tpu.dot_dimension_numbers<[1], [0], [0], [1], [0, 0, 1, 1], [], []>, transpose_lhs_hint = false} : vector<1544x32xf32>, vector<32x32xf32>, vector<1544x32xf32> -> vector<1544x32xf32>
    %mul3A_50 = arith.constant 0.333333343 : f32
    %mul3A_51 = vector.broadcast %mul3A_50 : f32 to vector<1544x32xf32>
    %mul3A_52 = arith.mulf %dot_general3A_49, %mul3A_51 : vector<1544x32xf32>
    %convert_element_type3A_53 = arith.truncf %mul3A_52 : vector<1544x32xf32> to vector<1544x32xbf16>
    %swap3A_54 = arith.constant 1544 : index
    %swap3A_55 = arith.constant 0 : index
    %swap3A_56 = vector.load %arg3[%swap3A_54, %swap3A_55] : memref<39112x32xbf16, #tpu.memory_space<vmem>>, vector<1544x32xbf16>
    tpu.vector_store %arg3[%swap3A_54, %swap3A_55], %convert_element_type3A_53 {strides = array<i32>} : memref<39112x32xbf16, #tpu.memory_space<vmem>>, vector<1544x32xbf16>,
    %mul3A_57 = arith.constant 0.166666672 : f32
    %mul3A_58 = vector.broadcast %mul3A_57 : f32 to vector<1544x32xf32>
    %mul3A_59 = arith.mulf %dot_general3A_49, %mul3A_58 : vector<1544x32xf32>
    %convert_element_type3A_60 = arith.truncf %mul3A_59 : vector<1544x32xf32> to vector<1544x32xbf16>
    %swap3A_61 = arith.constant 9264 : index
    %swap3A_62 = arith.constant 0 : index
    %swap3A_63 = vector.load %arg3[%swap3A_61, %swap3A_62] : memref<39112x32xbf16, #tpu.memory_space<vmem>>, vector<1544x32xbf16>
    tpu.vector_store %arg3[%swap3A_61, %swap3A_62], %convert_element_type3A_60 {strides = array<i32>} : memref<39112x32xbf16, #tpu.memory_space<vmem>>, vector<1544x32xbf16>,
    %mul3A_64 = arith.constant 0.111111112 : f32
    %mul3A_65 = vector.broadcast %mul3A_64 : f32 to vector<1544x32xf32>
    %mul3A_66 = arith.mulf %dot_general3A_49, %mul3A_65 : vector<1544x32xf32>
    %convert_element_type3A_67 = arith.truncf %mul3A_66 : vector<1544x32xf32> to vector<1544x32xbf16>
    %swap3A_68 = arith.constant 16984 : index
    %swap3A_69 = arith.constant 0 : index
    %swap3A_70 = vector.load %arg3[%swap3A_68, %swap3A_69] : memref<39112x32xbf16, #tpu.memory_space<vmem>>, vector<1544x32xbf16>
    tpu.vector_store %arg3[%swap3A_68, %swap3A_69], %convert_element_type3A_67 {strides = array<i32>} : memref<39112x32xbf16, #tpu.memory_space<vmem>>, vector<1544x32xbf16>,
    %mul3A_71 = arith.constant 0.0833333358 : f32
    %mul3A_72 = vector.broadcast %mul3A_71 : f32 to vector<1544x32xf32>
    %mul3A_73 = arith.mulf %dot_general3A_49, %mul3A_72 : vector<1544x32xf32>
    %convert_element_type3A_74 = arith.truncf %mul3A_73 : vector<1544x32xf32> to vector<1544x32xbf16>
    %swap3A_75 = arith.constant 24704 : index
    %swap3A_76 = arith.constant 0 : index
    %swap3A_77 = vector.load %arg3[%swap3A_75, %swap3A_76] : memref<39112x32xbf16, #tpu.memory_space<vmem>>, vector<1544x32xbf16>
    tpu.vector_store %arg3[%swap3A_75, %swap3A_76], %convert_element_type3A_74 {strides = array<i32>} : memref<39112x32xbf16, #tpu.memory_space<vmem>>, vector<1544x32xbf16>,
    %mul3A_78 = arith.constant 0.0666666701 : f32
    %mul3A_79 = vector.broadcast %mul3A_78 : f32 to vector<1544x32xf32>
    %mul3A_80 = arith.mulf %dot_general3A_49, %mul3A_79 : vector<1544x32xf32>
    %convert_element_type3A_81 = arith.truncf %mul3A_80 : vector<1544x32xf32> to vector<1544x32xbf16>
    %swap3A_82 = arith.constant 32424 : index
    %swap3A_83 = arith.constant 0 : index
    %swap3A_84 = vector.load %arg3[%swap3A_82, %swap3A_83] : memref<39112x32xbf16, #tpu.memory_space<vmem>>, vector<1544x32xbf16>
    tpu.vector_store %arg3[%swap3A_82, %swap3A_83], %convert_element_type3A_81 {strides = array<i32>} : memref<39112x32xbf16, #tpu.memory_space<vmem>>, vector<1544x32xbf16>,
    %get3A_85 = arith.constant 0 : index
    %get3A_86 = arith.constant 0 : index
    %get3A_87 = vector.load %arg0[%get3A_85, %get3A_86] : memref<1544x32xf32, #tpu.memory_space<vmem>>, vector<1544x32xf32>
    %get3A_88 = arith.constant 2 : index
    %get3A_89 = arith.constant 0 : index
    %get3A_90 = arith.constant 0 : index
    %get3A_91 = vector.load %arg1[%get3A_88, %get3A_89, %get3A_90] : memref<5x32x32xf32, #tpu.memory_space<vmem>>, vector<1x32x32xf32>
    %get3A_92 = vector.shape_cast %get3A_91 : vector<1x32x32xf32> to vector<32x32xf32>
    %dot_general3A_93 = arith.constant dense<0.000000e+00> : vector<1544x32xf32>
    %dot_general3A_94 = tpu.matmul %get3A_87, %get3A_92, %dot_general3A_93 {dimension_numbers = #tpu.dot_dimension_numbers<[1], [0], [0], [1], [0, 0, 1, 1], [], []>, transpose_lhs_hint = false} : vector<1544x32xf32>, vector<32x32xf32>, vector<1544x32xf32> -> vector<1544x32xf32>
    %mul3A_95 = arith.constant 0.333333343 : f32
    %mul3A_96 = vector.broadcast %mul3A_95 : f32 to vector<1544x32xf32>
    %mul3A_97 = arith.mulf %dot_general3A_94, %mul3A_96 : vector<1544x32xf32>
    %convert_element_type3A_98 = arith.truncf %mul3A_97 : vector<1544x32xf32> to vector<1544x32xbf16>
    %swap3A_99 = arith.constant 3088 : index
    %swap3A_100 = arith.constant 0 : index
    %swap3A_101 = vector.load %arg3[%swap3A_99, %swap3A_100] : memref<39112x32xbf16, #tpu.memory_space<vmem>>, vector<1544x32xbf16>
    tpu.vector_store %arg3[%swap3A_99, %swap3A_100], %convert_element_type3A_98 {strides = array<i32>} : memref<39112x32xbf16, #tpu.memory_space<vmem>>, vector<1544x32xbf16>,
    %mul3A_102 = arith.constant 0.166666672 : f32
    %mul3A_103 = vector.broadcast %mul3A_102 : f32 to vector<1544x32xf32>
    %mul3A_104 = arith.mulf %dot_general3A_94, %mul3A_103 : vector<1544x32xf32>
    %convert_element_type3A_105 = arith.truncf %mul3A_104 : vector<1544x32xf32> to vector<1544x32xbf16>
    %swap3A_106 = arith.constant 10808 : index
    %swap3A_107 = arith.constant 0 : index
    %swap3A_108 = vector.load %arg3[%swap3A_106, %swap3A_107] : memref<39112x32xbf16, #tpu.memory_space<vmem>>, vector<1544x32xbf16>
    tpu.vector_store %arg3[%swap3A_106, %swap3A_107], %convert_element_type3A_105 {strides = array<i32>} : memref<39112x32xbf16, #tpu.memory_space<vmem>>, vector<1544x32xbf16>,
    %mul3A_109 = arith.constant 0.111111112 : f32
    %mul3A_110 = vector.broadcast %mul3A_109 : f32 to vector<1544x32xf32>
    %mul3A_111 = arith.mulf %dot_general3A_94, %mul3A_110 : vector<1544x32xf32>
    %convert_element_type3A_112 = arith.truncf %mul3A_111 : vector<1544x32xf32> to vector<1544x32xbf16>
    %swap3A_113 = arith.constant 18528 : index
    %swap3A_114 = arith.constant 0 : index
    %swap3A_115 = vector.load %arg3[%swap3A_113, %swap3A_114] : memref<39112x32xbf16, #tpu.memory_space<vmem>>, vector<1544x32xbf16>
    tpu.vector_store %arg3[%swap3A_113, %swap3A_114], %convert_element_type3A_112 {strides = array<i32>} : memref<39112x32xbf16, #tpu.memory_space<vmem>>, vector<1544x32xbf16>,
    %mul3A_116 = arith.constant 0.0833333358 : f32
    %mul3A_117 = vector.broadcast %mul3A_116 : f32 to vector<1544x32xf32>
    %mul3A_118 = arith.mulf %dot_general3A_94, %mul3A_117 : vector<1544x32xf32>
    %convert_element_type3A_119 = arith.truncf %mul3A_118 : vector<1544x32xf32> to vector<1544x32xbf16>
    %swap3A_120 = arith.constant 26248 : index
    %swap3A_121 = arith.constant 0 : index
    %swap3A_122 = vector.load %arg3[%swap3A_120, %swap3A_121] : memref<39112x32xbf16, #tpu.memory_space<vmem>>, vector<1544x32xbf16>
    tpu.vector_store %arg3[%swap3A_120, %swap3A_121], %convert_element_type3A_119 {strides = array<i32>} : memref<39112x32xbf16, #tpu.memory_space<vmem>>, vector<1544x32xbf16>,
    %mul3A_123 = arith.constant 0.0666666701 : f32
    %mul3A_124 = vector.broadcast %mul3A_123 : f32 to vector<1544x32xf32>
    %mul3A_125 = arith.mulf %dot_general3A_94, %mul3A_124 : vector<1544x32xf32>
    %convert_element_type3A_126 = arith.truncf %mul3A_125 : vector<1544x32xf32> to vector<1544x32xbf16>
    %swap3A_127 = arith.constant 33968 : index
    %swap3A_128 = arith.constant 0 : index
    %swap3A_129 = vector.load %arg3[%swap3A_127, %swap3A_128] : memref<39112x32xbf16, #tpu.memory_space<vmem>>, vector<1544x32xbf16>
    tpu.vector_store %arg3[%swap3A_127, %swap3A_128], %convert_element_type3A_126 {strides = array<i32>} : memref<39112x32xbf16, #tpu.memory_space<vmem>>, vector<1544x32xbf16>,
    %get3A_130 = arith.constant 0 : index
    %get3A_131 = arith.constant 0 : index
    %get3A_132 = vector.load %arg0[%get3A_130, %get3A_131] : memref<1544x32xf32, #tpu.memory_space<vmem>>, vector<1544x32xf32>
    %get3A_133 = arith.constant 3 : index
    %get3A_134 = arith.constant 0 : index
    %get3A_135 = arith.constant 0 : index
    %get3A_136 = vector.load %arg1[%get3A_133, %get3A_134, %get3A_135] : memref<5x32x32xf32, #tpu.memory_space<vmem>>, vector<1x32x32xf32>
    %get3A_137 = vector.shape_cast %get3A_136 : vector<1x32x32xf32> to vector<32x32xf32>
    %dot_general3A_138 = arith.constant dense<0.000000e+00> : vector<1544x32xf32>
    %dot_general3A_139 = tpu.matmul %get3A_132, %get3A_137, %dot_general3A_138 {dimension_numbers = #tpu.dot_dimension_numbers<[1], [0], [0], [1], [0, 0, 1, 1], [], []>, transpose_lhs_hint = false} : vector<1544x32xf32>, vector<32x32xf32>, vector<1544x32xf32> -> vector<1544x32xf32>
    %mul3A_140 = arith.constant 0.333333343 : f32
    %mul3A_141 = vector.broadcast %mul3A_140 : f32 to vector<1544x32xf32>
    %mul3A_142 = arith.mulf %dot_general3A_139, %mul3A_141 : vector<1544x32xf32>
    %convert_element_type3A_143 = arith.truncf %mul3A_142 : vector<1544x32xf32> to vector<1544x32xbf16>
    %swap3A_144 = arith.constant 4632 : index
    %swap3A_145 = arith.constant 0 : index
    %swap3A_146 = vector.load %arg3[%swap3A_144, %swap3A_145] : memref<39112x32xbf16, #tpu.memory_space<vmem>>, vector<1544x32xbf16>
    tpu.vector_store %arg3[%swap3A_144, %swap3A_145], %convert_element_type3A_143 {strides = array<i32>} : memref<39112x32xbf16, #tpu.memory_space<vmem>>, vector<1544x32xbf16>,
    %mul3A_147 = arith.constant 0.166666672 : f32
    %mul3A_148 = vector.broadcast %mul3A_147 : f32 to vector<1544x32xf32>
    %mul3A_149 = arith.mulf %dot_general3A_139, %mul3A_148 : vector<1544x32xf32>
    %convert_element_type3A_150 = arith.truncf %mul3A_149 : vector<1544x32xf32> to vector<1544x32xbf16>
    %swap3A_151 = arith.constant 12352 : index
    %swap3A_152 = arith.constant 0 : index
    %swap3A_153 = vector.load %arg3[%swap3A_151, %swap3A_152] : memref<39112x32xbf16, #tpu.memory_space<vmem>>, vector<1544x32xbf16>
    tpu.vector_store %arg3[%swap3A_151, %swap3A_152], %convert_element_type3A_150 {strides = array<i32>} : memref<39112x32xbf16, #tpu.memory_space<vmem>>, vector<1544x32xbf16>,
    %mul3A_154 = arith.constant 0.111111112 : f32
    %mul3A_155 = vector.broadcast %mul3A_154 : f32 to vector<1544x32xf32>
    %mul3A_156 = arith.mulf %dot_general3A_139, %mul3A_155 : vector<1544x32xf32>
    %convert_element_type3A_157 = arith.truncf %mul3A_156 : vector<1544x32xf32> to vector<1544x32xbf16>
    %swap3A_158 = arith.constant 20072 : index
    %swap3A_159 = arith.constant 0 : index
    %swap3A_160 = vector.load %arg3[%swap3A_158, %swap3A_159] : memref<39112x32xbf16, #tpu.memory_space<vmem>>, vector<1544x32xbf16>
    tpu.vector_store %arg3[%swap3A_158, %swap3A_159], %convert_element_type3A_157 {strides = array<i32>} : memref<39112x32xbf16, #tpu.memory_space<vmem>>, vector<1544x32xbf16>,
    %mul3A_161 = arith.constant 0.0833333358 : f32
    %mul3A_162 = vector.broadcast %mul3A_161 : f32 to vector<1544x32xf32>
    %mul3A_163 = arith.mulf %dot_general3A_139, %mul3A_162 : vector<1544x32xf32>
    %convert_element_type3A_164 = arith.truncf %mul3A_163 : vector<1544x32xf32> to vector<1544x32xbf16>
    %swap3A_165 = arith.constant 27792 : index
    %swap3A_166 = arith.constant 0 : index
    %swap3A_167 = vector.load %arg3[%swap3A_165, %swap3A_166] : memref<39112x32xbf16, #tpu.memory_space<vmem>>, vector<1544x32xbf16>
    tpu.vector_store %arg3[%swap3A_165, %swap3A_166], %convert_element_type3A_164 {strides = array<i32>} : memref<39112x32xbf16, #tpu.memory_space<vmem>>, vector<1544x32xbf16>,
    %mul3A_168 = arith.constant 0.0666666701 : f32
    %mul3A_169 = vector.broadcast %mul3A_168 : f32 to vector<1544x32xf32>
    %mul3A_170 = arith.mulf %dot_general3A_139, %mul3A_169 : vector<1544x32xf32>
    %convert_element_type3A_171 = arith.truncf %mul3A_170 : vector<1544x32xf32> to vector<1544x32xbf16>
    %swap3A_172 = arith.constant 35512 : index
    %swap3A_173 = arith.constant 0 : index
    %swap3A_174 = vector.load %arg3[%swap3A_172, %swap3A_173] : memref<39112x32xbf16, #tpu.memory_space<vmem>>, vector<1544x32xbf16>
    tpu.vector_store %arg3[%swap3A_172, %swap3A_173], %convert_element_type3A_171 {strides = array<i32>} : memref<39112x32xbf16, #tpu.memory_space<vmem>>, vector<1544x32xbf16>,
    %get3A_175 = arith.constant 0 : index
    %get3A_176 = arith.constant 0 : index
    %get3A_177 = vector.load %arg0[%get3A_175, %get3A_176] : memref<1544x32xf32, #tpu.memory_space<vmem>>, vector<1544x32xf32>
    %get3A_178 = arith.constant 4 : index
    %get3A_179 = arith.constant 0 : index
    %get3A_180 = arith.constant 0 : index
    %get3A_181 = vector.load %arg1[%get3A_178, %get3A_179, %get3A_180] : memref<5x32x32xf32, #tpu.memory_space<vmem>>, vector<1x32x32xf32>
    %get3A_182 = vector.shape_cast %get3A_181 : vector<1x32x32xf32> to vector<32x32xf32>
    %dot_general3A_183 = arith.constant dense<0.000000e+00> : vector<1544x32xf32>
    %dot_general3A_184 = tpu.matmul %get3A_177, %get3A_182, %dot_general3A_183 {dimension_numbers = #tpu.dot_dimension_numbers<[1], [0], [0], [1], [0, 0, 1, 1], [], []>, transpose_lhs_hint = false} : vector<1544x32xf32>, vector<32x32xf32>, vector<1544x32xf32> -> vector<1544x32xf32>
    %mul3A_185 = arith.constant 0.333333343 : f32
    %mul3A_186 = vector.broadcast %mul3A_185 : f32 to vector<1544x32xf32>
    %mul3A_187 = arith.mulf %dot_general3A_184, %mul3A_186 : vector<1544x32xf32>
    %convert_element_type3A_188 = arith.truncf %mul3A_187 : vector<1544x32xf32> to vector<1544x32xbf16>
    %swap3A_189 = arith.constant 6176 : index
    %swap3A_190 = arith.constant 0 : index
    %swap3A_191 = vector.load %arg3[%swap3A_189, %swap3A_190] : memref<39112x32xbf16, #tpu.memory_space<vmem>>, vector<1544x32xbf16>
    tpu.vector_store %arg3[%swap3A_189, %swap3A_190], %convert_element_type3A_188 {strides = array<i32>} : memref<39112x32xbf16, #tpu.memory_space<vmem>>, vector<1544x32xbf16>,
    %mul3A_192 = arith.constant 0.166666672 : f32
    %mul3A_193 = vector.broadcast %mul3A_192 : f32 to vector<1544x32xf32>
    %mul3A_194 = arith.mulf %dot_general3A_184, %mul3A_193 : vector<1544x32xf32>
    %convert_element_type3A_195 = arith.truncf %mul3A_194 : vector<1544x32xf32> to vector<1544x32xbf16>
    %swap3A_196 = arith.constant 13896 : index
    %swap3A_197 = arith.constant 0 : index
    %swap3A_198 = vector.load %arg3[%swap3A_196, %swap3A_197] : memref<39112x32xbf16, #tpu.memory_space<vmem>>, vector<1544x32xbf16>
    tpu.vector_store %arg3[%swap3A_196, %swap3A_197], %convert_element_type3A_195 {strides = array<i32>} : memref<39112x32xbf16, #tpu.memory_space<vmem>>, vector<1544x32xbf16>,
    %mul3A_199 = arith.constant 0.111111112 : f32
    %mul3A_200 = vector.broadcast %mul3A_199 : f32 to vector<1544x32xf32>
    %mul3A_201 = arith.mulf %dot_general3A_184, %mul3A_200 : vector<1544x32xf32>
    %convert_element_type3A_202 = arith.truncf %mul3A_201 : vector<1544x32xf32> to vector<1544x32xbf16>
    %swap3A_203 = arith.constant 21616 : index
    %swap3A_204 = arith.constant 0 : index
    %swap3A_205 = vector.load %arg3[%swap3A_203, %swap3A_204] : memref<39112x32xbf16, #tpu.memory_space<vmem>>, vector<1544x32xbf16>
    tpu.vector_store %arg3[%swap3A_203, %swap3A_204], %convert_element_type3A_202 {strides = array<i32>} : memref<39112x32xbf16, #tpu.memory_space<vmem>>, vector<1544x32xbf16>,
    %mul3A_206 = arith.constant 0.0833333358 : f32
    %mul3A_207 = vector.broadcast %mul3A_206 : f32 to vector<1544x32xf32>
    %mul3A_208 = arith.mulf %dot_general3A_184, %mul3A_207 : vector<1544x32xf32>
    %convert_element_type3A_209 = arith.truncf %mul3A_208 : vector<1544x32xf32> to vector<1544x32xbf16>
    %swap3A_210 = arith.constant 29336 : index
    %swap3A_211 = arith.constant 0 : index
    %swap3A_212 = vector.load %arg3[%swap3A_210, %swap3A_211] : memref<39112x32xbf16, #tpu.memory_space<vmem>>, vector<1544x32xbf16>
    tpu.vector_store %arg3[%swap3A_210, %swap3A_211], %convert_element_type3A_209 {strides = array<i32>} : memref<39112x32xbf16, #tpu.memory_space<vmem>>, vector<1544x32xbf16>,
    %mul3A_213 = arith.constant 0.0666666701 : f32
    %mul3A_214 = vector.broadcast %mul3A_213 : f32 to vector<1544x32xf32>
    %mul3A_215 = arith.mulf %dot_general3A_184, %mul3A_214 : vector<1544x32xf32>
    %convert_element_type3A_216 = arith.truncf %mul3A_215 : vector<1544x32xf32> to vector<1544x32xbf16>
    %swap3A_217 = arith.constant 37056 : index
    %swap3A_218 = arith.constant 0 : index
    %swap3A_219 = vector.load %arg3[%swap3A_217, %swap3A_218] : memref<39112x32xbf16, #tpu.memory_space<vmem>>, vector<1544x32xbf16>
    tpu.vector_store %arg3[%swap3A_217, %swap3A_218], %convert_element_type3A_216 {strides = array<i32>} : memref<39112x32xbf16, #tpu.memory_space<vmem>>, vector<1544x32xbf16>,
    %get3A_220 = arith.constant 0 : index
    %get3A_221 = arith.constant 0 : index
    %get3A_222 = vector.load %arg2[%get3A_220, %get3A_221] : memref<512x32xf32, #tpu.memory_space<vmem>>, vector<512x32xf32>
    %convert_element_type3A_223 = arith.truncf %get3A_222 : vector<512x32xf32> to vector<512x32xbf16>
    %swap3A_224 = arith.constant 38600 : index
    %swap3A_225 = arith.constant 0 : index
    %swap3A_226 = vector.load %arg3[%swap3A_224, %swap3A_225] : memref<39112x32xbf16, #tpu.memory_space<vmem>>, vector<512x32xbf16>
    tpu.vector_store %arg3[%swap3A_224, %swap3A_225], %convert_element_type3A_223 {strides = array<i32>} : memref<39112x32xbf16, #tpu.memory_space<vmem>>, vector<512x32xbf16>,
    return
  }
}

module attributes {stable_mosaic.version = 14 : i64} {
  func.func @_idx_body(%arg0: i32, %arg1: memref<1024x128xi32, #tpu.memory_space<vmem>>, %arg2: memref<1024x128xi32, #tpu.memory_space<vmem>>, %arg3: memref<1024x128xi32, #tpu.memory_space<vmem>>) attributes {dimension_semantics = [#tpu.dimension_semantics<arbitrary>], iteration_bounds = array<i64: 16>, scalar_prefetch = 0 : i64, scratch_operands = 0 : i64, tpu.core_type = #tpu.core_type<tc>, window_params = [{transform_indices = @transform_0, window_bounds = array<i64: 1024, 128>}, {transform_indices = @transform_1, window_bounds = array<i64: 1024, 128>}, {transform_indices = @transform_2, window_bounds = array<i64: 1024, 128>}]} {
    %iota3A = tpu.iota {dimensions = array<i32: 1>} : vector<1x128xi32>
    %jit3A = arith.constant 16 : i32
    %eq3A = arith.constant 0 : i32
    %eq3A_0 = arith.cmpi eq, %jit3A, %eq3A : i32
    %jit3A_1 = arith.constant 1 : i32
    %select_n3A = arith.select %eq3A_0, %jit3A_1, %jit3A : i32
    %rem3A = vector.broadcast %select_n3A : i32 to vector<1x128xi32>
    %rem3A_2 = arith.remsi %iota3A, %rem3A : vector<1x128xi32>
    %ne3A = arith.constant 0 : i32
    %ne3A_3 = vector.broadcast %ne3A : i32 to vector<1x128xi32>
    %ne3A_4 = arith.cmpi ne, %rem3A_2, %ne3A_3 : vector<1x128xi32>
    %lt3A = arith.constant 0 : i32
    %lt3A_5 = vector.broadcast %lt3A : i32 to vector<1x128xi32>
    %lt3A_6 = arith.cmpi slt, %rem3A_2, %lt3A_5 : vector<1x128xi32>
    %lt3A_7 = arith.constant 0 : i32
    %lt3A_8 = arith.cmpi slt, %select_n3A, %lt3A_7 : i32
    %ne3A_9 = vector.broadcast %lt3A_8 : i1 to vector<1x128xi1>
    %ne3A_10 = vector.broadcast %ne3A_9 : vector<1x128xi1> to vector<1x128xi1>
    %ne3A_11 = arith.xori %lt3A_6, %ne3A_10 : vector<1x128xi1>
    %and3A = arith.andi %ne3A_11, %ne3A_4 : vector<1x128xi1>
    %add3A = vector.broadcast %select_n3A : i32 to vector<1x128xi32>
    %add3A_12 = arith.addi %rem3A_2, %add3A : vector<1x128xi32>
    %select_n3A_13 = arith.select %and3A, %add3A_12, %rem3A_2 : vector<1x128xi1>, vector<1x128xi32>
    %get3A = arith.constant 0 : index
    %get3A_14 = arith.constant 0 : index
    %get3A_15 = vector.load %arg2[%get3A, %get3A_14] : memref<1024x128xi32, #tpu.memory_space<vmem>>, vector<1024x128xi32>
    %eq3A_16 = arith.constant 0 : i32
    %eq3A_17 = vector.broadcast %eq3A_16 : i32 to vector<1024x128xi32>
    %eq3A_18 = arith.cmpi eq, %get3A_15, %eq3A_17 : vector<1024x128xi32>
    %jit3A_19 = arith.constant 1 : i32
    %broadcast_in_dim3A = vector.broadcast %jit3A_19 : i32 to vector<1024x128xi32>
    %select_n3A_20 = arith.select %eq3A_18, %broadcast_in_dim3A, %get3A_15 : vector<1024x128xi1>, vector<1024x128xi32>
    %gt3A = arith.constant 1 : i32
    %gt3A_21 = vector.broadcast %gt3A : i32 to vector<1024x128xi32>
    %gt3A_22 = arith.cmpi sgt, %select_n3A_20, %gt3A_21 : vector<1024x128xi32>
    %sub3A = arith.constant 1 : i32
    %sub3A_23 = vector.broadcast %sub3A : i32 to vector<1024x128xi32>
    %sub3A_24 = arith.subi %select_n3A_20, %sub3A_23 : vector<1024x128xi32>
    %select_n3A_25 = arith.select %gt3A_22, %sub3A_24, %select_n3A_20 : vector<1024x128xi1>, vector<1024x128xi32>
    %jit3A_26 = arith.constant 0 : i32
    %jit3A_27 = arith.constant 5 : i32
    %max3A = vector.broadcast %jit3A_26 : i32 to vector<1024x128xi32>
    %max3A_28 = arith.maxsi %max3A, %select_n3A_25 : vector<1024x128xi32>
    %min3A = vector.broadcast %jit3A_27 : i32 to vector<1024x128xi32>
    %min3A_29 = arith.minsi %min3A, %max3A_28 : vector<1024x128xi32>
    %eq3A_30 = arith.constant 15 : i32
    %eq3A_31 = vector.broadcast %eq3A_30 : i32 to vector<1x128xi32>
    %eq3A_32 = arith.cmpi eq, %select_n3A_13, %eq3A_31 : vector<1x128xi32>
    %jit3A_33 = arith.constant 3 : i32
    %div3A = vector.broadcast %jit3A_33 : i32 to vector<1x128xi32>
    %div3A_34 = arith.divsi %select_n3A_13, %div3A : vector<1x128xi32>
    %sign3A = arith.constant 0 : i32
    %sign3A_35 = vector.broadcast %sign3A : i32 to vector<1x128xi32>
    %sign3A_36 = arith.cmpi sgt, %select_n3A_13, %sign3A_35 : vector<1x128xi32>
    %sign3A_37 = arith.extui %sign3A_36 : vector<1x128xi1> to vector<1x128xi32>
    %sign3A_38 = arith.constant 0 : i32
    %sign3A_39 = vector.broadcast %sign3A_38 : i32 to vector<1x128xi32>
    %sign3A_40 = arith.cmpi slt, %select_n3A_13, %sign3A_39 : vector<1x128xi32>
    %sign3A_41 = arith.extui %sign3A_40 : vector<1x128xi1> to vector<1x128xi32>
    %sign3A_42 = arith.subi %sign3A_37, %sign3A_41 : vector<1x128xi32>
    %sign3A_43 = arith.constant 0 : i32
    %sign3A_44 = arith.cmpi sgt, %jit3A_33, %sign3A_43 : i32
    %sign3A_45 = arith.extui %sign3A_44 : i1 to i32
    %sign3A_46 = arith.constant 0 : i32
    %sign3A_47 = arith.cmpi slt, %jit3A_33, %sign3A_46 : i32
    %sign3A_48 = arith.extui %sign3A_47 : i1 to i32
    %sign3A_49 = arith.subi %sign3A_45, %sign3A_48 : i32
    %ne3A_50 = vector.broadcast %sign3A_49 : i32 to vector<1x128xi32>
    %ne3A_51 = arith.cmpi ne, %sign3A_42, %ne3A_50 : vector<1x128xi32>
    %rem3A_52 = vector.broadcast %jit3A_33 : i32 to vector<1x128xi32>
    %rem3A_53 = arith.remsi %select_n3A_13, %rem3A_52 : vector<1x128xi32>
    %ne3A_54 = arith.constant 0 : i32
    %ne3A_55 = vector.broadcast %ne3A_54 : i32 to vector<1x128xi32>
    %ne3A_56 = arith.cmpi ne, %rem3A_53, %ne3A_55 : vector<1x128xi32>
    %and3A_57 = arith.andi %ne3A_51, %ne3A_56 : vector<1x128xi1>
    %sub3A_58 = arith.constant 1 : i32
    %sub3A_59 = vector.broadcast %sub3A_58 : i32 to vector<1x128xi32>
    %sub3A_60 = arith.subi %div3A_34, %sub3A_59 : vector<1x128xi32>
    %select_n3A_61 = arith.select %and3A_57, %sub3A_60, %div3A_34 : vector<1x128xi1>, vector<1x128xi32>
    %mul3A = arith.constant 1544 : i32
    %mul3A_62 = vector.broadcast %mul3A : i32 to vector<1x128xi32>
    %mul3A_63 = arith.muli %select_n3A_61, %mul3A_62 : vector<1x128xi32>
    %sub3A_64 = arith.constant 1 : i32
    %sub3A_65 = vector.broadcast %sub3A_64 : i32 to vector<1024x128xi32>
    %sub3A_66 = arith.subi %min3A_29, %sub3A_65 : vector<1024x128xi32>
    %mul3A_67 = arith.constant 7720 : i32
    %mul3A_68 = vector.broadcast %mul3A_67 : i32 to vector<1024x128xi32>
    %mul3A_69 = arith.muli %sub3A_66, %mul3A_68 : vector<1024x128xi32>
    %add3A_70 = vector.broadcast %mul3A_63 : vector<1x128xi32> to vector<1024x128xi32>
    %add3A_71 = arith.addi %add3A_70, %mul3A_69 : vector<1024x128xi32>
    %jit3A_72 = arith.constant 38600 : i32
    %broadcast_in_dim3A_73 = vector.shape_cast %eq3A_32 : vector<1x128xi1> to vector<1x128xi1>
    %broadcast_in_dim3A_74 = vector.broadcast %broadcast_in_dim3A_73 : vector<1x128xi1> to vector<1024x128xi1>
    %broadcast_in_dim3A_75 = vector.broadcast %jit3A_72 : i32 to vector<1024x128xi32>
    %select_n3A_76 = arith.select %broadcast_in_dim3A_74, %broadcast_in_dim3A_75, %add3A_71 : vector<1024x128xi1>, vector<1024x128xi32>
    %get3A_77 = arith.constant 0 : index
    %get3A_78 = arith.constant 0 : index
    %get3A_79 = vector.load %arg1[%get3A_77, %get3A_78] : memref<1024x128xi32, #tpu.memory_space<vmem>>, vector<1024x128xi32>
    %add3A_80 = arith.addi %get3A_79, %select_n3A_76 : vector<1024x128xi32>
    %swap3A = arith.constant 0 : index
    %swap3A_81 = arith.constant 0 : index
    %swap3A_82 = vector.load %arg3[%swap3A, %swap3A_81] : memref<1024x128xi32, #tpu.memory_space<vmem>>, vector<1024x128xi32>
    tpu.vector_store %arg3[%swap3A, %swap3A_81], %add3A_80 {strides = array<i32>} : memref<1024x128xi32, #tpu.memory_space<vmem>>, vector<1024x128xi32>,
    return
  }
  func.func @transform_0(%arg0: i32) -> (i32, i32) {
    %c0_i32 = arith.constant 0 : i32
    %c0_i32_0 = arith.constant 0 : i32
    return %arg0, %c0_i32 : i32, i32
  }
  func.func @transform_1(%arg0: i32) -> (i32, i32) {
    %c0_i32 = arith.constant 0 : i32
    %c0_i32_0 = arith.constant 0 : i32
    return %arg0, %c0_i32 : i32, i32
  }
  func.func @transform_2(%arg0: i32) -> (i32, i32) {
    %c0_i32 = arith.constant 0 : i32
    %c0_i32_0 = arith.constant 0 : i32
    return %arg0, %c0_i32 : i32, i32
  }
}

module attributes {stable_mosaic.version = 14 : i64} {
  func.func @_assemble_body(%arg0: i32, %arg1: memref<1x65x65xf32, #tpu.memory_space<vmem>>, %arg2: memref<4096x32xbf16, #tpu.memory_space<vmem>>, %arg3: memref<1x32xf32, #tpu.memory_space<vmem>>, %arg4: memref<1x32x65x65xf32, #tpu.memory_space<vmem>>) attributes {dimension_semantics = [#tpu.dimension_semantics<arbitrary>], iteration_bounds = array<i64: 32>, scalar_prefetch = 0 : i64, scratch_operands = 0 : i64, tpu.core_type = #tpu.core_type<tc>, window_params = [{transform_indices = @transform_0, window_bounds = array<i64: 1, 65, 65>}, {transform_indices = @transform_1, window_bounds = array<i64: 4096, 32>}, {pipeline_mode = #tpu.pipeline_mode<synchronous>, transform_indices = @transform_2, window_bounds = array<i64: 1, 32>}, {transform_indices = @transform_3, window_bounds = array<i64: 1, 32, 65, 65>}]} {
    %get3A = arith.constant 0 : index
    %get3A_0 = arith.constant 0 : index
    %get3A_1 = vector.load %arg2[%get3A, %get3A_0] : memref<4096x32xbf16, #tpu.memory_space<vmem>>, vector<4096x32xbf16>
    %transpose3A = tpu.transpose %get3A_1, [1, 0] : vector<4096x32xbf16> -> vector<32x4096xbf16>
    %reshape3A = vector.shape_cast %transpose3A : vector<32x4096xbf16> to vector<32x64x64xbf16>
    %convert_element_type3A = arith.extf %reshape3A : vector<32x64x64xbf16> to vector<32x64x64xf32>
    %broadcast_in_dim3A = arith.constant 0.000000e+00 : f32
    %broadcast_in_dim3A_2 = vector.broadcast %broadcast_in_dim3A : f32 to vector<32x1x64xf32>
    %concatenate3A = tpu.concatenate %broadcast_in_dim3A_2, %convert_element_type3A in 1 : vector<32x1x64xf32>, vector<32x64x64xf32> -> vector<32x65x64xf32>
    %broadcast_in_dim3A_3 = arith.constant 0.000000e+00 : f32
    %broadcast_in_dim3A_4 = vector.broadcast %broadcast_in_dim3A_3 : f32 to vector<32x65x1xf32>
    %concatenate3A_5 = tpu.concatenate %broadcast_in_dim3A_4, %concatenate3A in 2 : vector<32x65x1xf32>, vector<32x65x64xf32> -> vector<32x65x65xf32>
    %iota3A = tpu.iota {dimensions = array<i32: 1>} : vector<32x65x65xi32>
    %iota3A_6 = tpu.iota {dimensions = array<i32: 2>} : vector<32x65x65xi32>
    %get3A_7 = arith.constant 0 : index
    %get3A_8 = arith.constant 0 : index
    %get3A_9 = vector.load %arg3[%get3A_7, %get3A_8] : memref<1x32xf32, #tpu.memory_space<vmem>>, vector<1x32xf32>
    %get3A_10 = vector.shape_cast %get3A_9 : vector<1x32xf32> to vector<32xf32>
    %reshape3A_11 = vector.shape_cast %get3A_10 : vector<32xf32> to vector<32x1x1xf32>
    %eq3A = arith.constant 0 : i32
    %eq3A_12 = vector.broadcast %eq3A : i32 to vector<32x65x65xi32>
    %eq3A_13 = arith.cmpi eq, %iota3A, %eq3A_12 : vector<32x65x65xi32>
    %eq3A_14 = arith.constant 0 : i32
    %eq3A_15 = vector.broadcast %eq3A_14 : i32 to vector<32x65x65xi32>
    %eq3A_16 = arith.cmpi eq, %iota3A_6, %eq3A_15 : vector<32x65x65xi32>
    %or3A = arith.ori %eq3A_13, %eq3A_16 : vector<32x65x65xi1>
    %jit3A = arith.constant 0.000000e+00 : f32
    %broadcast_in_dim3A_17 = vector.shape_cast %reshape3A_11 : vector<32x1x1xf32> to vector<32x1x1xf32>
    %broadcast_in_dim3A_18 = vector.broadcast %broadcast_in_dim3A_17 : vector<32x1x1xf32> to vector<32x65x65xf32>
    %broadcast_in_dim3A_19 = vector.broadcast %jit3A : f32 to vector<32x65x65xf32>
    %select_n3A = arith.select %or3A, %broadcast_in_dim3A_18, %broadcast_in_dim3A_19 : vector<32x65x65xi1>, vector<32x65x65xf32>
    %get3A_20 = arith.constant 0 : index
    %get3A_21 = arith.constant 0 : index
    %get3A_22 = arith.constant 0 : index
    %get3A_23 = vector.load %arg1[%get3A_20, %get3A_21, %get3A_22] : memref<1x65x65xf32, #tpu.memory_space<vmem>>, vector<1x65x65xf32>
    %get3A_24 = vector.shape_cast %get3A_23 : vector<1x65x65xf32> to vector<65x65xf32>
    %broadcast_in_dim3A_25 = vector.shape_cast %get3A_24 : vector<65x65xf32> to vector<1x65x65xf32>
    %mul3A = arith.constant 2.000000e+00 : f32
    %mul3A_26 = vector.broadcast %mul3A : f32 to vector<1x65x65xf32>
    %mul3A_27 = arith.mulf %mul3A_26, %broadcast_in_dim3A_25 : vector<1x65x65xf32>
    %add3A = vector.broadcast %mul3A_27 : vector<1x65x65xf32> to vector<32x65x65xf32>
    %add3A_28 = arith.addf %add3A, %concatenate3A_5 : vector<32x65x65xf32>
    %add3A_29 = arith.addf %add3A_28, %select_n3A : vector<32x65x65xf32>
    %swap3A = arith.constant 0 : index
    %swap3A_30 = arith.constant 0 : index
    %swap3A_31 = arith.constant 0 : index
    %swap3A_32 = arith.constant 0 : index
    %swap3A_33 = vector.load %arg4[%swap3A, %swap3A_30, %swap3A_31, %swap3A_32] : memref<1x32x65x65xf32, #tpu.memory_space<vmem>>, vector<1x32x65x65xf32>
    %swap3A_34 = vector.shape_cast %swap3A_33 : vector<1x32x65x65xf32> to vector<32x65x65xf32>
    %swap3A_35 = vector.shape_cast %add3A_29 : vector<32x65x65xf32> to vector<1x32x65x65xf32>
    tpu.vector_store %arg4[%swap3A, %swap3A_30, %swap3A_31, %swap3A_32], %swap3A_35 {strides = array<i32>} : memref<1x32x65x65xf32, #tpu.memory_space<vmem>>, vector<1x32x65x65xf32>,
    return
  }
  func.func @transform_0(%arg0: i32) -> (i32, i32, i32) {
    %c0_i32 = arith.constant 0 : i32
    %c0_i32_0 = arith.constant 0 : i32
    %c0_i32_1 = arith.constant 0 : i32
    return %arg0, %c0_i32, %c0_i32_0 : i32, i32, i32
  }
  func.func @transform_1(%arg0: i32) -> (i32, i32) {
    %c0_i32 = arith.constant 0 : i32
    %c0_i32_0 = arith.constant 0 : i32
    return %arg0, %c0_i32 : i32, i32
  }
  func.func @transform_2(%arg0: i32) -> (i32, i32) {
    %c0_i32 = arith.constant 0 : i32
    %c0_i32_0 = arith.constant 0 : i32
    %c0_i32_1 = arith.constant 0 : i32
    return %c0_i32, %c0_i32_0 : i32, i32
  }
  func.func @transform_3(%arg0: i32) -> (i32, i32, i32, i32) {
    %c0_i32 = arith.constant 0 : i32
    %c0_i32_0 = arith.constant 0 : i32
    %c0_i32_1 = arith.constant 0 : i32
    %c0_i32_2 = arith.constant 0 : i32
    return %arg0, %c0_i32, %c0_i32_0, %c0_i32_1 : i32, i32, i32, i32
  }
}

</mosaic_0001>

<sc_bundles>
// kernel: kernel.6.cloned.1.call-start
scs
__scs_entry_jumppad:
0x0: {  	(pc) =	sbr.rel $0x88, $3  }
0x1: {  	(tag) =	ssettag $0x0;
	lr =	simm.s32 $0x1  }
0x2: {  	[smem:$0x3F9A] =	sst lr;
	_ =	strace $0xD0000000  }
0x3: {  	_ = 	snop  }
0x4: {  	_ = 	snop  }
0x5: {  	_ = 	snop  }
0x6: {  	_ = 	snop  }
0x7: {  	_ = 	snop  }
__scs_overlays_trampoline_lowered:
0x8: {  	[smem:$0x3FA9] =	sst s0  }
0x9: {  	[smem:$0x3FAA] =	sst s1  }
0xa: {  	[smem:$0x3FAB] =	sst s2  }
0xb: {  	[smem:$0x3FAC] =	sst s3  }
0xc: {  	[smem:$0x3FAD] =	sst s4  }
0xd: {  	[smem:$0x3FAE] =	sst s5  }
0xe: {  	[smem:$0x3FAF] =	sst s6  }
0xf: {  	[smem:$0x3FB0] =	sst s7  }
0x10: {  	[smem:$0x3FB1] =	sst s8  }
0x11: {  	[smem:$0x3FB2] =	sst s9;
	s0 =	simm.s32 @!p0 $0x0  }
0x12: {  	s1 =	sld [smem:$0x3F98];
	s0 =	simm.s32 @p0 $0x1  }
0x13: {  	[smem:$0x3FB3] =	sst s0;
	s0 =	simm.s32 @!p1 $0x0  }
0x14: {  	s2 =	sld [smem:$0x3F97];
	s0 =	simm.s32 @p1 $0x1  }
0x15: {  	[smem:$0x3FB4] =	sst s0;
	s0 =	simm.s32 @!p2 $0x0  }
0x16: {  	s3 =	sld [smem:$0x3FDB];
	s0 =	simm.s32 @p2 $0x1  }
0x17: {  	s4 =	simm.s32 $0x1BF5;
	[smem:$0x3FB6] =	sst s0  }
0x18: {  	s0 =	sld [smem:$0x3F99];
	_ =	swait.ge [sflag:s4], $0x0  }
0x19: {  	s7 =	sld [smem:$0x3F9A]  }
0x1a: {  	s8 =	sadd.s32 $0xFFFFE003, lr  }
0x1b: {  	s9 =	sadd.s32 $0xFFFFFEF7, lr;
	s5 =	simm.s32 $0xFFFFFFFF;
	p2 =	slt.u32 s8, $0xFFFFF086  }
0x1c: {  	p1 =	slt.u32 s9, $0xF7A;
	s5 =	simm.s32 @!p2 $0x0  }
0x1d: {  	s5 =	simm.s32 @p1 $0x1;
	p0 =	seq.s32 s7, s2  }
0x1e: {  	s7 =	smul.u32 @!p0 $0xF7A, s2;
	p2 =	seq.s32 @!p0 s5, $0x0  }
0x1f: {  	s9 =	smul.u32 $0xF7A, s1;
	s8 =	simm.s32 @!p0 $0x1BF5;
	p2 =	por !p2, p0  }
0x20: {  	[sflag:s8] =	ssyncset.s32 @!p0 $0xFFFFF086;
	s6 =	sadd.s32 @!p0 s3, s7;
	s7 =	simm.s32 @!p0 $0x108  }
0x21: {  	s3 =	sadd.s32 s3, s9;
	s6 =	sadd.s32 @!p0 $0x88, s6;
	s7 =	simm.s32 @p2 $0x1082  }
0x22: {  	[simem:s7], [sflag:s8] =	dma.local @!p0 [hbm:s6], $0xF7A  }
0x23: {  	s9 =	sor.u32 $0xD0000000, s2;
	s6 =	simm.s32 $0x108;
	_ =	swait.ge @!p0 [sflag:s8], $0x0  }
0x24: {  	s3 =	sadd.s32 $0x88, s3;
	s6 =	simm.s32 @!p1 $0x1082;
	[sflag:s4] =	ssyncset.s32 $0xFFFFF086  }
0x25: {  	[simem:s6], [sflag:s4] =	dma.local [hbm:s3], $0xF7A  }
0x26: {  	[smem:$0x3F9A] =	sst s1;
	(tag) =	ssettag s2;
	_ =	strace s9  }
0x27: {  	s1 =	sld [smem:$0x3FAA]  }
0x28: {  	s2 =	sld [smem:$0x3FAB]  }
0x29: {  	s4 =	sld [smem:$0x3FAD]  }
0x2a: {  	p0 =	seq.s32 s5, $0x0;
	s5 =	sld [smem:$0x3FAE]  }
0x2b: {  	s6 =	sld [smem:$0x3FAF]  }
0x2c: {  	s7 =	sld [smem:$0x3FB0]  }
0x2d: {  	s3 =	simm.s32 $0x108;
	s8 =	sld [smem:$0x3FB1]  }
0x2e: {  	s3 =	simm.s32 @!p0 $0x1082;
	s9 =	sld [smem:$0x3FB2]  }
0x2f: {  	lr =	sadd.s32 s0, s3;
	s0 =	sld [smem:$0x3FA9]  }
0x30: {  	s3 =	sld [smem:$0x3FAC]  }
0x31: {  	[smem:$0x3FB5] =	sst s10  }
0x32: {  	s10 =	sld [smem:$0x3FB3];
	_ =	sdelay $0x3  }
0x33: {  	p0 =	seq.s32 s10, $0x1;
	s10 =	sld [smem:$0x3FB5];
	_ =	sdelay $0x3  }
0x34: {  	[smem:$0x3FB5] =	sst s10  }
0x35: {  	s10 =	sld [smem:$0x3FB4];
	_ =	sdelay $0x3  }
0x36: {  	p1 =	seq.s32 s10, $0x1;
	s10 =	sld [smem:$0x3FB5];
	_ =	sdelay $0x3  }
0x37: {  	[smem:$0x3FB5] =	sst s10  }
0x38: {  	s10 =	sld [smem:$0x3FB6]  }
0x39: {  	_ = 	snop;
	(pc) =	sbr.ind lr, $3  }
0x3a: {  	_ = 	snop  }
0x3b: {  	_ = 	snop  }
0x3c: {  	p2 =	seq.s32 s10, $0x1;
	s10 =	sld [smem:$0x3FB5]  }
0x3d: {  	_ =	shalt  }
0x3e: {  	_ =	shalt  }
0x3f: {  	_ =	shalt  }
0x40: {  	_ =	shalt  }
0x41: {  	_ =	shalt  }
0x42: {  	_ =	shalt  }
0x43: {  	_ =	shalt  }
0x44: {  	_ =	shalt  }
0x45: {  	_ =	shalt  }
0x46: {  	_ =	shalt  }
0x47: {  	_ =	shalt  }
0x48: {  	_ =	shalt  }
0x49: {  	_ =	shalt  }
0x4a: {  	_ =	shalt  }
0x4b: {  	_ =	shalt  }
0x4c: {  	_ =	shalt  }
0x4d: {  	_ =	shalt  }
0x4e: {  	_ =	shalt  }
0x4f: {  	_ =	shalt  }
0x50: {  	_ =	shalt  }
0x51: {  	_ =	shalt  }
0x52: {  	_ =	shalt  }
0x53: {  	_ =	shalt  }
0x54: {  	_ =	shalt  }
0x55: {  	_ =	shalt  }
0x56: {  	_ =	shalt  }
0x57: {  	_ =	shalt  }
0x58: {  	_ =	shalt  }
0x59: {  	_ =	shalt  }
0x5a: {  	_ =	shalt  }
0x5b: {  	_ =	shalt  }
0x5c: {  	_ =	shalt  }
0x5d: {  	_ =	shalt  }
0x5e: {  	_ =	shalt  }
0x5f: {  	_ =	shalt  }
0x60: {  	_ =	shalt  }
0x61: {  	_ =	shalt  }
0x62: {  	_ =	shalt  }
0x63: {  	_ =	shalt  }
0x64: {  	_ =	shalt  }
0x65: {  	_ =	shalt  }
0x66: {  	_ =	shalt  }
0x67: {  	_ =	shalt  }
0x68: {  	_ =	shalt  }
0x69: {  	_ =	shalt  }
0x6a: {  	_ =	shalt  }
0x6b: {  	_ =	shalt  }
0x6c: {  	_ =	shalt  }
0x6d: {  	_ =	shalt  }
0x6e: {  	_ =	shalt  }
0x6f: {  	_ =	shalt  }
0x70: {  	_ =	shalt  }
0x71: {  	_ =	shalt  }
0x72: {  	_ =	shalt  }
0x73: {  	_ =	shalt  }
0x74: {  	_ =	shalt  }
0x75: {  	_ =	shalt  }
0x76: {  	_ =	shalt  }
0x77: {  	_ =	shalt  }
0x78: {  	_ =	shalt  }
0x79: {  	_ =	shalt  }
0x7a: {  	_ =	shalt  }
0x7b: {  	_ =	shalt  }
0x7c: {  	_ =	shalt  }
0x7d: {  	_ =	shalt  }
0x7e: {  	_ =	shalt  }
0x7f: {  	_ =	shalt  }
0x80: {  	_ =	shalt  }
0x81: {  	_ =	shalt  }
0x82: {  	_ =	shalt  }
0x83: {  	_ =	shalt  }
0x84: {  	_ =	shalt  }
0x85: {  	_ =	shalt  }
0x86: {  	_ =	shalt  }
0x87: {  	_ =	shalt  }
.Lfunc_end0:
.L_simem_size_0:
called_computation_lowered:
.L_overlay_start_0:
0x88: {  	s2 =	sld [smem:$0x3FD9]  }
0x89: {  	s3 =	sld [smem:$0x3FFE];
	_ =	sdelay $0x1  }
0x8a: {  	s1 =	srdreg.scid  }
0x8b: {  	s0 =	sand.u32 $0x1, s1  }
0x8c: {  	s17 =	sshll.u32 s0, $0xA;
	s2 =	sadd.s32 s3, s2  }
0x8d: {  	s2 =	sadd.s32 s2, s17  }
0x8e: {  	[smem:$0x3FC1] =	sst s2  }
0x8f: {  	_ = 	snop  }
0x90: {  	s2 =	sld [smem:$0x3FD0];
	(tm) =	ssettm $0x1  }
0x91: {  	s18 =	sld [smem:$0x3FFB];
	_ =	sdelay $0x3  }
0x92: {  	_ =	strace s18  }
0x93: {  	s3 =	sld [smem:$0x3FFC];
	_ =	sdelay $0x3  }
0x94: {  	_ =	strace s3  }
0x95: {  	s3 =	sld [smem:$0x3FFD];
	_ =	sdelay $0x3  }
0x96: {  	_ =	strace s3  }
0x97: {  	_ =	strace $0x8FFFFFFF  }
0x98: {  	s19 =	sld [smem:$0x3FDB];
	_ =	sdelay $0x1  }
0x99: {  	s4 =	simm.s32 $_scs_section_size  }
0x9a: {  	s5 =	simm.s32 $_size__tile_overlayer_lowered;
	s6 =	simm.s32 $_tile_overlayer_lowered  }
0x9b: {  	s22 =	simm.s32 $0x1BFF;
	s21 =	sshll.u32 s6, $0x1;
	s3 =	sadd.s32 s4, s19  }
0x9c: {  	s7 =	simm.s32 $0x0;
	s20 =	sshll.u32 s5, $0x1;
	s5 =	sadd.s32 s21, s3  }
0x9d: {  	[timem:s7], [sflag:s22] =	dma.local [hbm:s5], s20  }
0x9e: {  	_ =	swait.ge [sflag:s22], s20  }
0x9f: {  	s4 =	ssub.s32 $0x0, s20;
	[sflag:s22] =	ssyncset.done $0x0  }
0xa0: {  	[sflag:s22] =	ssyncadd.s32 s4;
	_ =	sdelay $0x1  }
0xa1: {  	s23 =	simm.s32 $0x1B8B  }
0xa2: {  	_ =	swait.ge [sflag:s23], $0x1  }
0xa3: {  	[sflag:s23] =	ssyncset.done $0x0  }
0xa4: {  	s25 =	simm.s32 $0x1B8E;
	s24 =	sld [smem:$0x3FFE];
	[sflag:s23] =	ssyncadd.s32 $0xFFFFFFFF  }
0xa5: {  	s26 =	simm.s32 $execute0_lowered;
	[smem:$0x3FD2] =	sst s25  }
0xa6: {  	s5 =	sshll.u32 s26, $0x1;
	_ =	strace $0x80000046;
	[dreg:$0x1] =	wrdreg $0xFFFFFFFF  }
0xa7: {  	s28 =	simm.s32 $_size_execute0_lowered;
	s3 =	sadd.s32 s3, s5;
	[dreg:$0x0] =	wrdreg $0x0  }
0xa8: {  	s5 =	sshll.u32 s28, $0x1;
	[dreg:$0x2] =	wrdreg s3  }
0xa9: {  	[dreg:$0x3] =	wrdreg s5  }
0xaa: {  	[dreg:$0x4] =	wrdreg $0xC0  }
0xab: {  	_ =	task [dreg:s7], $0x5FFFF  }
0xac: {  	[dreg:$0x1] =	wrdreg $0xFFFFFFFF  }
0xad: {  	[dreg:$0x0] =	wrdreg $0x60  }
0xae: {  	[dreg:$0x2] =	wrdreg s24  }
0xaf: {  	[dreg:$0x3] =	wrdreg s2  }
0xb0: {  	[dreg:$0x4] =	wrdreg $0x9  }
0xb1: {  	_ =	task.clear_ibuf [dreg:s7], $0x5FFFF;
	_ =	strace $0x90000046  }
0xb2: {  	s29 =	simm.s32 $0x9;
	_ =	strace $0x80000048  }
0xb3: {  	_ =	swait.ge [sflag:s29], $0x1  }
0xb4: {  	[sflag:s29] =	ssyncadd.s32 $0xFFFFFFFF  }
0xb5: {  	_ =	strace $0x90000048  }
0xb6: {  	_ =	sfence  }
0xb7: {  	s30 =	sld [smem:$0x0];
	_ =	sdelay $0x2  }
0xb8: {  	s31 =	sshll.u32 s1, $0xD;
	s1 =	sshrl.u32 s1, $0x2  }
0xb9: {  	s3 =	sand.u32 $0x4000, s31;
	s1 =	sadd.s32 s1, s30  }
0xba: {  	s0 =	sor.u32 s3, s0;
	s1 =	sshll.u32 s1, $0x11  }
0xbb: {  	s0 =	sor.u32 s1, s0  }
0xbc: {  	s0 =	sadd.s32 $0x8F2B, s0  }
0xbd: {  	[sflag:s0] =	ssyncadd.remote.s32 $0x1  }
0xbe: {  	_ =	sfence.sel $0xFFFF  }
0xbf: {  	[dreg:$0x0] =	wrdreg $0xFFFFFFFF;
	(pc) =	sbr.abs _section_cstart, $3  }
0xc0: {  	[dreg:$0x1] =	wrdreg $0xFFFFFFFF  }
0xc1: {  	_ =	task.clear_ibuf [dreg:s7], $0x2FFFF;
	_ =	strace $0x9FFFFFFF  }
0xc2: {  	(tm) =	ssettm $0x7FFFFFFF  }
0xc3: {  	_ =	shalt  }
tec
execute0_lowered:
.L_overlay_start_1:
0x0: {  	(tag) =	ssettag $0x1  }
0x1: {  	s0 =	rddreg [dreg:$0x0]  }
0x2: {  	s1 =	rddreg [dreg:$0x1];
	s3 =	srdreg.scid;
	s2 =	simm.s32 $0x0  }
0x3: {  	s4 =	stileid.u32;
	s11 =	simm.s32 $0x80;
	s20 =	simm.s32 $0xD00  }
0x4: {  	s9 =	simm.s32 $0xD80;
	s10 =	simm.s32 $0xE00;
	s22 =	simm.s32 $0xF000  }
0x5: {  	s28 =	simm.s32 $0xF80;
	s29 =	simm.s32 $0x10800;
	s30 =	simm.s32 $0x1  }
0x6: {  	s31 =	simm.s32 $0x11000;
	s12 =	simm.s32 $0x4;
	s15 =	simm.s32 $0x0  }
0x7: {  	s19 =	simm.s32 $0x800;
	s3 =	sand.u32 $0x1, s3;
	[smem:$0x7FF] =	sst s2  }
0x8: {  	s4 =	sshll.u32 s4, $0xE;
	s5 =	sshll.u32 s3, $0xD;
	_ =	strace $0x80000047  }
0x9: {  	s23 =	ssub.s32 $0x2, s3;
	s3 =	sadd.s32 $0xA00, s0;
	s4 =	sor.u32 s5, s4  }
0xa: {  	s6 =	sshrl.u32 s23, $0x1;
	s5 =	simm.s32 $0xE000;
	s8 =	sadd.s32 s1, s4  }
0xb: {  	s0 =	sadd.s32 s4, s0;
	s24 =	ssub.s32 s23, s6;
	s4 =	simm.s32 $0xE800  }
.Ltmp0:
0xc: {  	s23 =	simm.s32 $0xE80;
	s1 =	simm.s32 $0x5;
	(pc) =	sbr.rel .LBB2_1-.Ltmp0, $4  }
0xd: {  	s25 =	sadd.s32 $0x100, s8;
	s6 =	sadd.s32 $0x200, s8;
	s7 =	sadd.s32 $0x13C00, s0  }
0xe: {  	[dreg:$0x3] =	wrdreg s8;
	s8 =	sadd.s32 $0x300, s8;
	s26 =	smax.u32 s24, $0x1  }
0xf: {  	s24 =	simm.s32 $0xF800;
	s0 =	simm.s32 $0x11800;
	[dreg:$0x4] =	wrdreg s25  }
0x10: {  	[dreg:$0x5] =	wrdreg s26;
	s25 =	simm.s32 $0xF00;
	s26 =	simm.s32 $0x10000  }
.LBB2_11:
0x11: {  	_ =	swait.ge [sflag:s1], $0x800  }
0x12: {  	[sflag:s1] =	ssyncset.done $0x0  }
0x13: {  	s14 =	simm.s32 $0x6;
	[sflag:s1] =	ssyncadd.s32 $0xFFFFF800  }
0x14: {  	_ =	swait.ge [sflag:s14], $0x800  }
0x15: {  	s15 =	rddreg [dreg:$0x6]  }
0x16: {  	s13 =	rddreg [dreg:$0x5];
	s15 =	sadd.s32 $0x1, s15  }
0x17: {  	p0 =	sne.s32 s15, s13  }
.Ltmp1:
0x18: {  	_ = 	snop;
	(pc) =	sbr.rel @!p0 .LBB2_12-.Ltmp1, $3  }
0x19: {  	_ =	sdelay $0x1  }
0x1a: {  	[sflag:s14] =	ssyncset.done $0x0  }
0x1b: {  	[sflag:s14] =	ssyncadd.s32 $0xFFFFF800  }
.LBB2_1:
0x1c: {  	[dreg:$0x6] =	wrdreg s15  }
0x1d: {  	s13 =	rddreg [dreg:$0x3];
	s14 =	simm.s32 $0x7  }
0x1e: {  	[tilespmem:s2], [sflag:$0x7] =	stream.linear.gather [hbm4b:s13+s2], $0x800, $0x38;
	[tilespmem:$0x12000] =	vst v63  }
0x1f: {  	_ =	swait.ge [sflag:s14], $0x800  }
0x20: {  	[sflag:s14] =	ssyncset.done $0x0  }
0x21: {  	s16 =	simm.s32 $0x1000;
	[sflag:s14] =	ssyncadd.s32 $0xFFFFF800  }
0x22: {  	[tilespmem:s16], [sflag:$0x1] =	stream.indirect.gather [hbm4b:s3+s11], $0x10, s2, s11, $0xb8;
	[tilespmem:$0x12000] =	vst v63  }
0x23: {  	s17 =	simm.s32 $0x1800  }
0x24: {  	[tilespmem:s17], [sflag:$0x1] =	stream.indirect.gather [hbm4b:s3+s11], $0x10, s11, s11, $0xb8;
	[tilespmem:$0x12000] =	vst v63  }
0x25: {  	s18 =	simm.s32 $0x100;
	s21 =	simm.s32 $0x2000  }
0x26: {  	[tilespmem:s21], [sflag:$0x1] =	stream.indirect.gather [hbm4b:s3+s11], $0x10, s18, s11, $0xb8;
	[tilespmem:$0x12000] =	vst v63  }
0x27: {  	s16 =	simm.s32 $0x180;
	s17 =	simm.s32 $0x2800  }
0x28: {  	[tilespmem:s17], [sflag:$0x1] =	stream.indirect.gather [hbm4b:s3+s11], $0x10, s16, s11, $0xb8;
	[tilespmem:$0x12000] =	vst v63  }
0x29: {  	s18 =	simm.s32 $0x200;
	s21 =	simm.s32 $0x3000  }
0x2a: {  	[tilespmem:s21], [sflag:$0x1] =	stream.indirect.gather [hbm4b:s3+s11], $0x10, s18, s11, $0xb8;
	[tilespmem:$0x12000] =	vst v63  }
0x2b: {  	s16 =	simm.s32 $0x280;
	s17 =	simm.s32 $0x3800  }
0x2c: {  	[tilespmem:s17], [sflag:$0x1] =	stream.indirect.gather [hbm4b:s3+s11], $0x10, s16, s11, $0xb8;
	[tilespmem:$0x12000] =	vst v63  }
0x2d: {  	s18 =	simm.s32 $0x300;
	s21 =	simm.s32 $0x4000  }
0x2e: {  	[tilespmem:s21], [sflag:$0x1] =	stream.indirect.gather [hbm4b:s3+s11], $0x10, s18, s11, $0xb8;
	[tilespmem:$0x12000] =	vst v63  }
0x2f: {  	s16 =	simm.s32 $0x380;
	s17 =	simm.s32 $0x4800  }
0x30: {  	[tilespmem:s17], [sflag:$0x1] =	stream.indirect.gather [hbm4b:s3+s11], $0x10, s16, s11, $0xb8;
	[tilespmem:$0x12000] =	vst v63  }
0x31: {  	s18 =	simm.s32 $0x400;
	s21 =	simm.s32 $0x5000  }
0x32: {  	[tilespmem:s21], [sflag:$0x1] =	stream.indirect.gather [hbm4b:s3+s11], $0x10, s18, s11, $0xb8;
	[tilespmem:$0x12000] =	vst v63  }
0x33: {  	s16 =	simm.s32 $0x480;
	s17 =	simm.s32 $0x5800  }
0x34: {  	[tilespmem:s17], [sflag:$0x1] =	stream.indirect.gather [hbm4b:s3+s11], $0x10, s16, s11, $0xb8;
	[tilespmem:$0x12000] =	vst v63  }
0x35: {  	s18 =	simm.s32 $0x500;
	s21 =	simm.s32 $0x6000  }
0x36: {  	[tilespmem:s21], [sflag:$0x1] =	stream.indirect.gather [hbm4b:s3+s11], $0x10, s18, s11, $0xb8;
	[tilespmem:$0x12000] =	vst v63  }
0x37: {  	s16 =	simm.s32 $0x580;
	s17 =	simm.s32 $0x6800  }
0x38: {  	[tilespmem:s17], [sflag:$0x1] =	stream.indirect.gather [hbm4b:s3+s11], $0x10, s16, s11, $0xb8;
	[tilespmem:$0x12000] =	vst v63  }
0x39: {  	s18 =	simm.s32 $0x600;
	s21 =	simm.s32 $0x7000  }
0x3a: {  	[tilespmem:s21], [sflag:$0x1] =	stream.indirect.gather [hbm4b:s3+s11], $0x10, s18, s11, $0xb8;
	[tilespmem:$0x12000] =	vst v63  }
0x3b: {  	s16 =	simm.s32 $0x680;
	s17 =	simm.s32 $0x7800  }
0x3c: {  	[tilespmem:s17], [sflag:$0x1] =	stream.indirect.gather [hbm4b:s3+s11], $0x10, s16, s11, $0xb8;
	[tilespmem:$0x12000] =	vst v63  }
0x3d: {  	s18 =	simm.s32 $0x700;
	s21 =	simm.s32 $0x8000  }
0x3e: {  	[tilespmem:s21], [sflag:$0x1] =	stream.indirect.gather [hbm4b:s3+s11], $0x10, s18, s11, $0xb8;
	[tilespmem:$0x12000] =	vst v63  }
0x3f: {  	s15 =	simm.s32 $0x780;
	s16 =	simm.s32 $0x8800  }
0x40: {  	[tilespmem:s16], [sflag:$0x1] =	stream.indirect.gather [hbm4b:s3+s11], $0x10, s15, s11, $0xb8;
	[tilespmem:$0x12000] =	vst v63  }
0x41: {  	s17 =	rddreg [dreg:$0x4];
	s18 =	simm.s32 $0x800  }
0x42: {  	[tilespmem:s18], [sflag:$0x7] =	stream.linear.gather [hbm4b:s17+s2], $0x800, $0x38;
	[tilespmem:$0x12000] =	vst v63  }
0x43: {  	_ =	swait.ge [sflag:s14], $0x800  }
0x44: {  	[sflag:s14] =	ssyncset.done $0x0  }
0x45: {  	s21 =	simm.s32 $0x9000;
	[sflag:s14] =	ssyncadd.s32 $0xFFFFF800  }
0x46: {  	[tilespmem:s21], [sflag:$0x2] =	stream.indirect.gather [hbm4b:s3+s11], $0x10, s18, s11, $0xb8;
	[tilespmem:$0x12000] =	vst v63  }
0x47: {  	s15 =	simm.s32 $0x9800;
	s14 =	simm.s32 $0x880  }
0x48: {  	[tilespmem:s15], [sflag:$0x2] =	stream.indirect.gather [hbm4b:s3+s11], $0x10, s14, s11, $0xb8;
	[tilespmem:$0x12000] =	vst v63  }
0x49: {  	s16 =	simm.s32 $0x900;
	s17 =	simm.s32 $0xA000  }
0x4a: {  	[tilespmem:s17], [sflag:$0x2] =	stream.indirect.gather [hbm4b:s3+s11], $0x10, s16, s11, $0xb8;
	[tilespmem:$0x12000] =	vst v63  }
0x4b: {  	s18 =	simm.s32 $0x980;
	s21 =	simm.s32 $0xA800  }
0x4c: {  	[tilespmem:s21], [sflag:$0x2] =	stream.indirect.gather [hbm4b:s3+s11], $0x10, s18, s11, $0xb8;
	[tilespmem:$0x12000] =	vst v63  }
0x4d: {  	s14 =	simm.s32 $0xA00;
	s15 =	simm.s32 $0xB000  }
0x4e: {  	[tilespmem:s15], [sflag:$0x2] =	stream.indirect.gather [hbm4b:s3+s11], $0x10, s14, s11, $0xb8;
	[tilespmem:$0x12000] =	vst v63  }
0x4f: {  	s16 =	simm.s32 $0xA80;
	s17 =	simm.s32 $0xB800  }
0x50: {  	[tilespmem:s17], [sflag:$0x2] =	stream.indirect.gather [hbm4b:s3+s11], $0x10, s16, s11, $0xb8;
	[tilespmem:$0x12000] =	vst v63  }
0x51: {  	s18 =	simm.s32 $0xB00;
	s21 =	simm.s32 $0xC000  }
0x52: {  	[tilespmem:s21], [sflag:$0x2] =	stream.indirect.gather [hbm4b:s3+s11], $0x10, s18, s11, $0xb8;
	[tilespmem:$0x12000] =	vst v63  }
0x53: {  	s14 =	simm.s32 $0xB80;
	s15 =	simm.s32 $0xC800  }
0x54: {  	[tilespmem:s15], [sflag:$0x2] =	stream.indirect.gather [hbm4b:s3+s11], $0x10, s14, s11, $0xb8;
	[tilespmem:$0x12000] =	vst v63  }
0x55: {  	s16 =	simm.s32 $0xC00;
	s17 =	simm.s32 $0xD000  }
0x56: {  	[tilespmem:s17], [sflag:$0x2] =	stream.indirect.gather [hbm4b:s3+s11], $0x10, s16, s11, $0xb8;
	[tilespmem:$0x12000] =	vst v63  }
0x57: {  	s18 =	simm.s32 $0xC80;
	s21 =	simm.s32 $0xD800  }
0x58: {  	[tilespmem:s21], [sflag:$0x2] =	stream.indirect.gather [hbm4b:s3+s11], $0x10, s18, s11, $0xb8;
	[tilespmem:$0x12000] =	vst v63  }
0x59: {  	_ = 	snop  }
0x5a: {  	[tilespmem:s5], [sflag:$0x2] =	stream.indirect.gather [hbm4b:s3+s11], $0x10, s20, s11, $0xb8;
	[tilespmem:$0x12000] =	vst v63  }
0x5b: {  	_ = 	snop  }
0x5c: {  	[tilespmem:s4], [sflag:$0x2] =	stream.indirect.gather [hbm4b:s3+s11], $0x10, s9, s11, $0xb8;
	[tilespmem:$0x12000] =	vst v63  }
0x5d: {  	_ = 	snop  }
0x5e: {  	[tilespmem:s22], [sflag:$0x2] =	stream.indirect.gather [hbm4b:s3+s11], $0x10, s10, s11, $0xb8;
	[tilespmem:$0x12000] =	vst v63  }
0x5f: {  	_ = 	snop  }
0x60: {  	[tilespmem:s24], [sflag:$0x2] =	stream.indirect.gather [hbm4b:s3+s11], $0x10, s23, s11, $0xb8;
	[tilespmem:$0x12000] =	vst v63  }
0x61: {  	_ = 	snop  }
0x62: {  	[tilespmem:s26], [sflag:$0x2] =	stream.indirect.gather [hbm4b:s3+s11], $0x10, s25, s11, $0xb8;
	[tilespmem:$0x12000] =	vst v63  }
0x63: {  	s13 =	simm.s32 $0x0  }
0x64: {  	[tilespmem:s29], [sflag:$0x2] =	stream.indirect.gather [hbm4b:s3+s11], $0x10, s28, s11, $0xb8;
	[tilespmem:$0x12000] =	vst v63  }
.LBB2_2:
0x65: {  	p0 =	seq.s32 s13, $0xF  }
0x66: {  	p1 =	seq.s32 @!p0 s13, $0x0  }
0x67: {  	p1 =	por p0, !p1  }
.Ltmp2:
0x68: {  	_ = 	snop;
	(pc) =	sbr.rel @!p1 .LBB2_3-.Ltmp2, $4  }
0x69: {  	_ =	swait.ge [sflag:s30], $0x8000  }
0x6a: {  	[sflag:s30] =	ssyncset.done $0x0;
	s14 =	sshll.u32 @!p0 s13, $0x9  }
0x6b: {  	s15 =	simm.s32 @!p0 $0x0;
	[sflag:s30] =	ssyncadd.s32 $0xFFFF8000;
	s14 =	sadd.s32 @!p0 s14, s6  }
0x6c: {  	[tilespmem:s15], [sflag:$0x3] =	stream.linear.gather @!p0 [hbm4b:s14+s15], $0x800, $0x38;
	[tilespmem:$0x12000] =	vst v63  }
.Ltmp3:
0x6d: {  	(pc) =	sbr.rel .LBB2_5-.Ltmp3, $4  }
0x6e: {  	_ = 	snop  }
0x6f: {  	_ =	swait.ge [sflag:s1], $0x800  }
0x70: {  	[sflag:s1] =	ssyncset.done $0x0  }
0x71: {  	p1 =	por $0x0, $0x0;
	[sflag:s1] =	ssyncadd.s32 $0xFFFFF800  }
.LBB2_3:
0x72: {  	p1 =	por @!p0 $0x1, $0x1  }
.LBB2_5:
0x73: {  	s21 =	simm.s32 $0x1080  }
0x74: {  	v0 =	vld [tilespmem:s21+$0xFFFFFF90]  }
0x75: {  	s14 =	simm.s32 $0x0;
	s15 =	simm.s32 $0x40;
	v1 =	vld [tilespmem:s21+$0xFFFFFF80]  }
.LBB2_6:
0x76: {  	p2 =	sne.s32 s15, $0x1FC0  }
0x77: {  	v2 =	vld [tilespmem:s21+$0xFFFFFFA0];
	_ =	sdelay $0x1  }
0x78: {  	v3 =	vld [tilespmem:s21+$0xFFFFFFB0]  }
0x79: {  	v0 =	vadd.bf16 v0, v1  }
0x7a: {  	v1 =	vld [tilespmem:s21+$0xFFFFFFC0]  }
0x7b: {  	v0 =	vadd.bf16 v2, v0  }
0x7c: {  	v2 =	vld [tilespmem:s21+$0xFFFFFFD0]  }
0x7d: {  	v0 =	vadd.bf16 v3, v0  }
0x7e: {  	v3 =	vld [tilespmem:s21+$0xFFFFFFE0]  }
0x7f: {  	v0 =	vadd.bf16 v1, v0  }
0x80: {  	v1 =	vld [tilespmem:s21+$0xFFFFFFF0]  }
0x81: {  	v0 =	vadd.bf16 v2, v0  }
0x82: {  	v2 =	vld [tilespmem:s21+$0x0]  }
0x83: {  	v0 =	vadd.bf16 v3, v0  }
0x84: {  	v3 =	vld [tilespmem:s21+$0x10]  }
0x85: {  	v0 =	vadd.bf16 v1, v0  }
0x86: {  	v1 =	vld [tilespmem:s21+$0x20]  }
0x87: {  	v0 =	vadd.bf16 v2, v0  }
0x88: {  	v2 =	vld [tilespmem:s21+$0x30]  }
0x89: {  	v0 =	vadd.bf16 v3, v0  }
0x8a: {  	v3 =	vld [tilespmem:s21+$0x40]  }
0x8b: {  	v0 =	vadd.bf16 v1, v0  }
0x8c: {  	v1 =	vld [tilespmem:s21+$0x50]  }
0x8d: {  	v0 =	vadd.bf16 v2, v0  }
0x8e: {  	v2 =	vld [tilespmem:s21+$0x60]  }
0x8f: {  	v0 =	vadd.bf16 v3, v0  }
0x90: {  	v3 =	vld [tilespmem:s21+$0x70]  }
0x91: {  	v0 =	vadd.bf16 v1, v0;
	_ =	sdelay $0x1  }
0x92: {  	v0 =	vadd.bf16 v2, v0;
	_ =	sdelay $0x1  }
.Ltmp4:
0x93: {  	v0 =	vadd.bf16 v3, v0;
	(pc) =	sbr.rel @p2 .LBB2_6-.Ltmp4, $4  }
0x94: {  	s16 =	sshra.s32 s14, $0x2;
	s14 =	smov.u32 s15  }
0x95: {  	s21 =	sadd.s32 $0x100, s21;
	[tilespmem:s16+$0x11000] =	vst v0  }
0x96: {  	v0 =	vld [tilespmem:s21+$0xFFFFFF90]  }
0x97: {  	s15 =	sadd.s32 $0x40, s15;
	v1 =	vld [tilespmem:s21+$0xFFFFFF80]  }
0x98: {  	_ = 	snop  }
0x99: {  	v2 =	vld [tilespmem:s21+$0xFFFFFFA0];
	_ =	sdelay $0x1  }
0x9a: {  	v3 =	vld [tilespmem:s21+$0xFFFFFFB0]  }
0x9b: {  	v0 =	vadd.bf16 v0, v1  }
0x9c: {  	v1 =	vld [tilespmem:s21+$0xFFFFFFC0]  }
0x9d: {  	v0 =	vadd.bf16 v2, v0  }
0x9e: {  	v2 =	vld [tilespmem:s21+$0xFFFFFFD0]  }
0x9f: {  	v0 =	vadd.bf16 v3, v0  }
0xa0: {  	v3 =	vld [tilespmem:s21+$0xFFFFFFE0]  }
0xa1: {  	v0 =	vadd.bf16 v1, v0  }
0xa2: {  	v1 =	vld [tilespmem:s21+$0xFFFFFFF0]  }
0xa3: {  	v0 =	vadd.bf16 v2, v0  }
0xa4: {  	v2 =	vld [tilespmem:s21+$0x0]  }
0xa5: {  	v0 =	vadd.bf16 v3, v0  }
0xa6: {  	v3 =	vld [tilespmem:s21+$0x10]  }
0xa7: {  	v0 =	vadd.bf16 v1, v0  }
0xa8: {  	v1 =	vld [tilespmem:s21+$0x20]  }
0xa9: {  	v0 =	vadd.bf16 v2, v0  }
0xaa: {  	v2 =	vld [tilespmem:s21+$0x30]  }
0xab: {  	v0 =	vadd.bf16 v3, v0  }
0xac: {  	v3 =	vld [tilespmem:s21+$0x40]  }
0xad: {  	v0 =	vadd.bf16 v1, v0  }
0xae: {  	v1 =	vld [tilespmem:s21+$0x50]  }
0xaf: {  	v0 =	vadd.bf16 v2, v0  }
0xb0: {  	v2 =	vld [tilespmem:s21+$0x60]  }
0xb1: {  	v0 =	vadd.bf16 v3, v0  }
0xb2: {  	v3 =	vld [tilespmem:s21+$0x70]  }
0xb3: {  	v0 =	vadd.bf16 v1, v0;
	_ =	sdelay $0x1  }
0xb4: {  	v0 =	vadd.bf16 v2, v0;
	_ =	sdelay $0x1  }
0xb5: {  	v0 =	vadd.bf16 v3, v0  }
0xb6: {  	s14 =	sshra.s32 s14, $0x2;
	s15 =	sshll.u32 s13, $0x9;
	p2 =	sne.s32 s13, $0xF  }
0xb7: {  	s16 =	simm.s32 @p2 $0x3;
	[tilespmem:s14+$0x11000] =	vst v0;
	s14 =	sadd.s32 s15, s7  }
0xb8: {  	[hbm4b:s14+s2] =	stream.linear.scatter [tilespmem:s31], [sflag:$0x5], $0x800, $0x38;
	[tilespmem:$0x12000] =	vst v63  }
0xb9: {  	_ =	swait.ge @p2 [sflag:s16], $0x800  }
0xba: {  	s17 =	simm.s32 @p2 $0x1000;
	[sflag:s16] =	ssyncset.done @p2 $0x0  }
0xbb: {  	s21 =	simm.s32 @p2 $0x0;
	[sflag:s16] =	ssyncadd.s32 @p2 $0xFFFFF800;
	s16 =	simm.s32 @p2 $0x80  }
0xbc: {  	[tilespmem:s17], [sflag:$0x1] =	stream.indirect.gather @p2 [hbm4b:s3+s16], $0x10, s21, s16, $0xb8;
	[tilespmem:$0x12000] =	vst v63  }
0xbd: {  	s17 =	simm.s32 @p2 $0x1800  }
0xbe: {  	[tilespmem:s17], [sflag:$0x1] =	stream.indirect.gather @p2 [hbm4b:s3+s16], $0x10, s16, s16, $0xb8;
	[tilespmem:$0x12000] =	vst v63  }
0xbf: {  	s18 =	simm.s32 @p2 $0x2000;
	s17 =	simm.s32 @p2 $0x100  }
0xc0: {  	[tilespmem:s18], [sflag:$0x1] =	stream.indirect.gather @p2 [hbm4b:s3+s16], $0x10, s17, s16, $0xb8;
	[tilespmem:$0x12000] =	vst v63  }
0xc1: {  	s17 =	simm.s32 @p2 $0x180;
	s18 =	simm.s32 @p2 $0x2800  }
0xc2: {  	[tilespmem:s18], [sflag:$0x1] =	stream.indirect.gather @p2 [hbm4b:s3+s16], $0x10, s17, s16, $0xb8;
	[tilespmem:$0x12000] =	vst v63  }
0xc3: {  	s17 =	simm.s32 @p2 $0x200;
	s18 =	simm.s32 @p2 $0x3000  }
0xc4: {  	[tilespmem:s18], [sflag:$0x1] =	stream.indirect.gather @p2 [hbm4b:s3+s16], $0x10, s17, s16, $0xb8;
	[tilespmem:$0x12000] =	vst v63  }
0xc5: {  	s17 =	simm.s32 @p2 $0x280;
	s18 =	simm.s32 @p2 $0x3800  }
0xc6: {  	[tilespmem:s18], [sflag:$0x1] =	stream.indirect.gather @p2 [hbm4b:s3+s16], $0x10, s17, s16, $0xb8;
	[tilespmem:$0x12000] =	vst v63  }
0xc7: {  	s17 =	simm.s32 @p2 $0x300;
	s18 =	simm.s32 @p2 $0x4000  }
0xc8: {  	[tilespmem:s18], [sflag:$0x1] =	stream.indirect.gather @p2 [hbm4b:s3+s16], $0x10, s17, s16, $0xb8;
	[tilespmem:$0x12000] =	vst v63  }
0xc9: {  	s17 =	simm.s32 @p2 $0x380;
	s18 =	simm.s32 @p2 $0x4800  }
0xca: {  	[tilespmem:s18], [sflag:$0x1] =	stream.indirect.gather @p2 [hbm4b:s3+s16], $0x10, s17, s16, $0xb8;
	[tilespmem:$0x12000] =	vst v63  }
0xcb: {  	s17 =	simm.s32 @p2 $0x400;
	s18 =	simm.s32 @p2 $0x5000  }
0xcc: {  	[tilespmem:s18], [sflag:$0x1] =	stream.indirect.gather @p2 [hbm4b:s3+s16], $0x10, s17, s16, $0xb8;
	[tilespmem:$0x12000] =	vst v63  }
0xcd: {  	s17 =	simm.s32 @p2 $0x480;
	s18 =	simm.s32 @p2 $0x5800  }
0xce: {  	[tilespmem:s18], [sflag:$0x1] =	stream.indirect.gather @p2 [hbm4b:s3+s16], $0x10, s17, s16, $0xb8;
	[tilespmem:$0x12000] =	vst v63  }
0xcf: {  	s17 =	simm.s32 @p2 $0x500;
	s18 =	simm.s32 @p2 $0x6000  }
0xd0: {  	[tilespmem:s18], [sflag:$0x1] =	stream.indirect.gather @p2 [hbm4b:s3+s16], $0x10, s17, s16, $0xb8;
	[tilespmem:$0x12000] =	vst v63  }
0xd1: {  	s17 =	simm.s32 @p2 $0x580;
	s18 =	simm.s32 @p2 $0x6800  }
0xd2: {  	[tilespmem:s18], [sflag:$0x1] =	stream.indirect.gather @p2 [hbm4b:s3+s16], $0x10, s17, s16, $0xb8;
	[tilespmem:$0x12000] =	vst v63  }
0xd3: {  	s17 =	simm.s32 @p2 $0x600;
	s18 =	simm.s32 @p2 $0x7000  }
0xd4: {  	[tilespmem:s18], [sflag:$0x1] =	stream.indirect.gather @p2 [hbm4b:s3+s16], $0x10, s17, s16, $0xb8;
	[tilespmem:$0x12000] =	vst v63  }
0xd5: {  	s17 =	simm.s32 @p2 $0x680;
	s18 =	simm.s32 @p2 $0x7800  }
0xd6: {  	[tilespmem:s18], [sflag:$0x1] =	stream.indirect.gather @p2 [hbm4b:s3+s16], $0x10, s17, s16, $0xb8;
	[tilespmem:$0x12000] =	vst v63  }
0xd7: {  	s17 =	simm.s32 @p2 $0x700;
	s18 =	simm.s32 @p2 $0x8000  }
0xd8: {  	[tilespmem:s18], [sflag:$0x1] =	stream.indirect.gather @p2 [hbm4b:s3+s16], $0x10, s17, s16, $0xb8;
	[tilespmem:$0x12000] =	vst v63  }
0xd9: {  	s17 =	simm.s32 @p2 $0x780;
	s18 =	simm.s32 @p2 $0x8800  }
0xda: {  	[tilespmem:s18], [sflag:$0x1] =	stream.indirect.gather @p2 [hbm4b:s3+s16], $0x10, s17, s16, $0xb8;
	[tilespmem:$0x12000] =	vst v63  }
0xdb: {  	s16 =	simm.s32 @p2 $0x2  }
0xdc: {  	_ =	swait.ge @p2 [sflag:s16], $0x8000  }
0xdd: {  	[sflag:s16] =	ssyncset.done @p2 $0x0  }
0xde: {  	s15 =	sadd.s32 @p2 s15, s8;
	[sflag:s16] =	ssyncadd.s32 @p2 $0xFFFF8000;
	s16 =	simm.s32 @p2 $0x800  }
0xdf: {  	[tilespmem:s16], [sflag:$0x4] =	stream.linear.gather @p2 [hbm4b:s15+s21], $0x800, $0x38;
	[tilespmem:$0x12000] =	vst v63  }
0xe0: {  	s15 =	simm.s32 @!p2 $0x2  }
0xe1: {  	_ =	swait.ge @!p2 [sflag:s15], $0x8000  }
0xe2: {  	[sflag:s15] =	ssyncset.done @!p2 $0x0  }
0xe3: {  	[sflag:s15] =	ssyncadd.s32 @!p2 $0xFFFF8000;
	s15 =	simm.s32 @!p1 $0x6  }
0xe4: {  	_ =	swait.ge @!p1 [sflag:s15], $0x800  }
0xe5: {  	[sflag:s15] =	ssyncset.done @!p1 $0x0  }
0xe6: {  	s21 =	simm.s32 $0x0;
	[sflag:s15] =	ssyncadd.s32 @!p1 $0xFFFFF800  }
0xe7: {  	v0 =	vld [tilespmem:s21+$0x9010]  }
0xe8: {  	v1 =	vld [tilespmem:s21+$0x9000];
	_ =	sdelay $0x1  }
0xe9: {  	v2 =	vld [tilespmem:s21+$0x9020];
	_ =	sdelay $0x1  }
0xea: {  	v3 =	vld [tilespmem:s21+$0x9030]  }
0xeb: {  	v0 =	vadd.bf16 v0, v1  }
0xec: {  	v1 =	vld [tilespmem:s21+$0x9040]  }
0xed: {  	v0 =	vadd.bf16 v2, v0  }
0xee: {  	v2 =	vld [tilespmem:s21+$0x9050]  }
0xef: {  	v0 =	vadd.bf16 v3, v0  }
0xf0: {  	v3 =	vld [tilespmem:s21+$0x9060]  }
0xf1: {  	v0 =	vadd.bf16 v1, v0  }
0xf2: {  	v1 =	vld [tilespmem:s21+$0x9070]  }
0xf3: {  	v0 =	vadd.bf16 v2, v0  }
0xf4: {  	v2 =	vld [tilespmem:s21+$0x9080]  }
0xf5: {  	v0 =	vadd.bf16 v3, v0  }
0xf6: {  	v3 =	vld [tilespmem:s21+$0x9090]  }
0xf7: {  	v0 =	vadd.bf16 v1, v0  }
0xf8: {  	v1 =	vld [tilespmem:s21+$0x90A0]  }
0xf9: {  	v0 =	vadd.bf16 v2, v0  }
0xfa: {  	v2 =	vld [tilespmem:s21+$0x90B0]  }
0xfb: {  	v0 =	vadd.bf16 v3, v0  }
0xfc: {  	v3 =	vld [tilespmem:s21+$0x90C0]  }
0xfd: {  	v0 =	vadd.bf16 v1, v0  }
0xfe: {  	v1 =	vld [tilespmem:s21+$0x90D0]  }
0xff: {  	v0 =	vadd.bf16 v2, v0  }
0x100: {  	v2 =	vld [tilespmem:s21+$0x90E0]  }
0x101: {  	v0 =	vadd.bf16 v3, v0  }
0x102: {  	v3 =	vld [tilespmem:s21+$0x90F0]  }
0x103: {  	v0 =	vadd.bf16 v1, v0;
	_ =	sdelay $0x1  }
0x104: {  	v0 =	vadd.bf16 v2, v0;
	_ =	sdelay $0x1  }
0x105: {  	v0 =	vadd.bf16 v3, v0  }
0x106: {  	s21 =	simm.s32 $0x11800  }
0x107: {  	s15 =	simm.s32 $0x100;
	[tilespmem:s21+$0x0] =	vst v0  }
0x108: {  	s16 =	simm.s32 $0x800;
	v0 =	vld [tilespmem:s15+$0x9010]  }
.LBB2_8:
0x109: {  	p1 =	sne.s32 s16, $0x1FC00;
	v1 =	vld [tilespmem:s15+$0x9000];
	_ =	sdelay $0x1  }
0x10a: {  	v2 =	vld [tilespmem:s15+$0x9020];
	_ =	sdelay $0x1  }
0x10b: {  	v3 =	vld [tilespmem:s15+$0x9030]  }
0x10c: {  	v0 =	vadd.bf16 v0, v1  }
0x10d: {  	v1 =	vld [tilespmem:s15+$0x9040]  }
0x10e: {  	v0 =	vadd.bf16 v2, v0  }
0x10f: {  	v2 =	vld [tilespmem:s15+$0x9050]  }
0x110: {  	v0 =	vadd.bf16 v3, v0  }
0x111: {  	v3 =	vld [tilespmem:s15+$0x9060]  }
0x112: {  	v0 =	vadd.bf16 v1, v0  }
0x113: {  	v1 =	vld [tilespmem:s15+$0x9070]  }
0x114: {  	v0 =	vadd.bf16 v2, v0  }
0x115: {  	v2 =	vld [tilespmem:s15+$0x9080]  }
0x116: {  	v0 =	vadd.bf16 v3, v0  }
0x117: {  	v3 =	vld [tilespmem:s15+$0x9090]  }
0x118: {  	v0 =	vadd.bf16 v1, v0  }
0x119: {  	v1 =	vld [tilespmem:s15+$0x90A0]  }
0x11a: {  	v0 =	vadd.bf16 v2, v0  }
0x11b: {  	v2 =	vld [tilespmem:s15+$0x90B0]  }
0x11c: {  	v0 =	vadd.bf16 v3, v0  }
0x11d: {  	v3 =	vld [tilespmem:s15+$0x90C0]  }
0x11e: {  	v0 =	vadd.bf16 v1, v0  }
0x11f: {  	v1 =	vld [tilespmem:s15+$0x90D0]  }
0x120: {  	v0 =	vadd.bf16 v2, v0  }
0x121: {  	v2 =	vld [tilespmem:s15+$0x90E0]  }
0x122: {  	v0 =	vadd.bf16 v3, v0  }
0x123: {  	v3 =	vld [tilespmem:s15+$0x90F0]  }
0x124: {  	v0 =	vadd.bf16 v1, v0;
	_ =	sdelay $0x1  }
0x125: {  	v0 =	vadd.bf16 v2, v0  }
.Ltmp5:
0x126: {  	(pc) =	sbr.rel @p1 .LBB2_8-.Ltmp5, $4  }
0x127: {  	v0 =	vadd.bf16 v3, v0  }
0x128: {  	s21 =	sadd.s32 $0x10, s21  }
0x129: {  	s15 =	sshra.s32 s16, $0x2;
	[tilespmem:s21+$0x0] =	vst v0  }
0x12a: {  	s16 =	sadd.s32 $0x400, s16;
	v0 =	vld [tilespmem:s15+$0x9010]  }
0x12b: {  	v1 =	vld [tilespmem:s15+$0x9000];
	_ =	sdelay $0x1  }
0x12c: {  	v2 =	vld [tilespmem:s15+$0x9020];
	_ =	sdelay $0x1  }
0x12d: {  	v3 =	vld [tilespmem:s15+$0x9030]  }
0x12e: {  	v0 =	vadd.bf16 v0, v1  }
0x12f: {  	v52 =	vld [tilespmem:s15+$0x9040]  }
0x130: {  	v0 =	vadd.bf16 v2, v0  }
0x131: {  	v53 =	vld [tilespmem:s15+$0x9050]  }
0x132: {  	v0 =	vadd.bf16 v3, v0  }
0x133: {  	v54 =	vld [tilespmem:s15+$0x9060]  }
0x134: {  	v0 =	vadd.bf16 v52, v0  }
0x135: {  	v55 =	vld [tilespmem:s15+$0x9070]  }
0x136: {  	v0 =	vadd.bf16 v53, v0  }
0x137: {  	v56 =	vld [tilespmem:s15+$0x9080]  }
0x138: {  	v0 =	vadd.bf16 v54, v0  }
0x139: {  	v57 =	vld [tilespmem:s15+$0x9090]  }
0x13a: {  	v0 =	vadd.bf16 v55, v0  }
0x13b: {  	v58 =	vld [tilespmem:s15+$0x90A0]  }
0x13c: {  	v0 =	vadd.bf16 v56, v0  }
0x13d: {  	v59 =	vld [tilespmem:s15+$0x90B0]  }
0x13e: {  	v0 =	vadd.bf16 v57, v0  }
0x13f: {  	v60 =	vld [tilespmem:s15+$0x90C0]  }
0x140: {  	v0 =	vadd.bf16 v58, v0  }
0x141: {  	v61 =	vld [tilespmem:s15+$0x90D0]  }
0x142: {  	v0 =	vadd.bf16 v59, v0  }
0x143: {  	v62 =	vld [tilespmem:s15+$0x90E0]  }
0x144: {  	v0 =	vadd.bf16 v60, v0  }
0x145: {  	v63 =	vld [tilespmem:s15+$0x90F0]  }
0x146: {  	v0 =	vadd.bf16 v61, v0;
	_ =	sdelay $0x1  }
0x147: {  	v0 =	vadd.bf16 v62, v0  }
.Ltmp6:
0x148: {  	_ = 	snop;
	(pc) =	sbr.rel @p0 .LBB2_11-.Ltmp6, $4  }
0x149: {  	v0 =	vadd.bf16 v63, v0  }
0x14a: {  	s21 =	sadd.s32 $0x10, s21  }
0x14b: {  	s14 =	sadd.s32 $0x100, s14;
	[tilespmem:s21+$0x0] =	vst v0  }
0x14c: {  	[hbm4b:s14+s2] =	stream.linear.scatter [tilespmem:s0], [sflag:$0x6], $0x800, $0x38;
	[tilespmem:$0x12000] =	vst v63  }
0x14d: {  	_ =	swait.ge [sflag:s12], $0x800  }
0x14e: {  	[sflag:s12] =	ssyncset.done $0x0  }
0x14f: {  	s14 =	simm.s32 $0x9000;
	[sflag:s12] =	ssyncadd.s32 $0xFFFFF800  }
0x150: {  	[tilespmem:s14], [sflag:$0x2] =	stream.indirect.gather [hbm4b:s3+s11], $0x10, s19, s11, $0xb8;
	[tilespmem:$0x12000] =	vst v63  }
0x151: {  	s21 =	simm.s32 $0x880;
	s15 =	simm.s32 $0x9800  }
0x152: {  	[tilespmem:s15], [sflag:$0x2] =	stream.indirect.gather [hbm4b:s3+s11], $0x10, s21, s11, $0xb8;
	[tilespmem:$0x12000] =	vst v63  }
0x153: {  	s16 =	simm.s32 $0x900;
	s17 =	simm.s32 $0xA000  }
0x154: {  	[tilespmem:s17], [sflag:$0x2] =	stream.indirect.gather [hbm4b:s3+s11], $0x10, s16, s11, $0xb8;
	[tilespmem:$0x12000] =	vst v63  }
0x155: {  	s18 =	simm.s32 $0x980;
	s21 =	simm.s32 $0xA800  }
0x156: {  	[tilespmem:s21], [sflag:$0x2] =	stream.indirect.gather [hbm4b:s3+s11], $0x10, s18, s11, $0xb8;
	[tilespmem:$0x12000] =	vst v63  }
0x157: {  	s16 =	simm.s32 $0xA00;
	s17 =	simm.s32 $0xB000  }
0x158: {  	[tilespmem:s17], [sflag:$0x2] =	stream.indirect.gather [hbm4b:s3+s11], $0x10, s16, s11, $0xb8;
	[tilespmem:$0x12000] =	vst v63  }
0x159: {  	s18 =	simm.s32 $0xA80;
	s21 =	simm.s32 $0xB800  }
0x15a: {  	[tilespmem:s21], [sflag:$0x2] =	stream.indirect.gather [hbm4b:s3+s11], $0x10, s18, s11, $0xb8;
	[tilespmem:$0x12000] =	vst v63  }
0x15b: {  	s16 =	simm.s32 $0xB00;
	s17 =	simm.s32 $0xC000  }
0x15c: {  	[tilespmem:s17], [sflag:$0x2] =	stream.indirect.gather [hbm4b:s3+s11], $0x10, s16, s11, $0xb8;
	[tilespmem:$0x12000] =	vst v63  }
0x15d: {  	s18 =	simm.s32 $0xB80;
	s21 =	simm.s32 $0xC800  }
0x15e: {  	[tilespmem:s21], [sflag:$0x2] =	stream.indirect.gather [hbm4b:s3+s11], $0x10, s18, s11, $0xb8;
	[tilespmem:$0x12000] =	vst v63  }
0x15f: {  	s16 =	simm.s32 $0xC00;
	s17 =	simm.s32 $0xD000  }
0x160: {  	[tilespmem:s17], [sflag:$0x2] =	stream.indirect.gather [hbm4b:s3+s11], $0x10, s16, s11, $0xb8;
	[tilespmem:$0x12000] =	vst v63  }
0x161: {  	s18 =	simm.s32 $0xC80;
	s21 =	simm.s32 $0xD800  }
0x162: {  	[tilespmem:s21], [sflag:$0x2] =	stream.indirect.gather [hbm4b:s3+s11], $0x10, s18, s11, $0xb8;
	[tilespmem:$0x12000] =	vst v63  }
0x163: {  	_ = 	snop  }
0x164: {  	[tilespmem:s5], [sflag:$0x2] =	stream.indirect.gather [hbm4b:s3+s11], $0x10, s20, s11, $0xb8;
	[tilespmem:$0x12000] =	vst v63  }
0x165: {  	_ = 	snop  }
0x166: {  	[tilespmem:s4], [sflag:$0x2] =	stream.indirect.gather [hbm4b:s3+s11], $0x10, s9, s11, $0xb8;
	[tilespmem:$0x12000] =	vst v63  }
0x167: {  	_ = 	snop  }
0x168: {  	[tilespmem:s22], [sflag:$0x2] =	stream.indirect.gather [hbm4b:s3+s11], $0x10, s10, s11, $0xb8;
	[tilespmem:$0x12000] =	vst v63  }
0x169: {  	_ = 	snop  }
0x16a: {  	[tilespmem:s24], [sflag:$0x2] =	stream.indirect.gather [hbm4b:s3+s11], $0x10, s23, s11, $0xb8;
	[tilespmem:$0x12000] =	vst v63  }
.Ltmp7:
0x16b: {  	_ = 	snop;
	(pc) =	sbr.rel .LBB2_2-.Ltmp7, $4  }
0x16c: {  	_ = 	snop  }
0x16d: {  	[tilespmem:s26], [sflag:$0x2] =	stream.indirect.gather [hbm4b:s3+s11], $0x10, s25, s11, $0xb8;
	[tilespmem:$0x12000] =	vst v63  }
0x16e: {  	s13 =	sadd.s32 $0x1, s13  }
0x16f: {  	[tilespmem:s29], [sflag:$0x2] =	stream.indirect.gather [hbm4b:s3+s11], $0x10, s28, s11, $0xb8;
	[tilespmem:$0x12000] =	vst v63  }
.LBB2_12:
0x170: {  	_ =	sfence.sel $0x180000  }
0x171: {  	[bflag:$0x0] =	sbarrier.arrive $0xFFFF  }
0x172: {  	_ =	strace $0x90000047  }
0x173: {  	s0 =	stileid.u32;
	[bflag:$0x2] =	sbarrier.arrive $0xFFFF  }
0x174: {  	p0 =	sne.s32 s0, $0x0;
	s0 =	rddreg [dreg:$0x2]  }
0x175: {  	s0 =	sadd.s32 @!p0 $0x100000, s0  }
0x176: {  	[sflag:s0] =	ssyncadd.tile.s32 @!p0 $0x1;
	_ =	shalt  }
.Lfunc_end2:
_tile_overlayer_lowered:
.L_overlay_start_2:
0x177: {  	(tag) =	ssettag $0x2  }
0x178: {  	s0 =	rddreg [dreg:$0x0];
	s2 =	stileid.u32  }
0x179: {  	s1 =	rddreg [dreg:$0x1];
	p0 =	sne.s32 s2, $0x0  }
0x17a: {  	s3 =	rddreg [dreg:$0x2];
	[bflag:$0x3] =	sbarrier.arrive $0xFFFF;
	s2 =	simm.s32 @!p0 $0x1C07  }
0x17b: {  	[timem:s3], [sflag:s2] =	dma.local @!p0 [hbm:s0], s1  }
0x17c: {  	s0 =	simm.s32 @!p0 $0x7  }
0x17d: {  	_ =	swait.ge @!p0 [sflag:s0], s1  }
0x17e: {  	s1 =	ssub.s32 @!p0 $0x0, s1;
	[sflag:s0] =	ssyncset.done @!p0 $0x0  }
0x17f: {  	[sflag:s0] =	ssyncadd.s32 @!p0 s1  }
0x180: {  	[bflag:$0x3] =	sbarrier.arrive $0xFFFF  }
0x181: {  	_ =	shalt  }

</sc_bundles>
